<compile_context>
chip_gen: v7x
topology: tpu7x:2x2x1
jax: 0.10.2.dev20260603
libtpu: 0.0.44.dev20260713+nightly
codegen_flags: <defaults>
</compile_context>

<pallas_src>
import functools

import jax
import jax.numpy as jnp
from jax import lax
from jax.experimental import pallas as pl
from jax.experimental.pallas import tpu as pltpu
from jax.experimental.pallas import tpu_sc as plsc

_K = 24
_KPAD = 32
_R = 256
_T = 1280
_DPAD = 128



def _sc_gather_rows(table_pad, idx_grouped, n_rows_out):
    info = plsc.get_sparse_core_info()
    nc, ns = info.num_cores, info.num_subcores
    nw = nc * ns
    b_per_w = n_rows_out // nw
    n_chunks = b_per_w // 128
    mesh = plsc.VectorSubcoreMesh(core_axis_name="c", subcore_axis_name="s")

    @functools.partial(
        pl.kernel,
        mesh=mesh,
        out_type=jax.ShapeDtypeStruct((n_rows_out, _DPAD), jnp.float32),
        scratch_types=[
            pltpu.VMEM((n_chunks, 128), jnp.int32),
            pltpu.VMEM((b_per_w, _DPAD), jnp.float32),
            pltpu.SemaphoreType.DMA,
        ],
    )
    def k(table_hbm, idx_hbm, out_hbm, idx_v, rows_v, sem):
        wid = lax.axis_index("s") * nc + lax.axis_index("c")
        pltpu.sync_copy(idx_hbm.at[wid], idx_v)
        for ci in range(n_chunks):
            pltpu.async_copy(
                table_hbm.at[idx_v.at[ci]],
                rows_v.at[pl.ds(ci * 128, 128)],
                sem,
            ).wait()
        pltpu.sync_copy(rows_v, out_hbm.at[pl.ds(wid * b_per_w, b_per_w)])

    return k(table_pad, idx_grouped)



def _sc_edge_d2(xt, yt, zt, src, dst):
    info = plsc.get_sparse_core_info()
    nc, ns = info.num_cores, info.num_subcores
    nw = nc * ns
    n_edges = src.shape[0]
    n_nodes = xt.shape[0]
    e_per_w = n_edges // nw
    n_vec = e_per_w // 16
    mesh = plsc.VectorSubcoreMesh(core_axis_name="c", subcore_axis_name="s")

    @functools.partial(
        pl.kernel,
        mesh=mesh,
        out_type=jax.ShapeDtypeStruct((n_edges,), jnp.float32),
        compiler_params=pltpu.CompilerParams(needs_layout_passes=False),
        scratch_types=[
            pltpu.VMEM((n_nodes,), jnp.float32),
            pltpu.VMEM((n_nodes,), jnp.float32),
            pltpu.VMEM((n_nodes,), jnp.float32),
            pltpu.VMEM((e_per_w,), jnp.int32),
            pltpu.VMEM((e_per_w,), jnp.int32),
            pltpu.VMEM((e_per_w,), jnp.float32),
        ],
    )
    def k(xt_hbm, yt_hbm, zt_hbm, src_hbm, dst_hbm, out_hbm,
          x_v, y_v, z_v, src_v, dst_v, d2_v):
        wid = lax.axis_index("s") * nc + lax.axis_index("c")
        base = wid * e_per_w
        pltpu.sync_copy(xt_hbm, x_v)
        pltpu.sync_copy(yt_hbm, y_v)
        pltpu.sync_copy(zt_hbm, z_v)
        pltpu.sync_copy(src_hbm.at[pl.ds(base, e_per_w)], src_v)
        pltpu.sync_copy(dst_hbm.at[pl.ds(base, e_per_w)], dst_v)

        @pl.loop(0, n_vec)
        def body(j):
            o = j * 16
            isrc = src_v[pl.ds(o, 16)]
            idst = dst_v[pl.ds(o, 16)]
            dx = plsc.load_gather(x_v, [isrc]) - plsc.load_gather(x_v, [idst])
            dy = plsc.load_gather(y_v, [isrc]) - plsc.load_gather(y_v, [idst])
            dz = plsc.load_gather(z_v, [isrc]) - plsc.load_gather(z_v, [idst])
            d2_v[pl.ds(o, 16)] = (dx * dx + dy * dy) + dz * dz

        pltpu.sync_copy(d2_v, out_hbm.at[pl.ds(base, e_per_w)])

    return k(xt, yt, zt, src, dst)



def _tc_body(meta_ref, rows_ref, colst_ref, idx_ref, sel, cid):
    b = pl.program_id(0)
    lo = meta_ref[b, 0]
    nt = meta_ref[b, 1]

    rows = rows_ref[...]
    rx = rows[:, 0:1]
    ry = rows[:, 1:2]
    rz = rows[:, 2:3]
    rb = rows[:, 3:4]
    rsq = rows[:, 4:5]
    lhs_z = jnp.where(
        lax.broadcasted_iota(jnp.int32, (_R, 8), 1) < 3, rows,
        jnp.float32(0.0))
    row_ids = b * _R + lax.broadcasted_iota(jnp.int32, (_R, 1), 0)

    inf = jnp.float32(3.0e38)
    bigi = jnp.int32(2**30)

    def build(t, carry):
        bv, bi = carry
        mcols = colst_ref.shape[1]
        w = pl.multiple_of(t * _T, _T)
        c = pl.multiple_of(jnp.minimum(lo + w, mcols - _T), 128)
        colt = colst_ref[:, pl.ds(c, _T)]
        rhs_z = jnp.where(
            lax.broadcasted_iota(jnp.int32, (8, _T), 0) < 3, colt,
            jnp.float32(0.0))
        gram = lax.dot_general(
            lhs_z, rhs_z, (((1,), (0,)), ((), ())),
            preferred_element_type=jnp.float32,
            precision=lax.Precision.DEFAULT)
        d2 = (rsq + colt[4:5, :]) - jnp.float32(2.0) * gram
        d2 = jnp.maximum(d2, jnp.float32(0.0))
        colid = c + lax.broadcasted_iota(jnp.int32, (_R, _T), 1)
        d2 = jnp.where(rb == colt[3:4, :], d2, jnp.float32(1e30))
        cidf = colid.astype(jnp.float32)
        d2 = jnp.where(colid == row_ids, inf, d2)
        sel[:, pl.ds(w, _T)] = d2
        cid[:, pl.ds(w, _T)] = cidf
        tv = jnp.min(d2, axis=1, keepdims=True)
        ti = jnp.min(jnp.where(d2 == tv, cidf, inf), axis=1, keepdims=True)
        upd = tv < bv
        return jnp.where(upd, tv, bv), jnp.where(upd, ti, bi)

    carry0 = build(0, (jnp.full((_R, 1), inf, jnp.float32),
                       jnp.full((_R, 1), inf, jnp.float32)))
    _, bi1 = lax.fori_loop(1, nt, build, carry0)

    idxs = [row_ids.astype(jnp.float32), bi1]
    for kk in range(2, _K):
        prev = idxs[-1]

        def step(t, carry, prev=prev):
            bv, bi = carry
            w = pl.multiple_of(t * _T, _T)
            colid = cid[:, pl.ds(w, _T)]
            m = jnp.where(colid == prev, inf, sel[:, pl.ds(w, _T)])
            sel[:, pl.ds(w, _T)] = m
            tv = jnp.min(m, axis=1, keepdims=True)
            ti = jnp.min(jnp.where(m == tv, colid, inf), axis=1,
                         keepdims=True)
            upd = tv < bv
            return jnp.where(upd, tv, bv), jnp.where(upd, ti, bi)

        carry0 = step(0, (jnp.full((_R, 1), inf, jnp.float32),
                          jnp.full((_R, 1), inf, jnp.float32)))
        _, bi = lax.fori_loop(1, nt, step, carry0)
        idxs.append(bi)

    pad = _KPAD - _K
    allif = jnp.concatenate(idxs + [jnp.zeros((_R, pad), jnp.float32)], axis=1)
    idx_ref[...] = allif.astype(jnp.int32)


def _tc_knn_topk(meta, rows_arr, colst, m, interpret=False):
    nb = m // _R
    return pl.pallas_call(
        _tc_body,
        grid_spec=pltpu.PrefetchScalarGridSpec(
            num_scalar_prefetch=1,
            grid=(nb,),
            in_specs=[
                pl.BlockSpec((_R, 8), lambda b, meta: (b, 0)),
                pl.BlockSpec((8, m), lambda b, meta: (0, 0)),
            ],
            out_specs=[
                pl.BlockSpec((_R, _KPAD), lambda b, meta: (b, 0)),
            ],
            scratch_shapes=[pltpu.VMEM((_R, -(-m // _T) * _T), jnp.float32),
                            pltpu.VMEM((_R, -(-m // _T) * _T), jnp.float32)],
        ),
        out_shape=[
            jax.ShapeDtypeStruct((m, _KPAD), jnp.int32),
        ],
        compiler_params=pltpu.CompilerParams(
            dimension_semantics=("parallel",)),
        interpret=interpret,
    )(meta, rows_arr, colst)


def _window_meta(batch, m):
    bfirst = batch[:: _R]
    blast = batch[_R - 1 :: _R]
    lo = jnp.searchsorted(batch, bfirst, side="left").astype(jnp.int32)
    hi = jnp.searchsorted(batch, blast, side="right").astype(jnp.int32)
    lo_a = (lo // 128) * 128
    nt = (hi - lo_a + _T - 1) // _T
    return jnp.stack([lo_a, nt], axis=1).astype(jnp.int32)


def kernel(x, pos, edge_index, edge_weight, batch, perm, score, i):
    m = perm.shape[0]

    table_pad = jnp.pad(pos, ((0, 0), (0, _DPAD - pos.shape[1])))
    idx_grouped = perm.reshape(32, -1, 128)
    pos_p16 = _sc_gather_rows(table_pad, idx_grouped, m)
    pos_p = pos_p16[:, :3]

    batch_f = batch.astype(jnp.float32)
    sq = jnp.sum(pos_p * pos_p, axis=1)
    rows_arr = jnp.concatenate(
        [pos_p, batch_f[:, None], sq[:, None], jnp.zeros((m, 3), jnp.float32)],
        axis=1,
    )
    colst = rows_arr.T
    meta = _window_meta(batch, m)

    (idx_out,) = _tc_knn_topk(meta, rows_arr, colst, m)
    nbr = idx_out[:, :_K]

    src = nbr.reshape(-1)
    dst = jnp.repeat(jnp.arange(m, dtype=jnp.int32), _K)
    ei_new = jnp.stack([src, dst], axis=0)
    d2e = _sc_edge_d2(pos_p[:, 0], pos_p[:, 1], pos_p[:, 2], src, dst)
    dist = jnp.sqrt(jnp.maximum(d2e, jnp.float32(1e-12)))
    ew_new = dist / jnp.maximum(jnp.max(dist), jnp.float32(1e-12))
    return (x, pos_p, ei_new, ew_new, batch, perm, score)

# --- scband reference (transcript-rebuilt; emitter-appended) ---
"""Pipeline reference for scband-knn-edges-20968030339127 (READ-ONLY COPY).

The authoritative reference and input builder live on the scoring server;
editing this copy changes nothing except your own understanding.
"""

import jax, jax.numpy as jnp
import numpy as np

START_K = 16
K_INCREMENT = 4
N_NODES = 16384
M = 8192
E_OLD = 131072
N_GRAPHS = 8
D_FEAT = 128


def setup_inputs(seed: int = 0):
    key = jax.random.key(seed)
    k0, k1, k2, k3, k4, k5, k6 = jax.random.split(key, 7)
    x = jax.random.normal(k0, (M, D_FEAT), dtype=jnp.float32)
    pos = jax.random.normal(k1, (N_NODES, 3), dtype=jnp.float32)
    edge_index = jax.random.randint(k2, (2, E_OLD), 0, N_NODES, dtype=jnp.int32)
    edge_weight = jax.random.uniform(k3, (E_OLD,), dtype=jnp.float32)
    batch = jnp.sort(jax.random.randint(k4, (M,), 0, N_GRAPHS, dtype=jnp.int32))
    perm = jax.random.randint(k5, (M,), 0, N_NODES, dtype=jnp.int32)
    score = jax.random.uniform(k6, (M,), dtype=jnp.float32)
    return {"x": x, "pos": pos, "edge_index": edge_index,
            "edge_weight": edge_weight, "batch": batch, "perm": perm,
            "score": score, "i": 2}


def _knn_graph(pos_p, batch, k):
    # brute-force batched kNN with self-loops (loop=True), flow source_to_target
    m = pos_p.shape[0]
    sq = jnp.sum(pos_p * pos_p, axis=1)
    d2 = sq[:, None] + sq[None, :] - 2.0 * (pos_p @ pos_p.T)
    d2 = jnp.maximum(d2, 0.0)
    same = batch[:, None] == batch[None, :]
    d2 = jnp.where(same, d2, jnp.float32(1e30))
    ar = jnp.arange(m)
    d2 = d2.at[ar, ar].set(-1.0)  # guarantee self is included (loop=True)
    _, nbr = jax.lax.top_k(-d2, k)
    src = nbr.reshape(-1)               # neighbor (source)
    dst = jnp.repeat(ar, k)             # center node (target)
    return jnp.stack([src, dst], axis=0)


def reference(x, pos, edge_index, edge_weight, batch, perm, score, i):
    k = START_K + K_INCREMENT * 2
    k_traced = START_K + K_INCREMENT * jnp.asarray(i)
    pos_p = pos[perm]
    ei_new = _knn_graph(pos_p, batch, k)
    src, dst = ei_new[0], ei_new[1]
    # Distance(cat=False, norm=True): edge_attr[:, 0] = ||pos[src]-pos[dst]|| / max
    diff = pos_p[src] - pos_p[dst]
    dist = jnp.sqrt(jnp.maximum(jnp.sum(diff * diff, axis=1), 1e-12))
    ew_new = dist / jnp.maximum(jnp.max(dist), 1e-12)
    ew_new = jnp.where(k_traced == k, ew_new, ew_new)
    return (x, pos_p, ei_new, ew_new, batch, perm, score)

if __name__ == "__main__":
    import jax
    _d = setup_inputs()
    print(jax.jit(kernel)(*tuple(_d.values())))

</pallas_src>

<mosaic_0001>
#map = affine_map<(d0, d1) -> (0)>
module attributes {stable_mosaic.version = 14 : i64} {
  func.func @k(%arg0: i32, %arg1: i32, %arg2: memref<8192xf32, #tpu.memory_space<hbm>>, %arg3: memref<8192xf32, #tpu.memory_space<hbm>>, %arg4: memref<8192xf32, #tpu.memory_space<hbm>>, %arg5: memref<196608xi32, #tpu.memory_space<hbm>>, %arg6: memref<196608xi32, #tpu.memory_space<hbm>>, %arg7: memref<196608xf32, #tpu.memory_space<hbm>>, %arg8: memref<8192xf32, #tpu.memory_space<vmem>>, %arg9: memref<8192xf32, #tpu.memory_space<vmem>>, %arg10: memref<8192xf32, #tpu.memory_space<vmem>>, %arg11: memref<6144xi32, #tpu.memory_space<vmem>>, %arg12: memref<6144xi32, #tpu.memory_space<vmem>>, %arg13: memref<6144xf32, #tpu.memory_space<vmem>>) attributes {dimension_semantics = [#tpu.dimension_semantics<core_parallel>, #tpu.dimension_semantics<subcore_parallel>], iteration_bounds = array<i64: 2, 16>, scalar_prefetch = 0 : i64, scratch_operands = 6 : i64, tpu.core_type = #tpu.core_type<sc_vector_subcore>, window_params = [{transform_indices = #map}, {transform_indices = #map}, {transform_indices = #map}, {transform_indices = #map}, {transform_indices = #map}, {transform_indices = #map}]} {
    %mul3A = arith.constant 2 : i32
    %mul3A_0 = arith.muli %arg1, %mul3A : i32
    %add3A = arith.addi %mul3A_0, %arg0 : i32
    %mul3A_1 = arith.constant 6144 : i32
    %mul3A_2 = arith.muli %add3A, %mul3A_1 : i32
    "tpu.region"() ({
      %run_scoped3A = tpu.sem_alloc : memref<!tpu.dma_semaphore, #tpu.memory_space<semaphore_mem>>
      tpu.enqueue_dma source(%arg2 : memref<8192xf32, #tpu.memory_space<hbm>>) target(%arg8 : memref<8192xf32, #tpu.memory_space<vmem>>) target_semaphore(%run_scoped3A : memref<!tpu.dma_semaphore, #tpu.memory_space<semaphore_mem>>)
      tpu.wait_dma2 semaphore(%run_scoped3A : memref<!tpu.dma_semaphore, #tpu.memory_space<semaphore_mem>>) src(%arg2 : memref<8192xf32, #tpu.memory_space<hbm>>) dst(%arg8 : memref<8192xf32, #tpu.memory_space<vmem>>)
      tpu.yield
    }) : () -> ()
    "tpu.region"() ({
      %run_scoped3A = tpu.sem_alloc : memref<!tpu.dma_semaphore, #tpu.memory_space<semaphore_mem>>
      tpu.enqueue_dma source(%arg3 : memref<8192xf32, #tpu.memory_space<hbm>>) target(%arg9 : memref<8192xf32, #tpu.memory_space<vmem>>) target_semaphore(%run_scoped3A : memref<!tpu.dma_semaphore, #tpu.memory_space<semaphore_mem>>)
      tpu.wait_dma2 semaphore(%run_scoped3A : memref<!tpu.dma_semaphore, #tpu.memory_space<semaphore_mem>>) src(%arg3 : memref<8192xf32, #tpu.memory_space<hbm>>) dst(%arg9 : memref<8192xf32, #tpu.memory_space<vmem>>)
      tpu.yield
    }) : () -> ()
    "tpu.region"() ({
      %run_scoped3A = tpu.sem_alloc : memref<!tpu.dma_semaphore, #tpu.memory_space<semaphore_mem>>
      tpu.enqueue_dma source(%arg4 : memref<8192xf32, #tpu.memory_space<hbm>>) target(%arg10 : memref<8192xf32, #tpu.memory_space<vmem>>) target_semaphore(%run_scoped3A : memref<!tpu.dma_semaphore, #tpu.memory_space<semaphore_mem>>)
      tpu.wait_dma2 semaphore(%run_scoped3A : memref<!tpu.dma_semaphore, #tpu.memory_space<semaphore_mem>>) src(%arg4 : memref<8192xf32, #tpu.memory_space<hbm>>) dst(%arg10 : memref<8192xf32, #tpu.memory_space<vmem>>)
      tpu.yield
    }) : () -> ()
    "tpu.region"() ({
      %run_scoped3A = tpu.sem_alloc : memref<!tpu.dma_semaphore, #tpu.memory_space<semaphore_mem>>
      %dma_start3A = tpu.memref_slice %arg5[%mul3A_2] : memref<196608xi32, #tpu.memory_space<hbm>> -> memref<6144xi32, #tpu.memory_space<hbm>>
      %dma_start3A_7 = tpu.memref_slice %arg5[%mul3A_2] : memref<196608xi32, #tpu.memory_space<hbm>> -> memref<6144xi32, #tpu.memory_space<hbm>>
      tpu.enqueue_dma source(%dma_start3A_7 : memref<6144xi32, #tpu.memory_space<hbm>>) target(%arg11 : memref<6144xi32, #tpu.memory_space<vmem>>) target_semaphore(%run_scoped3A : memref<!tpu.dma_semaphore, #tpu.memory_space<semaphore_mem>>)
      %dma_wait3A = tpu.memref_slice %arg5[%mul3A_2] : memref<196608xi32, #tpu.memory_space<hbm>> -> memref<6144xi32, #tpu.memory_space<hbm>>
      %dma_wait3A_8 = tpu.memref_slice %arg5[%mul3A_2] : memref<196608xi32, #tpu.memory_space<hbm>> -> memref<6144xi32, #tpu.memory_space<hbm>>
      tpu.wait_dma2 semaphore(%run_scoped3A : memref<!tpu.dma_semaphore, #tpu.memory_space<semaphore_mem>>) src(%dma_wait3A_8 : memref<6144xi32, #tpu.memory_space<hbm>>) dst(%arg11 : memref<6144xi32, #tpu.memory_space<vmem>>)
      tpu.yield
    }) : () -> ()
    "tpu.region"() ({
      %run_scoped3A = tpu.sem_alloc : memref<!tpu.dma_semaphore, #tpu.memory_space<semaphore_mem>>
      %dma_start3A = tpu.memref_slice %arg6[%mul3A_2] : memref<196608xi32, #tpu.memory_space<hbm>> -> memref<6144xi32, #tpu.memory_space<hbm>>
      %dma_start3A_7 = tpu.memref_slice %arg6[%mul3A_2] : memref<196608xi32, #tpu.memory_space<hbm>> -> memref<6144xi32, #tpu.memory_space<hbm>>
      tpu.enqueue_dma source(%dma_start3A_7 : memref<6144xi32, #tpu.memory_space<hbm>>) target(%arg12 : memref<6144xi32, #tpu.memory_space<vmem>>) target_semaphore(%run_scoped3A : memref<!tpu.dma_semaphore, #tpu.memory_space<semaphore_mem>>)
      %dma_wait3A = tpu.memref_slice %arg6[%mul3A_2] : memref<196608xi32, #tpu.memory_space<hbm>> -> memref<6144xi32, #tpu.memory_space<hbm>>
      %dma_wait3A_8 = tpu.memref_slice %arg6[%mul3A_2] : memref<196608xi32, #tpu.memory_space<hbm>> -> memref<6144xi32, #tpu.memory_space<hbm>>
      tpu.wait_dma2 semaphore(%run_scoped3A : memref<!tpu.dma_semaphore, #tpu.memory_space<semaphore_mem>>) src(%dma_wait3A_8 : memref<6144xi32, #tpu.memory_space<hbm>>) dst(%arg12 : memref<6144xi32, #tpu.memory_space<vmem>>)
      tpu.yield
    }) : () -> ()
    %scan3A = arith.constant 0 : i32
    %scan3A_3 = arith.constant 384 : i32
    %scan3A_4 = arith.addi %scan3A, %scan3A_3 : i32
    %scan3A_5 = arith.constant 1 : i32
    scf.for %scan3A_7 = %scan3A to %scan3A_4 step %scan3A_5  : i32 {
      %mul3A_8 = arith.constant 1 : i32
      %mul3A_9 = arith.muli %scan3A_7, %mul3A_8 : i32
      %add3A_10 = arith.constant 0 : i32
      %add3A_11 = arith.addi %add3A_10, %mul3A_9 : i32
      %mul3A_12 = arith.constant 16 : i32
      %mul3A_13 = arith.muli %add3A_11, %mul3A_12 : i32
      %get3A = arith.index_cast %mul3A_13 : i32 to index
      %get3A_14 = tpu.vector_load %arg11[%get3A] {strides = array<i32>} : memref<6144xi32, #tpu.memory_space<vmem>>, vector<16xi32>,
      %get3A_15 = arith.index_cast %mul3A_13 : i32 to index
      %get3A_16 = tpu.vector_load %arg12[%get3A_15] {strides = array<i32>} : memref<6144xi32, #tpu.memory_space<vmem>>, vector<16xi32>,
      %gather3A = tpu.vector_load_idx %arg8[%get3A_14] : memref<8192xf32, #tpu.memory_space<vmem>>[vector<16xi32>], vector<16xf32>,
      %gather3A_17 = tpu.vector_load_idx %arg8[%get3A_16] : memref<8192xf32, #tpu.memory_space<vmem>>[vector<16xi32>], vector<16xf32>,
      %sub3A = arith.subf %gather3A, %gather3A_17 : vector<16xf32>
      %gather3A_18 = tpu.vector_load_idx %arg9[%get3A_14] : memref<8192xf32, #tpu.memory_space<vmem>>[vector<16xi32>], vector<16xf32>,
      %gather3A_19 = tpu.vector_load_idx %arg9[%get3A_16] : memref<8192xf32, #tpu.memory_space<vmem>>[vector<16xi32>], vector<16xf32>,
      %sub3A_20 = arith.subf %gather3A_18, %gather3A_19 : vector<16xf32>
      %gather3A_21 = tpu.vector_load_idx %arg10[%get3A_14] : memref<8192xf32, #tpu.memory_space<vmem>>[vector<16xi32>], vector<16xf32>,
      %gather3A_22 = tpu.vector_load_idx %arg10[%get3A_16] : memref<8192xf32, #tpu.memory_space<vmem>>[vector<16xi32>], vector<16xf32>,
      %sub3A_23 = arith.subf %gather3A_21, %gather3A_22 : vector<16xf32>
      %mul3A_24 = arith.mulf %sub3A, %sub3A : vector<16xf32>
      %mul3A_25 = arith.mulf %sub3A_20, %sub3A_20 : vector<16xf32>
      %add3A_26 = arith.addf %mul3A_24, %mul3A_25 : vector<16xf32>
      %mul3A_27 = arith.mulf %sub3A_23, %sub3A_23 : vector<16xf32>
      %add3A_28 = arith.addf %add3A_26, %mul3A_27 : vector<16xf32>
      %swap3A = arith.index_cast %mul3A_13 : i32 to index
      %swap3A_29 = tpu.vector_load %arg13[%swap3A] {strides = array<i32>} : memref<6144xf32, #tpu.memory_space<vmem>>, vector<16xf32>,
      tpu.vector_store %arg13[%swap3A], %add3A_28 {strides = array<i32>} : memref<6144xf32, #tpu.memory_space<vmem>>, vector<16xf32>,
    }
    %scan3A_6 = arith.constant 384 : i32
    "tpu.region"() ({
      %run_scoped3A = tpu.sem_alloc : memref<!tpu.dma_semaphore, #tpu.memory_space<semaphore_mem>>
      %dma_start3A = tpu.memref_slice %arg7[%mul3A_2] : memref<196608xf32, #tpu.memory_space<hbm>> -> memref<6144xf32, #tpu.memory_space<hbm>>
      %dma_start3A_7 = tpu.memref_slice %arg7[%mul3A_2] : memref<196608xf32, #tpu.memory_space<hbm>> -> memref<6144xf32, #tpu.memory_space<hbm>>
      tpu.enqueue_dma source(%arg13 : memref<6144xf32, #tpu.memory_space<vmem>>) target(%dma_start3A_7 : memref<6144xf32, #tpu.memory_space<hbm>>) target_semaphore(%run_scoped3A : memref<!tpu.dma_semaphore, #tpu.memory_space<semaphore_mem>>)
      %dma_wait3A = tpu.memref_slice %arg7[%mul3A_2] : memref<196608xf32, #tpu.memory_space<hbm>> -> memref<6144xf32, #tpu.memory_space<hbm>>
      %dma_wait3A_8 = tpu.memref_slice %arg7[%mul3A_2] : memref<196608xf32, #tpu.memory_space<hbm>> -> memref<6144xf32, #tpu.memory_space<hbm>>
      tpu.wait_dma2 semaphore(%run_scoped3A : memref<!tpu.dma_semaphore, #tpu.memory_space<semaphore_mem>>) src(%arg13 : memref<6144xf32, #tpu.memory_space<vmem>>) dst(%dma_wait3A_8 : memref<6144xf32, #tpu.memory_space<hbm>>)
      tpu.yield
    }) : () -> ()
    return
  }
}

#map = affine_map<(d0, d1) -> (0, 0)>
#map1 = affine_map<(d0, d1) -> (0, 0, 0)>
module attributes {stable_mosaic.version = 14 : i64} {
  func.func @k(%arg0: i32, %arg1: i32, %arg2: memref<16384x128xf32, #tpu.memory_space<hbm>>, %arg3: memref<32x2x128xi32, #tpu.memory_space<hbm>>, %arg4: memref<8192x128xf32, #tpu.memory_space<hbm>>, %arg5: memref<2x128xi32, #tpu.memory_space<vmem>>, %arg6: memref<256x128xf32, #tpu.memory_space<vmem>>, %arg7: memref<!tpu.dma_semaphore, #tpu.memory_space<semaphore_mem>>) attributes {dimension_semantics = [#tpu.dimension_semantics<core_parallel>, #tpu.dimension_semantics<subcore_parallel>], iteration_bounds = array<i64: 2, 16>, scalar_prefetch = 0 : i64, scratch_operands = 3 : i64, tpu.core_type = #tpu.core_type<sc_vector_subcore>, window_params = [{transform_indices = #map}, {transform_indices = #map1}, {transform_indices = #map}]} {
    %mul3A = arith.constant 2 : i32
    %mul3A_0 = arith.muli %arg1, %mul3A : i32
    %add3A = arith.addi %mul3A_0, %arg0 : i32
    "tpu.region"() ({
      %run_scoped3A = tpu.sem_alloc : memref<!tpu.dma_semaphore, #tpu.memory_space<semaphore_mem>>
      %dma_start3A_41 = arith.constant 0 : i32
      %dma_start3A_42 = arith.constant 0 : i32
      %dma_start3A_43 = tpu.memref_slice %arg3[%add3A, %dma_start3A_41, %dma_start3A_42] : memref<32x2x128xi32, #tpu.memory_space<hbm>> -> memref<1x2x128xi32, #tpu.memory_space<hbm>>
      %dma_start3A_44 = tpu.memref_squeeze %dma_start3A_43 : memref<1x2x128xi32, #tpu.memory_space<hbm>> -> memref<2x128xi32, #tpu.memory_space<hbm>>
      %dma_start3A_45 = arith.constant 0 : i32
      %dma_start3A_46 = arith.constant 0 : i32
      %dma_start3A_47 = tpu.memref_slice %arg3[%add3A, %dma_start3A_45, %dma_start3A_46] : memref<32x2x128xi32, #tpu.memory_space<hbm>> -> memref<1x2x128xi32, #tpu.memory_space<hbm>>
      %dma_start3A_48 = tpu.memref_squeeze %dma_start3A_47 : memref<1x2x128xi32, #tpu.memory_space<hbm>> -> memref<2x128xi32, #tpu.memory_space<hbm>>
      tpu.enqueue_dma source(%dma_start3A_48 : memref<2x128xi32, #tpu.memory_space<hbm>>) target(%arg5 : memref<2x128xi32, #tpu.memory_space<vmem>>) target_semaphore(%run_scoped3A : memref<!tpu.dma_semaphore, #tpu.memory_space<semaphore_mem>>)
      %dma_wait3A_49 = arith.constant 0 : i32
      %dma_wait3A_50 = arith.constant 0 : i32
      %dma_wait3A_51 = tpu.memref_slice %arg3[%add3A, %dma_wait3A_49, %dma_wait3A_50] : memref<32x2x128xi32, #tpu.memory_space<hbm>> -> memref<1x2x128xi32, #tpu.memory_space<hbm>>
      %dma_wait3A_52 = tpu.memref_squeeze %dma_wait3A_51 : memref<1x2x128xi32, #tpu.memory_space<hbm>> -> memref<2x128xi32, #tpu.memory_space<hbm>>
      %dma_wait3A_53 = arith.constant 0 : i32
      %dma_wait3A_54 = arith.constant 0 : i32
      %dma_wait3A_55 = tpu.memref_slice %arg3[%add3A, %dma_wait3A_53, %dma_wait3A_54] : memref<32x2x128xi32, #tpu.memory_space<hbm>> -> memref<1x2x128xi32, #tpu.memory_space<hbm>>
      %dma_wait3A_56 = tpu.memref_squeeze %dma_wait3A_55 : memref<1x2x128xi32, #tpu.memory_space<hbm>> -> memref<2x128xi32, #tpu.memory_space<hbm>>
      tpu.wait_dma2 semaphore(%run_scoped3A : memref<!tpu.dma_semaphore, #tpu.memory_space<semaphore_mem>>) src(%dma_wait3A_56 : memref<2x128xi32, #tpu.memory_space<hbm>>) dst(%arg5 : memref<2x128xi32, #tpu.memory_space<vmem>>)
      tpu.yield
    }) : () -> ()
    %dma_start3A = arith.constant 0 : i32
    %dma_start3A_1 = arith.constant 0 : i32
    %dma_start3A_2 = arith.constant 0 : i32
    %dma_start3A_3 = tpu.memref_slice %arg6[%dma_start3A_1, %dma_start3A_2] : memref<256x128xf32, #tpu.memory_space<vmem>> -> memref<128x128xf32, #tpu.memory_space<vmem>>
    %dma_start3A_4 = arith.constant 0 : i32
    %dma_start3A_5 = tpu.memref_slice %arg5[%dma_start3A, %dma_start3A_4] : memref<2x128xi32, #tpu.memory_space<vmem>> -> memref<1x128xi32, #tpu.memory_space<vmem>>
    %dma_start3A_6 = tpu.memref_squeeze %dma_start3A_5 : memref<1x128xi32, #tpu.memory_space<vmem>> -> memref<128xi32, #tpu.memory_space<vmem>>
    %dma_start3A_7 = arith.constant 0 : i32
    %dma_start3A_8 = arith.constant 0 : i32
    %dma_start3A_9 = tpu.memref_slice %arg2[%dma_start3A_7, %dma_start3A_8] : memref<16384x128xf32, #tpu.memory_space<hbm>> -> memref<16384x128xf32, #tpu.memory_space<hbm>>
    tpu.enqueue_indirect_dma source(%dma_start3A_9 : memref<16384x128xf32, #tpu.memory_space<hbm>>) target(%dma_start3A_3 : memref<128x128xf32, #tpu.memory_space<vmem>>) offsets(%dma_start3A_6 : memref<128xi32, #tpu.memory_space<vmem>>) semaphore(%arg7 : memref<!tpu.dma_semaphore, #tpu.memory_space<semaphore_mem>>)
    %dma_wait3A = arith.constant 0 : i32
    %dma_wait3A_10 = arith.constant 0 : i32
    %dma_wait3A_11 = arith.constant 0 : i32
    %dma_wait3A_12 = tpu.memref_slice %arg6[%dma_wait3A_10, %dma_wait3A_11] : memref<256x128xf32, #tpu.memory_space<vmem>> -> memref<128x128xf32, #tpu.memory_space<vmem>>
    %dma_wait3A_13 = arith.constant 0 : i32
    %dma_wait3A_14 = tpu.memref_slice %arg5[%dma_wait3A, %dma_wait3A_13] : memref<2x128xi32, #tpu.memory_space<vmem>> -> memref<1x128xi32, #tpu.memory_space<vmem>>
    %dma_wait3A_15 = tpu.memref_squeeze %dma_wait3A_14 : memref<1x128xi32, #tpu.memory_space<vmem>> -> memref<128xi32, #tpu.memory_space<vmem>>
    %dma_wait3A_16 = arith.constant 0 : i32
    %dma_wait3A_17 = arith.constant 0 : i32
    %dma_wait3A_18 = tpu.memref_slice %arg2[%dma_wait3A_16, %dma_wait3A_17] : memref<16384x128xf32, #tpu.memory_space<hbm>> -> memref<16384x128xf32, #tpu.memory_space<hbm>>
    tpu.wait_indirect_dma semaphore(%arg7 : memref<!tpu.dma_semaphore, #tpu.memory_space<semaphore_mem>>) src(%dma_wait3A_18 : memref<16384x128xf32, #tpu.memory_space<hbm>>) dst(%dma_wait3A_12 : memref<128x128xf32, #tpu.memory_space<vmem>>)
    %dma_start3A_19 = arith.constant 1 : i32
    %dma_start3A_20 = arith.constant 128 : i32
    %dma_start3A_21 = arith.constant 0 : i32
    %dma_start3A_22 = tpu.memref_slice %arg6[%dma_start3A_20, %dma_start3A_21] : memref<256x128xf32, #tpu.memory_space<vmem>> -> memref<128x128xf32, #tpu.memory_space<vmem>>
    %dma_start3A_23 = arith.constant 0 : i32
    %dma_start3A_24 = tpu.memref_slice %arg5[%dma_start3A_19, %dma_start3A_23] : memref<2x128xi32, #tpu.memory_space<vmem>> -> memref<1x128xi32, #tpu.memory_space<vmem>>
    %dma_start3A_25 = tpu.memref_squeeze %dma_start3A_24 : memref<1x128xi32, #tpu.memory_space<vmem>> -> memref<128xi32, #tpu.memory_space<vmem>>
    %dma_start3A_26 = arith.constant 0 : i32
    %dma_start3A_27 = arith.constant 0 : i32
    %dma_start3A_28 = tpu.memref_slice %arg2[%dma_start3A_26, %dma_start3A_27] : memref<16384x128xf32, #tpu.memory_space<hbm>> -> memref<16384x128xf32, #tpu.memory_space<hbm>>
    tpu.enqueue_indirect_dma source(%dma_start3A_28 : memref<16384x128xf32, #tpu.memory_space<hbm>>) target(%dma_start3A_22 : memref<128x128xf32, #tpu.memory_space<vmem>>) offsets(%dma_start3A_25 : memref<128xi32, #tpu.memory_space<vmem>>) semaphore(%arg7 : memref<!tpu.dma_semaphore, #tpu.memory_space<semaphore_mem>>)
    %dma_wait3A_29 = arith.constant 1 : i32
    %dma_wait3A_30 = arith.constant 128 : i32
    %dma_wait3A_31 = arith.constant 0 : i32
    %dma_wait3A_32 = tpu.memref_slice %arg6[%dma_wait3A_30, %dma_wait3A_31] : memref<256x128xf32, #tpu.memory_space<vmem>> -> memref<128x128xf32, #tpu.memory_space<vmem>>
    %dma_wait3A_33 = arith.constant 0 : i32
    %dma_wait3A_34 = tpu.memref_slice %arg5[%dma_wait3A_29, %dma_wait3A_33] : memref<2x128xi32, #tpu.memory_space<vmem>> -> memref<1x128xi32, #tpu.memory_space<vmem>>
    %dma_wait3A_35 = tpu.memref_squeeze %dma_wait3A_34 : memref<1x128xi32, #tpu.memory_space<vmem>> -> memref<128xi32, #tpu.memory_space<vmem>>
    %dma_wait3A_36 = arith.constant 0 : i32
    %dma_wait3A_37 = arith.constant 0 : i32
    %dma_wait3A_38 = tpu.memref_slice %arg2[%dma_wait3A_36, %dma_wait3A_37] : memref<16384x128xf32, #tpu.memory_space<hbm>> -> memref<16384x128xf32, #tpu.memory_space<hbm>>
    tpu.wait_indirect_dma semaphore(%arg7 : memref<!tpu.dma_semaphore, #tpu.memory_space<semaphore_mem>>) src(%dma_wait3A_38 : memref<16384x128xf32, #tpu.memory_space<hbm>>) dst(%dma_wait3A_32 : memref<128x128xf32, #tpu.memory_space<vmem>>)
    %mul3A_39 = arith.constant 256 : i32
    %mul3A_40 = arith.muli %add3A, %mul3A_39 : i32
    "tpu.region"() ({
      %run_scoped3A = tpu.sem_alloc : memref<!tpu.dma_semaphore, #tpu.memory_space<semaphore_mem>>
      %dma_start3A_41 = arith.constant 0 : i32
      %dma_start3A_42 = tpu.memref_slice %arg4[%mul3A_40, %dma_start3A_41] : memref<8192x128xf32, #tpu.memory_space<hbm>> -> memref<256x128xf32, #tpu.memory_space<hbm>>
      %dma_start3A_43 = arith.constant 0 : i32
      %dma_start3A_44 = tpu.memref_slice %arg4[%mul3A_40, %dma_start3A_43] : memref<8192x128xf32, #tpu.memory_space<hbm>> -> memref<256x128xf32, #tpu.memory_space<hbm>>
      tpu.enqueue_dma source(%arg6 : memref<256x128xf32, #tpu.memory_space<vmem>>) target(%dma_start3A_44 : memref<256x128xf32, #tpu.memory_space<hbm>>) target_semaphore(%run_scoped3A : memref<!tpu.dma_semaphore, #tpu.memory_space<semaphore_mem>>)
      %dma_wait3A_45 = arith.constant 0 : i32
      %dma_wait3A_46 = tpu.memref_slice %arg4[%mul3A_40, %dma_wait3A_45] : memref<8192x128xf32, #tpu.memory_space<hbm>> -> memref<256x128xf32, #tpu.memory_space<hbm>>
      %dma_wait3A_47 = arith.constant 0 : i32
      %dma_wait3A_48 = tpu.memref_slice %arg4[%mul3A_40, %dma_wait3A_47] : memref<8192x128xf32, #tpu.memory_space<hbm>> -> memref<256x128xf32, #tpu.memory_space<hbm>>
      tpu.wait_dma2 semaphore(%run_scoped3A : memref<!tpu.dma_semaphore, #tpu.memory_space<semaphore_mem>>) src(%arg6 : memref<256x128xf32, #tpu.memory_space<vmem>>) dst(%dma_wait3A_48 : memref<256x128xf32, #tpu.memory_space<hbm>>)
      tpu.yield
    }) : () -> ()
    return
  }
}

module attributes {stable_mosaic.version = 14 : i64} {
  func.func @_tc_body(%arg0: i32, %arg1: memref<32x2xi32, #tpu.memory_space<smem>>, %arg2: memref<256x8xf32, #tpu.memory_space<vmem>>, %arg3: memref<8x8192xf32, #tpu.memory_space<vmem>>, %arg4: memref<256x32xi32, #tpu.memory_space<vmem>>, %arg5: memref<256x8960xf32, #tpu.memory_space<vmem>>, %arg6: memref<256x8960xf32, #tpu.memory_space<vmem>>) attributes {dimension_semantics = [#tpu.dimension_semantics<parallel>], iteration_bounds = array<i64: 32>, scalar_prefetch = 1 : i64, scratch_operands = 2 : i64, tpu.core_type = #tpu.core_type<tc>, window_params = [{transform_indices = @transform_0, window_bounds = array<i64: 256, 8>}, {pipeline_mode = #tpu.pipeline_mode<synchronous>, transform_indices = @transform_1, window_bounds = array<i64: 8, 8192>}, {transform_indices = @transform_2, window_bounds = array<i64: 256, 32>}]} {
    %get3A = arith.index_cast %arg0 : i32 to index
    %get3A_0 = arith.constant 0 : index
    %get3A_1 = memref.load %arg1[%get3A, %get3A_0] : memref<32x2xi32, #tpu.memory_space<smem>>
    %get3A_2 = arith.index_cast %arg0 : i32 to index
    %get3A_3 = arith.constant 1 : index
    %get3A_4 = memref.load %arg1[%get3A_2, %get3A_3] : memref<32x2xi32, #tpu.memory_space<smem>>
    %get3A_5 = arith.constant 0 : index
    %get3A_6 = arith.constant 0 : index
    %get3A_7 = vector.load %arg2[%get3A_5, %get3A_6] : memref<256x8xf32, #tpu.memory_space<vmem>>, vector<256x8xf32>
    %slice3A = vector.extract_strided_slice %get3A_7 {offsets = [0, 3], sizes = [256, 1], strides = [1, 1]} : vector<256x8xf32> to vector<256x1xf32>
    %slice3A_8 = vector.extract_strided_slice %get3A_7 {offsets = [0, 4], sizes = [256, 1], strides = [1, 1]} : vector<256x8xf32> to vector<256x1xf32>
    %iota3A = tpu.iota {dimensions = array<i32: 1>} : vector<256x8xi32>
    %lt3A = arith.constant 3 : i32
    %lt3A_9 = vector.broadcast %lt3A : i32 to vector<256x8xi32>
    %lt3A_10 = arith.cmpi slt, %iota3A, %lt3A_9 : vector<256x8xi32>
    %jit3A = arith.constant 0.000000e+00 : f32
    %broadcast_in_dim3A = vector.broadcast %jit3A : f32 to vector<256x8xf32>
    %select_n3A = arith.select %lt3A_10, %get3A_7, %broadcast_in_dim3A : vector<256x8xi1>, vector<256x8xf32>
    %mul3A = arith.constant 256 : i32
    %mul3A_11 = arith.muli %arg0, %mul3A : i32
    %iota3A_12 = tpu.iota {dimensions = array<i32: 0>} : vector<256x1xi32>
    %add3A = vector.broadcast %mul3A_11 : i32 to vector<256x1xi32>
    %add3A_13 = arith.addi %add3A, %iota3A_12 : vector<256x1xi32>
    %broadcast_in_dim3A_14 = arith.constant 3.000000e+38 : f32
    %broadcast_in_dim3A_15 = vector.broadcast %broadcast_in_dim3A_14 : f32 to vector<256x1xf32>
    %broadcast_in_dim3A_16 = arith.constant 3.000000e+38 : f32
    %broadcast_in_dim3A_17 = vector.broadcast %broadcast_in_dim3A_16 : f32 to vector<256x1xf32>
    %multiple_of3A = arith.constant 0 : i32
    %multiple_of3A_18 = tpu.assume_multiple %multiple_of3A, 1280 : i32
    %add3A_19 = arith.addi %get3A_1, %multiple_of3A_18 : i32
    %min3A = arith.constant 6912 : i32
    %min3A_20 = arith.minsi %add3A_19, %min3A : i32
    %multiple_of3A_21 = tpu.assume_multiple %min3A_20, 128 : i32
    %get3A_22 = arith.constant 0 : index
    %get3A_23 = arith.index_cast %multiple_of3A_21 : i32 to index
    %get3A_24 = vector.load %arg3[%get3A_22, %get3A_23] : memref<8x8192xf32, #tpu.memory_space<vmem>>, vector<8x1280xf32>
    %iota3A_25 = tpu.iota {dimensions = array<i32: 0>} : vector<8x1280xi32>
    %lt3A_26 = arith.constant 3 : i32
    %lt3A_27 = vector.broadcast %lt3A_26 : i32 to vector<8x1280xi32>
    %lt3A_28 = arith.cmpi slt, %iota3A_25, %lt3A_27 : vector<8x1280xi32>
    %jit3A_29 = arith.constant 0.000000e+00 : f32
    %broadcast_in_dim3A_30 = vector.broadcast %jit3A_29 : f32 to vector<8x1280xf32>
    %select_n3A_31 = arith.select %lt3A_28, %get3A_24, %broadcast_in_dim3A_30 : vector<8x1280xi1>, vector<8x1280xf32>
    %dot_general3A = arith.constant dense<0.000000e+00> : vector<256x1280xf32>
    %dot_general3A_32 = tpu.matmul %select_n3A, %select_n3A_31, %dot_general3A {dimension_numbers = #tpu.dot_dimension_numbers<[1], [0], [0], [1], [0, 0, 1, 1], [], []>, transpose_lhs_hint = false} : vector<256x8xf32>, vector<8x1280xf32>, vector<256x1280xf32> -> vector<256x1280xf32>
    %slice3A_33 = vector.extract_strided_slice %get3A_24 {offsets = [4, 0], sizes = [1, 1280], strides = [1, 1]} : vector<8x1280xf32> to vector<1x1280xf32>
    %add3A_34 = vector.broadcast %slice3A_8 : vector<256x1xf32> to vector<256x1280xf32>
    %add3A_35 = vector.broadcast %slice3A_33 : vector<1x1280xf32> to vector<256x1280xf32>
    %add3A_36 = arith.addf %add3A_34, %add3A_35 : vector<256x1280xf32>
    %mul3A_37 = arith.constant 2.000000e+00 : f32
    %mul3A_38 = vector.broadcast %mul3A_37 : f32 to vector<256x1280xf32>
    %mul3A_39 = arith.mulf %mul3A_38, %dot_general3A_32 : vector<256x1280xf32>
    %sub3A = arith.subf %add3A_36, %mul3A_39 : vector<256x1280xf32>
    %max3A = arith.constant 0.000000e+00 : f32
    %max3A_40 = vector.broadcast %max3A : f32 to vector<256x1280xf32>
    %max3A_41 = arith.maximumf %sub3A, %max3A_40 : vector<256x1280xf32>
    %iota3A_42 = tpu.iota {dimensions = array<i32: 1>} : vector<256x1280xi32>
    %add3A_43 = vector.broadcast %multiple_of3A_21 : i32 to vector<256x1280xi32>
    %add3A_44 = arith.addi %add3A_43, %iota3A_42 : vector<256x1280xi32>
    %slice3A_45 = vector.extract_strided_slice %get3A_24 {offsets = [3, 0], sizes = [1, 1280], strides = [1, 1]} : vector<8x1280xf32> to vector<1x1280xf32>
    %eq3A = vector.broadcast %slice3A : vector<256x1xf32> to vector<256x1280xf32>
    %eq3A_46 = vector.broadcast %slice3A_45 : vector<1x1280xf32> to vector<256x1280xf32>
    %eq3A_47 = arith.cmpf oeq, %eq3A, %eq3A_46 : vector<256x1280xf32>
    %jit3A_48 = arith.constant 1.000000e+30 : f32
    %broadcast_in_dim3A_49 = vector.broadcast %jit3A_48 : f32 to vector<256x1280xf32>
    %select_n3A_50 = arith.select %eq3A_47, %max3A_41, %broadcast_in_dim3A_49 : vector<256x1280xi1>, vector<256x1280xf32>
    %convert_element_type3A = arith.sitofp %add3A_44 : vector<256x1280xi32> to vector<256x1280xf32>
    %eq3A_51 = vector.broadcast %add3A_13 : vector<256x1xi32> to vector<256x1280xi32>
    %eq3A_52 = arith.cmpi eq, %add3A_44, %eq3A_51 : vector<256x1280xi32>
    %jit3A_53 = arith.constant 3.000000e+38 : f32
    %broadcast_in_dim3A_54 = vector.broadcast %jit3A_53 : f32 to vector<256x1280xf32>
    %select_n3A_55 = arith.select %eq3A_52, %broadcast_in_dim3A_54, %select_n3A_50 : vector<256x1280xi1>, vector<256x1280xf32>
    %swap3A = arith.constant 0 : index
    %swap3A_56 = arith.index_cast %multiple_of3A_18 : i32 to index
    %swap3A_57 = vector.load %arg5[%swap3A, %swap3A_56] : memref<256x8960xf32, #tpu.memory_space<vmem>>, vector<256x1280xf32>
    tpu.vector_store %arg5[%swap3A, %swap3A_56], %select_n3A_55 {strides = array<i32>} : memref<256x8960xf32, #tpu.memory_space<vmem>>, vector<256x1280xf32>,
    %swap3A_58 = arith.constant 0 : index
    %swap3A_59 = arith.index_cast %multiple_of3A_18 : i32 to index
    %swap3A_60 = vector.load %arg6[%swap3A_58, %swap3A_59] : memref<256x8960xf32, #tpu.memory_space<vmem>>, vector<256x1280xf32>
    tpu.vector_store %arg6[%swap3A_58, %swap3A_59], %convert_element_type3A {strides = array<i32>} : memref<256x8960xf32, #tpu.memory_space<vmem>>, vector<256x1280xf32>,
    %reduce_min3A = arith.constant dense<0x7F800000> : vector<256xf32>
    %reduce_min3A_61 = vector.multi_reduction <minimumf>, %select_n3A_55, %reduce_min3A [1] : vector<256x1280xf32> to vector<256xf32>
    %broadcast_in_dim3A_62 = vector.shape_cast %reduce_min3A_61 : vector<256xf32> to vector<256x1xf32>
    %eq3A_63 = vector.broadcast %broadcast_in_dim3A_62 : vector<256x1xf32> to vector<256x1280xf32>
    %eq3A_64 = arith.cmpf oeq, %select_n3A_55, %eq3A_63 : vector<256x1280xf32>
    %jit3A_65 = arith.constant 3.000000e+38 : f32
    %broadcast_in_dim3A_66 = vector.broadcast %jit3A_65 : f32 to vector<256x1280xf32>
    %select_n3A_67 = arith.select %eq3A_64, %convert_element_type3A, %broadcast_in_dim3A_66 : vector<256x1280xi1>, vector<256x1280xf32>
    %reduce_min3A_68 = arith.constant dense<0x7F800000> : vector<256xf32>
    %reduce_min3A_69 = vector.multi_reduction <minimumf>, %select_n3A_67, %reduce_min3A_68 [1] : vector<256x1280xf32> to vector<256xf32>
    %broadcast_in_dim3A_70 = vector.shape_cast %reduce_min3A_69 : vector<256xf32> to vector<256x1xf32>
    %lt3A_71 = arith.cmpf olt, %broadcast_in_dim3A_62, %broadcast_in_dim3A_15 : vector<256x1xf32>
    %select_n3A_72 = arith.select %lt3A_71, %broadcast_in_dim3A_62, %broadcast_in_dim3A_15 : vector<256x1xi1>, vector<256x1xf32>
    %select_n3A_73 = arith.select %lt3A_71, %broadcast_in_dim3A_70, %broadcast_in_dim3A_17 : vector<256x1xi1>, vector<256x1xf32>
    %while3A = arith.constant 3.000000e+38 : f32
    %while3A_74 = arith.constant 1 : i32
    %while3A_75 = arith.subi %get3A_4, %while3A_74 : i32
    %while3A_76 = arith.addi %while3A_74, %while3A_75 : i32
    %while3A_77 = arith.constant 1 : i32
    %while3A_78 = arith.divsi %while3A_75, %while3A_77 : i32
    %while3A_79 = arith.muli %while3A_78, %while3A_77 : i32
    %while3A_80 = arith.addi %while3A_74, %while3A_79 : i32
    %while3A_81 = arith.constant 1 : i32
    %while3A_82:2 = scf.for %while3A_1104 = %while3A_74 to %while3A_80 step %while3A_81 iter_args(%while3A_1105 = %select_n3A_72, %while3A_1106 = %select_n3A_73) -> (vector<256x1xf32>, vector<256x1xf32>)  : i32 {
      %mul3A_1107 = arith.constant 1280 : i32
      %mul3A_1108 = arith.muli %while3A_1104, %mul3A_1107 : i32
      %multiple_of3A_1109 = tpu.assume_multiple %mul3A_1108, 1280 : i32
      %add3A_1110 = arith.addi %get3A_1, %multiple_of3A_1109 : i32
      %min3A_1111 = arith.constant 6912 : i32
      %min3A_1112 = arith.minsi %add3A_1110, %min3A_1111 : i32
      %multiple_of3A_1113 = tpu.assume_multiple %min3A_1112, 128 : i32
      %get3A_1114 = arith.constant 0 : index
      %get3A_1115 = arith.index_cast %multiple_of3A_1113 : i32 to index
      %get3A_1116 = vector.load %arg3[%get3A_1114, %get3A_1115] : memref<8x8192xf32, #tpu.memory_space<vmem>>, vector<8x1280xf32>
      %iota3A_1117 = tpu.iota {dimensions = array<i32: 0>} : vector<8x1280xi32>
      %lt3A_1118 = arith.constant 3 : i32
      %lt3A_1119 = vector.broadcast %lt3A_1118 : i32 to vector<8x1280xi32>
      %lt3A_1120 = arith.cmpi slt, %iota3A_1117, %lt3A_1119 : vector<8x1280xi32>
      %jit3A_1121 = arith.constant 0.000000e+00 : f32
      %broadcast_in_dim3A_1122 = vector.broadcast %jit3A_1121 : f32 to vector<8x1280xf32>
      %select_n3A_1123 = arith.select %lt3A_1120, %get3A_1116, %broadcast_in_dim3A_1122 : vector<8x1280xi1>, vector<8x1280xf32>
      %dot_general3A_1124 = arith.constant dense<0.000000e+00> : vector<256x1280xf32>
      %dot_general3A_1125 = tpu.matmul %select_n3A, %select_n3A_1123, %dot_general3A_1124 {dimension_numbers = #tpu.dot_dimension_numbers<[1], [0], [0], [1], [0, 0, 1, 1], [], []>, transpose_lhs_hint = false} : vector<256x8xf32>, vector<8x1280xf32>, vector<256x1280xf32> -> vector<256x1280xf32>
      %slice3A_1126 = vector.extract_strided_slice %get3A_1116 {offsets = [4, 0], sizes = [1, 1280], strides = [1, 1]} : vector<8x1280xf32> to vector<1x1280xf32>
      %add3A_1127 = vector.broadcast %slice3A_8 : vector<256x1xf32> to vector<256x1280xf32>
      %add3A_1128 = vector.broadcast %slice3A_1126 : vector<1x1280xf32> to vector<256x1280xf32>
      %add3A_1129 = arith.addf %add3A_1127, %add3A_1128 : vector<256x1280xf32>
      %mul3A_1130 = arith.constant 2.000000e+00 : f32
      %mul3A_1131 = vector.broadcast %mul3A_1130 : f32 to vector<256x1280xf32>
      %mul3A_1132 = arith.mulf %mul3A_1131, %dot_general3A_1125 : vector<256x1280xf32>
      %sub3A_1133 = arith.subf %add3A_1129, %mul3A_1132 : vector<256x1280xf32>
      %max3A_1134 = arith.constant 0.000000e+00 : f32
      %max3A_1135 = vector.broadcast %max3A_1134 : f32 to vector<256x1280xf32>
      %max3A_1136 = arith.maximumf %sub3A_1133, %max3A_1135 : vector<256x1280xf32>
      %iota3A_1137 = tpu.iota {dimensions = array<i32: 1>} : vector<256x1280xi32>
      %add3A_1138 = vector.broadcast %multiple_of3A_1113 : i32 to vector<256x1280xi32>
      %add3A_1139 = arith.addi %add3A_1138, %iota3A_1137 : vector<256x1280xi32>
      %slice3A_1140 = vector.extract_strided_slice %get3A_1116 {offsets = [3, 0], sizes = [1, 1280], strides = [1, 1]} : vector<8x1280xf32> to vector<1x1280xf32>
      %eq3A_1141 = vector.broadcast %slice3A : vector<256x1xf32> to vector<256x1280xf32>
      %eq3A_1142 = vector.broadcast %slice3A_1140 : vector<1x1280xf32> to vector<256x1280xf32>
      %eq3A_1143 = arith.cmpf oeq, %eq3A_1141, %eq3A_1142 : vector<256x1280xf32>
      %jit3A_1144 = arith.constant 1.000000e+30 : f32
      %broadcast_in_dim3A_1145 = vector.broadcast %jit3A_1144 : f32 to vector<256x1280xf32>
      %select_n3A_1146 = arith.select %eq3A_1143, %max3A_1136, %broadcast_in_dim3A_1145 : vector<256x1280xi1>, vector<256x1280xf32>
      %convert_element_type3A_1147 = arith.sitofp %add3A_1139 : vector<256x1280xi32> to vector<256x1280xf32>
      %eq3A_1148 = vector.broadcast %add3A_13 : vector<256x1xi32> to vector<256x1280xi32>
      %eq3A_1149 = arith.cmpi eq, %add3A_1139, %eq3A_1148 : vector<256x1280xi32>
      %broadcast_in_dim3A_1150 = vector.broadcast %while3A : f32 to vector<256x1280xf32>
      %select_n3A_1151 = arith.select %eq3A_1149, %broadcast_in_dim3A_1150, %select_n3A_1146 : vector<256x1280xi1>, vector<256x1280xf32>
      %swap3A_1152 = arith.constant 0 : index
      %swap3A_1153 = arith.index_cast %multiple_of3A_1109 : i32 to index
      %swap3A_1154 = vector.load %arg5[%swap3A_1152, %swap3A_1153] : memref<256x8960xf32, #tpu.memory_space<vmem>>, vector<256x1280xf32>
      tpu.vector_store %arg5[%swap3A_1152, %swap3A_1153], %select_n3A_1151 {strides = array<i32>} : memref<256x8960xf32, #tpu.memory_space<vmem>>, vector<256x1280xf32>,
      %swap3A_1155 = arith.constant 0 : index
      %swap3A_1156 = arith.index_cast %multiple_of3A_1109 : i32 to index
      %swap3A_1157 = vector.load %arg6[%swap3A_1155, %swap3A_1156] : memref<256x8960xf32, #tpu.memory_space<vmem>>, vector<256x1280xf32>
      tpu.vector_store %arg6[%swap3A_1155, %swap3A_1156], %convert_element_type3A_1147 {strides = array<i32>} : memref<256x8960xf32, #tpu.memory_space<vmem>>, vector<256x1280xf32>,
      %reduce_min3A_1158 = arith.constant dense<0x7F800000> : vector<256xf32>
      %reduce_min3A_1159 = vector.multi_reduction <minimumf>, %select_n3A_1151, %reduce_min3A_1158 [1] : vector<256x1280xf32> to vector<256xf32>
      %broadcast_in_dim3A_1160 = vector.shape_cast %reduce_min3A_1159 : vector<256xf32> to vector<256x1xf32>
      %eq3A_1161 = vector.broadcast %broadcast_in_dim3A_1160 : vector<256x1xf32> to vector<256x1280xf32>
      %eq3A_1162 = arith.cmpf oeq, %select_n3A_1151, %eq3A_1161 : vector<256x1280xf32>
      %broadcast_in_dim3A_1163 = vector.broadcast %while3A : f32 to vector<256x1280xf32>
      %select_n3A_1164 = arith.select %eq3A_1162, %convert_element_type3A_1147, %broadcast_in_dim3A_1163 : vector<256x1280xi1>, vector<256x1280xf32>
      %reduce_min3A_1165 = arith.constant dense<0x7F800000> : vector<256xf32>
      %reduce_min3A_1166 = vector.multi_reduction <minimumf>, %select_n3A_1164, %reduce_min3A_1165 [1] : vector<256x1280xf32> to vector<256xf32>
      %broadcast_in_dim3A_1167 = vector.shape_cast %reduce_min3A_1166 : vector<256xf32> to vector<256x1xf32>
      %lt3A_1168 = arith.cmpf olt, %broadcast_in_dim3A_1160, %while3A_1105 : vector<256x1xf32>
      %select_n3A_1169 = arith.select %lt3A_1168, %broadcast_in_dim3A_1160, %while3A_1105 : vector<256x1xi1>, vector<256x1xf32>
      %select_n3A_1170 = arith.select %lt3A_1168, %broadcast_in_dim3A_1167, %while3A_1106 : vector<256x1xi1>, vector<256x1xf32>
      scf.yield %select_n3A_1169, %select_n3A_1170 : vector<256x1xf32>, vector<256x1xf32>
    }
    %while3A_83 = arith.constant 1 : i32
    %while3A_84:2 = scf.for %while3A_1104 = %while3A_80 to %while3A_76 step %while3A_83 iter_args(%while3A_1105 = %while3A_82#0, %while3A_1106 = %while3A_82#1) -> (vector<256x1xf32>, vector<256x1xf32>)  : i32 {
      %mul3A_1107 = arith.constant 1280 : i32
      %mul3A_1108 = arith.muli %while3A_1104, %mul3A_1107 : i32
      %multiple_of3A_1109 = tpu.assume_multiple %mul3A_1108, 1280 : i32
      %add3A_1110 = arith.addi %get3A_1, %multiple_of3A_1109 : i32
      %min3A_1111 = arith.constant 6912 : i32
      %min3A_1112 = arith.minsi %add3A_1110, %min3A_1111 : i32
      %multiple_of3A_1113 = tpu.assume_multiple %min3A_1112, 128 : i32
      %get3A_1114 = arith.constant 0 : index
      %get3A_1115 = arith.index_cast %multiple_of3A_1113 : i32 to index
      %get3A_1116 = vector.load %arg3[%get3A_1114, %get3A_1115] : memref<8x8192xf32, #tpu.memory_space<vmem>>, vector<8x1280xf32>
      %iota3A_1117 = tpu.iota {dimensions = array<i32: 0>} : vector<8x1280xi32>
      %lt3A_1118 = arith.constant 3 : i32
      %lt3A_1119 = vector.broadcast %lt3A_1118 : i32 to vector<8x1280xi32>
      %lt3A_1120 = arith.cmpi slt, %iota3A_1117, %lt3A_1119 : vector<8x1280xi32>
      %jit3A_1121 = arith.constant 0.000000e+00 : f32
      %broadcast_in_dim3A_1122 = vector.broadcast %jit3A_1121 : f32 to vector<8x1280xf32>
      %select_n3A_1123 = arith.select %lt3A_1120, %get3A_1116, %broadcast_in_dim3A_1122 : vector<8x1280xi1>, vector<8x1280xf32>
      %dot_general3A_1124 = arith.constant dense<0.000000e+00> : vector<256x1280xf32>
      %dot_general3A_1125 = tpu.matmul %select_n3A, %select_n3A_1123, %dot_general3A_1124 {dimension_numbers = #tpu.dot_dimension_numbers<[1], [0], [0], [1], [0, 0, 1, 1], [], []>, transpose_lhs_hint = false} : vector<256x8xf32>, vector<8x1280xf32>, vector<256x1280xf32> -> vector<256x1280xf32>
      %slice3A_1126 = vector.extract_strided_slice %get3A_1116 {offsets = [4, 0], sizes = [1, 1280], strides = [1, 1]} : vector<8x1280xf32> to vector<1x1280xf32>
      %add3A_1127 = vector.broadcast %slice3A_8 : vector<256x1xf32> to vector<256x1280xf32>
      %add3A_1128 = vector.broadcast %slice3A_1126 : vector<1x1280xf32> to vector<256x1280xf32>
      %add3A_1129 = arith.addf %add3A_1127, %add3A_1128 : vector<256x1280xf32>
      %mul3A_1130 = arith.constant 2.000000e+00 : f32
      %mul3A_1131 = vector.broadcast %mul3A_1130 : f32 to vector<256x1280xf32>
      %mul3A_1132 = arith.mulf %mul3A_1131, %dot_general3A_1125 : vector<256x1280xf32>
      %sub3A_1133 = arith.subf %add3A_1129, %mul3A_1132 : vector<256x1280xf32>
      %max3A_1134 = arith.constant 0.000000e+00 : f32
      %max3A_1135 = vector.broadcast %max3A_1134 : f32 to vector<256x1280xf32>
      %max3A_1136 = arith.maximumf %sub3A_1133, %max3A_1135 : vector<256x1280xf32>
      %iota3A_1137 = tpu.iota {dimensions = array<i32: 1>} : vector<256x1280xi32>
      %add3A_1138 = vector.broadcast %multiple_of3A_1113 : i32 to vector<256x1280xi32>
      %add3A_1139 = arith.addi %add3A_1138, %iota3A_1137 : vector<256x1280xi32>
      %slice3A_1140 = vector.extract_strided_slice %get3A_1116 {offsets = [3, 0], sizes = [1, 1280], strides = [1, 1]} : vector<8x1280xf32> to vector<1x1280xf32>
      %eq3A_1141 = vector.broadcast %slice3A : vector<256x1xf32> to vector<256x1280xf32>
      %eq3A_1142 = vector.broadcast %slice3A_1140 : vector<1x1280xf32> to vector<256x1280xf32>
      %eq3A_1143 = arith.cmpf oeq, %eq3A_1141, %eq3A_1142 : vector<256x1280xf32>
      %jit3A_1144 = arith.constant 1.000000e+30 : f32
      %broadcast_in_dim3A_1145 = vector.broadcast %jit3A_1144 : f32 to vector<256x1280xf32>
      %select_n3A_1146 = arith.select %eq3A_1143, %max3A_1136, %broadcast_in_dim3A_1145 : vector<256x1280xi1>, vector<256x1280xf32>
      %convert_element_type3A_1147 = arith.sitofp %add3A_1139 : vector<256x1280xi32> to vector<256x1280xf32>
      %eq3A_1148 = vector.broadcast %add3A_13 : vector<256x1xi32> to vector<256x1280xi32>
      %eq3A_1149 = arith.cmpi eq, %add3A_1139, %eq3A_1148 : vector<256x1280xi32>
      %broadcast_in_dim3A_1150 = vector.broadcast %while3A : f32 to vector<256x1280xf32>
      %select_n3A_1151 = arith.select %eq3A_1149, %broadcast_in_dim3A_1150, %select_n3A_1146 : vector<256x1280xi1>, vector<256x1280xf32>
      %swap3A_1152 = arith.constant 0 : index
      %swap3A_1153 = arith.index_cast %multiple_of3A_1109 : i32 to index
      %swap3A_1154 = vector.load %arg5[%swap3A_1152, %swap3A_1153] : memref<256x8960xf32, #tpu.memory_space<vmem>>, vector<256x1280xf32>
      tpu.vector_store %arg5[%swap3A_1152, %swap3A_1153], %select_n3A_1151 {strides = array<i32>} : memref<256x8960xf32, #tpu.memory_space<vmem>>, vector<256x1280xf32>,
      %swap3A_1155 = arith.constant 0 : index
      %swap3A_1156 = arith.index_cast %multiple_of3A_1109 : i32 to index
      %swap3A_1157 = vector.load %arg6[%swap3A_1155, %swap3A_1156] : memref<256x8960xf32, #tpu.memory_space<vmem>>, vector<256x1280xf32>
      tpu.vector_store %arg6[%swap3A_1155, %swap3A_1156], %convert_element_type3A_1147 {strides = array<i32>} : memref<256x8960xf32, #tpu.memory_space<vmem>>, vector<256x1280xf32>,
      %reduce_min3A_1158 = arith.constant dense<0x7F800000> : vector<256xf32>
      %reduce_min3A_1159 = vector.multi_reduction <minimumf>, %select_n3A_1151, %reduce_min3A_1158 [1] : vector<256x1280xf32> to vector<256xf32>
      %broadcast_in_dim3A_1160 = vector.shape_cast %reduce_min3A_1159 : vector<256xf32> to vector<256x1xf32>
      %eq3A_1161 = vector.broadcast %broadcast_in_dim3A_1160 : vector<256x1xf32> to vector<256x1280xf32>
      %eq3A_1162 = arith.cmpf oeq, %select_n3A_1151, %eq3A_1161 : vector<256x1280xf32>
      %broadcast_in_dim3A_1163 = vector.broadcast %while3A : f32 to vector<256x1280xf32>
      %select_n3A_1164 = arith.select %eq3A_1162, %convert_element_type3A_1147, %broadcast_in_dim3A_1163 : vector<256x1280xi1>, vector<256x1280xf32>
      %reduce_min3A_1165 = arith.constant dense<0x7F800000> : vector<256xf32>
      %reduce_min3A_1166 = vector.multi_reduction <minimumf>, %select_n3A_1164, %reduce_min3A_1165 [1] : vector<256x1280xf32> to vector<256xf32>
      %broadcast_in_dim3A_1167 = vector.shape_cast %reduce_min3A_1166 : vector<256xf32> to vector<256x1xf32>
      %lt3A_1168 = arith.cmpf olt, %broadcast_in_dim3A_1160, %while3A_1105 : vector<256x1xf32>
      %select_n3A_1169 = arith.select %lt3A_1168, %broadcast_in_dim3A_1160, %while3A_1105 : vector<256x1xi1>, vector<256x1xf32>
      %select_n3A_1170 = arith.select %lt3A_1168, %broadcast_in_dim3A_1167, %while3A_1106 : vector<256x1xi1>, vector<256x1xf32>
      scf.yield %select_n3A_1169, %select_n3A_1170 : vector<256x1xf32>, vector<256x1xf32>
    }
    %convert_element_type3A_85 = arith.sitofp %add3A_13 : vector<256x1xi32> to vector<256x1xf32>
    %broadcast_in_dim3A_86 = arith.constant 3.000000e+38 : f32
    %broadcast_in_dim3A_87 = vector.broadcast %broadcast_in_dim3A_86 : f32 to vector<256x1xf32>
    %broadcast_in_dim3A_88 = arith.constant 3.000000e+38 : f32
    %broadcast_in_dim3A_89 = vector.broadcast %broadcast_in_dim3A_88 : f32 to vector<256x1xf32>
    %multiple_of3A_90 = arith.constant 0 : i32
    %multiple_of3A_91 = tpu.assume_multiple %multiple_of3A_90, 1280 : i32
    %get3A_92 = arith.constant 0 : index
    %get3A_93 = arith.index_cast %multiple_of3A_91 : i32 to index
    %get3A_94 = vector.load %arg6[%get3A_92, %get3A_93] : memref<256x8960xf32, #tpu.memory_space<vmem>>, vector<256x1280xf32>
    %eq3A_95 = vector.broadcast %while3A_84#1 : vector<256x1xf32> to vector<256x1280xf32>
    %eq3A_96 = arith.cmpf oeq, %get3A_94, %eq3A_95 : vector<256x1280xf32>
    %get3A_97 = arith.constant 0 : index
    %get3A_98 = arith.index_cast %multiple_of3A_91 : i32 to index
    %get3A_99 = vector.load %arg5[%get3A_97, %get3A_98] : memref<256x8960xf32, #tpu.memory_space<vmem>>, vector<256x1280xf32>
    %jit3A_100 = arith.constant 3.000000e+38 : f32
    %broadcast_in_dim3A_101 = vector.broadcast %jit3A_100 : f32 to vector<256x1280xf32>
    %select_n3A_102 = arith.select %eq3A_96, %broadcast_in_dim3A_101, %get3A_99 : vector<256x1280xi1>, vector<256x1280xf32>
    %swap3A_103 = arith.constant 0 : index
    %swap3A_104 = arith.index_cast %multiple_of3A_91 : i32 to index
    %swap3A_105 = vector.load %arg5[%swap3A_103, %swap3A_104] : memref<256x8960xf32, #tpu.memory_space<vmem>>, vector<256x1280xf32>
    tpu.vector_store %arg5[%swap3A_103, %swap3A_104], %select_n3A_102 {strides = array<i32>} : memref<256x8960xf32, #tpu.memory_space<vmem>>, vector<256x1280xf32>,
    %reduce_min3A_106 = arith.constant dense<0x7F800000> : vector<256xf32>
    %reduce_min3A_107 = vector.multi_reduction <minimumf>, %select_n3A_102, %reduce_min3A_106 [1] : vector<256x1280xf32> to vector<256xf32>
    %broadcast_in_dim3A_108 = vector.shape_cast %reduce_min3A_107 : vector<256xf32> to vector<256x1xf32>
    %eq3A_109 = vector.broadcast %broadcast_in_dim3A_108 : vector<256x1xf32> to vector<256x1280xf32>
    %eq3A_110 = arith.cmpf oeq, %select_n3A_102, %eq3A_109 : vector<256x1280xf32>
    %jit3A_111 = arith.constant 3.000000e+38 : f32
    %broadcast_in_dim3A_112 = vector.broadcast %jit3A_111 : f32 to vector<256x1280xf32>
    %select_n3A_113 = arith.select %eq3A_110, %get3A_94, %broadcast_in_dim3A_112 : vector<256x1280xi1>, vector<256x1280xf32>
    %reduce_min3A_114 = arith.constant dense<0x7F800000> : vector<256xf32>
    %reduce_min3A_115 = vector.multi_reduction <minimumf>, %select_n3A_113, %reduce_min3A_114 [1] : vector<256x1280xf32> to vector<256xf32>
    %broadcast_in_dim3A_116 = vector.shape_cast %reduce_min3A_115 : vector<256xf32> to vector<256x1xf32>
    %lt3A_117 = arith.cmpf olt, %broadcast_in_dim3A_108, %broadcast_in_dim3A_87 : vector<256x1xf32>
    %select_n3A_118 = arith.select %lt3A_117, %broadcast_in_dim3A_108, %broadcast_in_dim3A_87 : vector<256x1xi1>, vector<256x1xf32>
    %select_n3A_119 = arith.select %lt3A_117, %broadcast_in_dim3A_116, %broadcast_in_dim3A_89 : vector<256x1xi1>, vector<256x1xf32>
    %while3A_120 = arith.constant 3.000000e+38 : f32
    %while3A_121 = arith.constant 1 : i32
    %while3A_122 = arith.subi %get3A_4, %while3A_121 : i32
    %while3A_123 = arith.addi %while3A_121, %while3A_122 : i32
    %while3A_124 = arith.constant 1 : i32
    %while3A_125 = arith.divsi %while3A_122, %while3A_124 : i32
    %while3A_126 = arith.muli %while3A_125, %while3A_124 : i32
    %while3A_127 = arith.addi %while3A_121, %while3A_126 : i32
    %while3A_128 = arith.constant 1 : i32
    %while3A_129:2 = scf.for %while3A_1104 = %while3A_121 to %while3A_127 step %while3A_128 iter_args(%while3A_1105 = %select_n3A_118, %while3A_1106 = %select_n3A_119) -> (vector<256x1xf32>, vector<256x1xf32>)  : i32 {
      %mul3A_1107 = arith.constant 1280 : i32
      %mul3A_1108 = arith.muli %while3A_1104, %mul3A_1107 : i32
      %multiple_of3A_1109 = tpu.assume_multiple %mul3A_1108, 1280 : i32
      %get3A_1110 = arith.constant 0 : index
      %get3A_1111 = arith.index_cast %multiple_of3A_1109 : i32 to index
      %get3A_1112 = vector.load %arg6[%get3A_1110, %get3A_1111] : memref<256x8960xf32, #tpu.memory_space<vmem>>, vector<256x1280xf32>
      %eq3A_1113 = vector.broadcast %while3A_84#1 : vector<256x1xf32> to vector<256x1280xf32>
      %eq3A_1114 = arith.cmpf oeq, %get3A_1112, %eq3A_1113 : vector<256x1280xf32>
      %get3A_1115 = arith.constant 0 : index
      %get3A_1116 = arith.index_cast %multiple_of3A_1109 : i32 to index
      %get3A_1117 = vector.load %arg5[%get3A_1115, %get3A_1116] : memref<256x8960xf32, #tpu.memory_space<vmem>>, vector<256x1280xf32>
      %broadcast_in_dim3A_1118 = vector.broadcast %while3A_120 : f32 to vector<256x1280xf32>
      %select_n3A_1119 = arith.select %eq3A_1114, %broadcast_in_dim3A_1118, %get3A_1117 : vector<256x1280xi1>, vector<256x1280xf32>
      %swap3A_1120 = arith.constant 0 : index
      %swap3A_1121 = arith.index_cast %multiple_of3A_1109 : i32 to index
      %swap3A_1122 = vector.load %arg5[%swap3A_1120, %swap3A_1121] : memref<256x8960xf32, #tpu.memory_space<vmem>>, vector<256x1280xf32>
      tpu.vector_store %arg5[%swap3A_1120, %swap3A_1121], %select_n3A_1119 {strides = array<i32>} : memref<256x8960xf32, #tpu.memory_space<vmem>>, vector<256x1280xf32>,
      %reduce_min3A_1123 = arith.constant dense<0x7F800000> : vector<256xf32>
      %reduce_min3A_1124 = vector.multi_reduction <minimumf>, %select_n3A_1119, %reduce_min3A_1123 [1] : vector<256x1280xf32> to vector<256xf32>
      %broadcast_in_dim3A_1125 = vector.shape_cast %reduce_min3A_1124 : vector<256xf32> to vector<256x1xf32>
      %eq3A_1126 = vector.broadcast %broadcast_in_dim3A_1125 : vector<256x1xf32> to vector<256x1280xf32>
      %eq3A_1127 = arith.cmpf oeq, %select_n3A_1119, %eq3A_1126 : vector<256x1280xf32>
      %broadcast_in_dim3A_1128 = vector.broadcast %while3A_120 : f32 to vector<256x1280xf32>
      %select_n3A_1129 = arith.select %eq3A_1127, %get3A_1112, %broadcast_in_dim3A_1128 : vector<256x1280xi1>, vector<256x1280xf32>
      %reduce_min3A_1130 = arith.constant dense<0x7F800000> : vector<256xf32>
      %reduce_min3A_1131 = vector.multi_reduction <minimumf>, %select_n3A_1129, %reduce_min3A_1130 [1] : vector<256x1280xf32> to vector<256xf32>
      %broadcast_in_dim3A_1132 = vector.shape_cast %reduce_min3A_1131 : vector<256xf32> to vector<256x1xf32>
      %lt3A_1133 = arith.cmpf olt, %broadcast_in_dim3A_1125, %while3A_1105 : vector<256x1xf32>
      %select_n3A_1134 = arith.select %lt3A_1133, %broadcast_in_dim3A_1125, %while3A_1105 : vector<256x1xi1>, vector<256x1xf32>
      %select_n3A_1135 = arith.select %lt3A_1133, %broadcast_in_dim3A_1132, %while3A_1106 : vector<256x1xi1>, vector<256x1xf32>
      scf.yield %select_n3A_1134, %select_n3A_1135 : vector<256x1xf32>, vector<256x1xf32>
    }
    %while3A_130 = arith.constant 1 : i32
    %while3A_131:2 = scf.for %while3A_1104 = %while3A_127 to %while3A_123 step %while3A_130 iter_args(%while3A_1105 = %while3A_129#0, %while3A_1106 = %while3A_129#1) -> (vector<256x1xf32>, vector<256x1xf32>)  : i32 {
      %mul3A_1107 = arith.constant 1280 : i32
      %mul3A_1108 = arith.muli %while3A_1104, %mul3A_1107 : i32
      %multiple_of3A_1109 = tpu.assume_multiple %mul3A_1108, 1280 : i32
      %get3A_1110 = arith.constant 0 : index
      %get3A_1111 = arith.index_cast %multiple_of3A_1109 : i32 to index
      %get3A_1112 = vector.load %arg6[%get3A_1110, %get3A_1111] : memref<256x8960xf32, #tpu.memory_space<vmem>>, vector<256x1280xf32>
      %eq3A_1113 = vector.broadcast %while3A_84#1 : vector<256x1xf32> to vector<256x1280xf32>
      %eq3A_1114 = arith.cmpf oeq, %get3A_1112, %eq3A_1113 : vector<256x1280xf32>
      %get3A_1115 = arith.constant 0 : index
      %get3A_1116 = arith.index_cast %multiple_of3A_1109 : i32 to index
      %get3A_1117 = vector.load %arg5[%get3A_1115, %get3A_1116] : memref<256x8960xf32, #tpu.memory_space<vmem>>, vector<256x1280xf32>
      %broadcast_in_dim3A_1118 = vector.broadcast %while3A_120 : f32 to vector<256x1280xf32>
      %select_n3A_1119 = arith.select %eq3A_1114, %broadcast_in_dim3A_1118, %get3A_1117 : vector<256x1280xi1>, vector<256x1280xf32>
      %swap3A_1120 = arith.constant 0 : index
      %swap3A_1121 = arith.index_cast %multiple_of3A_1109 : i32 to index
      %swap3A_1122 = vector.load %arg5[%swap3A_1120, %swap3A_1121] : memref<256x8960xf32, #tpu.memory_space<vmem>>, vector<256x1280xf32>
      tpu.vector_store %arg5[%swap3A_1120, %swap3A_1121], %select_n3A_1119 {strides = array<i32>} : memref<256x8960xf32, #tpu.memory_space<vmem>>, vector<256x1280xf32>,
      %reduce_min3A_1123 = arith.constant dense<0x7F800000> : vector<256xf32>
      %reduce_min3A_1124 = vector.multi_reduction <minimumf>, %select_n3A_1119, %reduce_min3A_1123 [1] : vector<256x1280xf32> to vector<256xf32>
      %broadcast_in_dim3A_1125 = vector.shape_cast %reduce_min3A_1124 : vector<256xf32> to vector<256x1xf32>
      %eq3A_1126 = vector.broadcast %broadcast_in_dim3A_1125 : vector<256x1xf32> to vector<256x1280xf32>
      %eq3A_1127 = arith.cmpf oeq, %select_n3A_1119, %eq3A_1126 : vector<256x1280xf32>
      %broadcast_in_dim3A_1128 = vector.broadcast %while3A_120 : f32 to vector<256x1280xf32>
      %select_n3A_1129 = arith.select %eq3A_1127, %get3A_1112, %broadcast_in_dim3A_1128 : vector<256x1280xi1>, vector<256x1280xf32>
      %reduce_min3A_1130 = arith.constant dense<0x7F800000> : vector<256xf32>
      %reduce_min3A_1131 = vector.multi_reduction <minimumf>, %select_n3A_1129, %reduce_min3A_1130 [1] : vector<256x1280xf32> to vector<256xf32>
      %broadcast_in_dim3A_1132 = vector.shape_cast %reduce_min3A_1131 : vector<256xf32> to vector<256x1xf32>
      %lt3A_1133 = arith.cmpf olt, %broadcast_in_dim3A_1125, %while3A_1105 : vector<256x1xf32>
      %select_n3A_1134 = arith.select %lt3A_1133, %broadcast_in_dim3A_1125, %while3A_1105 : vector<256x1xi1>, vector<256x1xf32>
      %select_n3A_1135 = arith.select %lt3A_1133, %broadcast_in_dim3A_1132, %while3A_1106 : vector<256x1xi1>, vector<256x1xf32>
      scf.yield %select_n3A_1134, %select_n3A_1135 : vector<256x1xf32>, vector<256x1xf32>
    }
    %broadcast_in_dim3A_132 = arith.constant 3.000000e+38 : f32
    %broadcast_in_dim3A_133 = vector.broadcast %broadcast_in_dim3A_132 : f32 to vector<256x1xf32>
    %broadcast_in_dim3A_134 = arith.constant 3.000000e+38 : f32
    %broadcast_in_dim3A_135 = vector.broadcast %broadcast_in_dim3A_134 : f32 to vector<256x1xf32>
    %multiple_of3A_136 = arith.constant 0 : i32
    %multiple_of3A_137 = tpu.assume_multiple %multiple_of3A_136, 1280 : i32
    %get3A_138 = arith.constant 0 : index
    %get3A_139 = arith.index_cast %multiple_of3A_137 : i32 to index
    %get3A_140 = vector.load %arg6[%get3A_138, %get3A_139] : memref<256x8960xf32, #tpu.memory_space<vmem>>, vector<256x1280xf32>
    %eq3A_141 = vector.broadcast %while3A_131#1 : vector<256x1xf32> to vector<256x1280xf32>
    %eq3A_142 = arith.cmpf oeq, %get3A_140, %eq3A_141 : vector<256x1280xf32>
    %get3A_143 = arith.constant 0 : index
    %get3A_144 = arith.index_cast %multiple_of3A_137 : i32 to index
    %get3A_145 = vector.load %arg5[%get3A_143, %get3A_144] : memref<256x8960xf32, #tpu.memory_space<vmem>>, vector<256x1280xf32>
    %jit3A_146 = arith.constant 3.000000e+38 : f32
    %broadcast_in_dim3A_147 = vector.broadcast %jit3A_146 : f32 to vector<256x1280xf32>
    %select_n3A_148 = arith.select %eq3A_142, %broadcast_in_dim3A_147, %get3A_145 : vector<256x1280xi1>, vector<256x1280xf32>
    %swap3A_149 = arith.constant 0 : index
    %swap3A_150 = arith.index_cast %multiple_of3A_137 : i32 to index
    %swap3A_151 = vector.load %arg5[%swap3A_149, %swap3A_150] : memref<256x8960xf32, #tpu.memory_space<vmem>>, vector<256x1280xf32>
    tpu.vector_store %arg5[%swap3A_149, %swap3A_150], %select_n3A_148 {strides = array<i32>} : memref<256x8960xf32, #tpu.memory_space<vmem>>, vector<256x1280xf32>,
    %reduce_min3A_152 = arith.constant dense<0x7F800000> : vector<256xf32>
    %reduce_min3A_153 = vector.multi_reduction <minimumf>, %select_n3A_148, %reduce_min3A_152 [1] : vector<256x1280xf32> to vector<256xf32>
    %broadcast_in_dim3A_154 = vector.shape_cast %reduce_min3A_153 : vector<256xf32> to vector<256x1xf32>
    %eq3A_155 = vector.broadcast %broadcast_in_dim3A_154 : vector<256x1xf32> to vector<256x1280xf32>
    %eq3A_156 = arith.cmpf oeq, %select_n3A_148, %eq3A_155 : vector<256x1280xf32>
    %jit3A_157 = arith.constant 3.000000e+38 : f32
    %broadcast_in_dim3A_158 = vector.broadcast %jit3A_157 : f32 to vector<256x1280xf32>
    %select_n3A_159 = arith.select %eq3A_156, %get3A_140, %broadcast_in_dim3A_158 : vector<256x1280xi1>, vector<256x1280xf32>
    %reduce_min3A_160 = arith.constant dense<0x7F800000> : vector<256xf32>
    %reduce_min3A_161 = vector.multi_reduction <minimumf>, %select_n3A_159, %reduce_min3A_160 [1] : vector<256x1280xf32> to vector<256xf32>
    %broadcast_in_dim3A_162 = vector.shape_cast %reduce_min3A_161 : vector<256xf32> to vector<256x1xf32>
    %lt3A_163 = arith.cmpf olt, %broadcast_in_dim3A_154, %broadcast_in_dim3A_133 : vector<256x1xf32>
    %select_n3A_164 = arith.select %lt3A_163, %broadcast_in_dim3A_154, %broadcast_in_dim3A_133 : vector<256x1xi1>, vector<256x1xf32>
    %select_n3A_165 = arith.select %lt3A_163, %broadcast_in_dim3A_162, %broadcast_in_dim3A_135 : vector<256x1xi1>, vector<256x1xf32>
    %while3A_166 = arith.constant 3.000000e+38 : f32
    %while3A_167 = arith.constant 1 : i32
    %while3A_168 = arith.subi %get3A_4, %while3A_167 : i32
    %while3A_169 = arith.addi %while3A_167, %while3A_168 : i32
    %while3A_170 = arith.constant 1 : i32
    %while3A_171 = arith.divsi %while3A_168, %while3A_170 : i32
    %while3A_172 = arith.muli %while3A_171, %while3A_170 : i32
    %while3A_173 = arith.addi %while3A_167, %while3A_172 : i32
    %while3A_174 = arith.constant 1 : i32
    %while3A_175:2 = scf.for %while3A_1104 = %while3A_167 to %while3A_173 step %while3A_174 iter_args(%while3A_1105 = %select_n3A_164, %while3A_1106 = %select_n3A_165) -> (vector<256x1xf32>, vector<256x1xf32>)  : i32 {
      %mul3A_1107 = arith.constant 1280 : i32
      %mul3A_1108 = arith.muli %while3A_1104, %mul3A_1107 : i32
      %multiple_of3A_1109 = tpu.assume_multiple %mul3A_1108, 1280 : i32
      %get3A_1110 = arith.constant 0 : index
      %get3A_1111 = arith.index_cast %multiple_of3A_1109 : i32 to index
      %get3A_1112 = vector.load %arg6[%get3A_1110, %get3A_1111] : memref<256x8960xf32, #tpu.memory_space<vmem>>, vector<256x1280xf32>
      %eq3A_1113 = vector.broadcast %while3A_131#1 : vector<256x1xf32> to vector<256x1280xf32>
      %eq3A_1114 = arith.cmpf oeq, %get3A_1112, %eq3A_1113 : vector<256x1280xf32>
      %get3A_1115 = arith.constant 0 : index
      %get3A_1116 = arith.index_cast %multiple_of3A_1109 : i32 to index
      %get3A_1117 = vector.load %arg5[%get3A_1115, %get3A_1116] : memref<256x8960xf32, #tpu.memory_space<vmem>>, vector<256x1280xf32>
      %broadcast_in_dim3A_1118 = vector.broadcast %while3A_166 : f32 to vector<256x1280xf32>
      %select_n3A_1119 = arith.select %eq3A_1114, %broadcast_in_dim3A_1118, %get3A_1117 : vector<256x1280xi1>, vector<256x1280xf32>
      %swap3A_1120 = arith.constant 0 : index
      %swap3A_1121 = arith.index_cast %multiple_of3A_1109 : i32 to index
      %swap3A_1122 = vector.load %arg5[%swap3A_1120, %swap3A_1121] : memref<256x8960xf32, #tpu.memory_space<vmem>>, vector<256x1280xf32>
      tpu.vector_store %arg5[%swap3A_1120, %swap3A_1121], %select_n3A_1119 {strides = array<i32>} : memref<256x8960xf32, #tpu.memory_space<vmem>>, vector<256x1280xf32>,
      %reduce_min3A_1123 = arith.constant dense<0x7F800000> : vector<256xf32>
      %reduce_min3A_1124 = vector.multi_reduction <minimumf>, %select_n3A_1119, %reduce_min3A_1123 [1] : vector<256x1280xf32> to vector<256xf32>
      %broadcast_in_dim3A_1125 = vector.shape_cast %reduce_min3A_1124 : vector<256xf32> to vector<256x1xf32>
      %eq3A_1126 = vector.broadcast %broadcast_in_dim3A_1125 : vector<256x1xf32> to vector<256x1280xf32>
      %eq3A_1127 = arith.cmpf oeq, %select_n3A_1119, %eq3A_1126 : vector<256x1280xf32>
      %broadcast_in_dim3A_1128 = vector.broadcast %while3A_166 : f32 to vector<256x1280xf32>
      %select_n3A_1129 = arith.select %eq3A_1127, %get3A_1112, %broadcast_in_dim3A_1128 : vector<256x1280xi1>, vector<256x1280xf32>
      %reduce_min3A_1130 = arith.constant dense<0x7F800000> : vector<256xf32>
      %reduce_min3A_1131 = vector.multi_reduction <minimumf>, %select_n3A_1129, %reduce_min3A_1130 [1] : vector<256x1280xf32> to vector<256xf32>
      %broadcast_in_dim3A_1132 = vector.shape_cast %reduce_min3A_1131 : vector<256xf32> to vector<256x1xf32>
      %lt3A_1133 = arith.cmpf olt, %broadcast_in_dim3A_1125, %while3A_1105 : vector<256x1xf32>
      %select_n3A_1134 = arith.select %lt3A_1133, %broadcast_in_dim3A_1125, %while3A_1105 : vector<256x1xi1>, vector<256x1xf32>
      %select_n3A_1135 = arith.select %lt3A_1133, %broadcast_in_dim3A_1132, %while3A_1106 : vector<256x1xi1>, vector<256x1xf32>
      scf.yield %select_n3A_1134, %select_n3A_1135 : vector<256x1xf32>, vector<256x1xf32>
    }
    %while3A_176 = arith.constant 1 : i32
    %while3A_177:2 = scf.for %while3A_1104 = %while3A_173 to %while3A_169 step %while3A_176 iter_args(%while3A_1105 = %while3A_175#0, %while3A_1106 = %while3A_175#1) -> (vector<256x1xf32>, vector<256x1xf32>)  : i32 {
      %mul3A_1107 = arith.constant 1280 : i32
      %mul3A_1108 = arith.muli %while3A_1104, %mul3A_1107 : i32
      %multiple_of3A_1109 = tpu.assume_multiple %mul3A_1108, 1280 : i32
      %get3A_1110 = arith.constant 0 : index
      %get3A_1111 = arith.index_cast %multiple_of3A_1109 : i32 to index
      %get3A_1112 = vector.load %arg6[%get3A_1110, %get3A_1111] : memref<256x8960xf32, #tpu.memory_space<vmem>>, vector<256x1280xf32>
      %eq3A_1113 = vector.broadcast %while3A_131#1 : vector<256x1xf32> to vector<256x1280xf32>
      %eq3A_1114 = arith.cmpf oeq, %get3A_1112, %eq3A_1113 : vector<256x1280xf32>
      %get3A_1115 = arith.constant 0 : index
      %get3A_1116 = arith.index_cast %multiple_of3A_1109 : i32 to index
      %get3A_1117 = vector.load %arg5[%get3A_1115, %get3A_1116] : memref<256x8960xf32, #tpu.memory_space<vmem>>, vector<256x1280xf32>
      %broadcast_in_dim3A_1118 = vector.broadcast %while3A_166 : f32 to vector<256x1280xf32>
      %select_n3A_1119 = arith.select %eq3A_1114, %broadcast_in_dim3A_1118, %get3A_1117 : vector<256x1280xi1>, vector<256x1280xf32>
      %swap3A_1120 = arith.constant 0 : index
      %swap3A_1121 = arith.index_cast %multiple_of3A_1109 : i32 to index
      %swap3A_1122 = vector.load %arg5[%swap3A_1120, %swap3A_1121] : memref<256x8960xf32, #tpu.memory_space<vmem>>, vector<256x1280xf32>
      tpu.vector_store %arg5[%swap3A_1120, %swap3A_1121], %select_n3A_1119 {strides = array<i32>} : memref<256x8960xf32, #tpu.memory_space<vmem>>, vector<256x1280xf32>,
      %reduce_min3A_1123 = arith.constant dense<0x7F800000> : vector<256xf32>
      %reduce_min3A_1124 = vector.multi_reduction <minimumf>, %select_n3A_1119, %reduce_min3A_1123 [1] : vector<256x1280xf32> to vector<256xf32>
      %broadcast_in_dim3A_1125 = vector.shape_cast %reduce_min3A_1124 : vector<256xf32> to vector<256x1xf32>
      %eq3A_1126 = vector.broadcast %broadcast_in_dim3A_1125 : vector<256x1xf32> to vector<256x1280xf32>
      %eq3A_1127 = arith.cmpf oeq, %select_n3A_1119, %eq3A_1126 : vector<256x1280xf32>
      %broadcast_in_dim3A_1128 = vector.broadcast %while3A_166 : f32 to vector<256x1280xf32>
      %select_n3A_1129 = arith.select %eq3A_1127, %get3A_1112, %broadcast_in_dim3A_1128 : vector<256x1280xi1>, vector<256x1280xf32>
      %reduce_min3A_1130 = arith.constant dense<0x7F800000> : vector<256xf32>
      %reduce_min3A_1131 = vector.multi_reduction <minimumf>, %select_n3A_1129, %reduce_min3A_1130 [1] : vector<256x1280xf32> to vector<256xf32>
      %broadcast_in_dim3A_1132 = vector.shape_cast %reduce_min3A_1131 : vector<256xf32> to vector<256x1xf32>
      %lt3A_1133 = arith.cmpf olt, %broadcast_in_dim3A_1125, %while3A_1105 : vector<256x1xf32>
      %select_n3A_1134 = arith.select %lt3A_1133, %broadcast_in_dim3A_1125, %while3A_1105 : vector<256x1xi1>, vector<256x1xf32>
      %select_n3A_1135 = arith.select %lt3A_1133, %broadcast_in_dim3A_1132, %while3A_1106 : vector<256x1xi1>, vector<256x1xf32>
      scf.yield %select_n3A_1134, %select_n3A_1135 : vector<256x1xf32>, vector<256x1xf32>
    }
    %broadcast_in_dim3A_178 = arith.constant 3.000000e+38 : f32
    %broadcast_in_dim3A_179 = vector.broadcast %broadcast_in_dim3A_178 : f32 to vector<256x1xf32>
    %broadcast_in_dim3A_180 = arith.constant 3.000000e+38 : f32
    %broadcast_in_dim3A_181 = vector.broadcast %broadcast_in_dim3A_180 : f32 to vector<256x1xf32>
    %multiple_of3A_182 = arith.constant 0 : i32
    %multiple_of3A_183 = tpu.assume_multiple %multiple_of3A_182, 1280 : i32
    %get3A_184 = arith.constant 0 : index
    %get3A_185 = arith.index_cast %multiple_of3A_183 : i32 to index
    %get3A_186 = vector.load %arg6[%get3A_184, %get3A_185] : memref<256x8960xf32, #tpu.memory_space<vmem>>, vector<256x1280xf32>
    %eq3A_187 = vector.broadcast %while3A_177#1 : vector<256x1xf32> to vector<256x1280xf32>
    %eq3A_188 = arith.cmpf oeq, %get3A_186, %eq3A_187 : vector<256x1280xf32>
    %get3A_189 = arith.constant 0 : index
    %get3A_190 = arith.index_cast %multiple_of3A_183 : i32 to index
    %get3A_191 = vector.load %arg5[%get3A_189, %get3A_190] : memref<256x8960xf32, #tpu.memory_space<vmem>>, vector<256x1280xf32>
    %jit3A_192 = arith.constant 3.000000e+38 : f32
    %broadcast_in_dim3A_193 = vector.broadcast %jit3A_192 : f32 to vector<256x1280xf32>
    %select_n3A_194 = arith.select %eq3A_188, %broadcast_in_dim3A_193, %get3A_191 : vector<256x1280xi1>, vector<256x1280xf32>
    %swap3A_195 = arith.constant 0 : index
    %swap3A_196 = arith.index_cast %multiple_of3A_183 : i32 to index
    %swap3A_197 = vector.load %arg5[%swap3A_195, %swap3A_196] : memref<256x8960xf32, #tpu.memory_space<vmem>>, vector<256x1280xf32>
    tpu.vector_store %arg5[%swap3A_195, %swap3A_196], %select_n3A_194 {strides = array<i32>} : memref<256x8960xf32, #tpu.memory_space<vmem>>, vector<256x1280xf32>,
    %reduce_min3A_198 = arith.constant dense<0x7F800000> : vector<256xf32>
    %reduce_min3A_199 = vector.multi_reduction <minimumf>, %select_n3A_194, %reduce_min3A_198 [1] : vector<256x1280xf32> to vector<256xf32>
    %broadcast_in_dim3A_200 = vector.shape_cast %reduce_min3A_199 : vector<256xf32> to vector<256x1xf32>
    %eq3A_201 = vector.broadcast %broadcast_in_dim3A_200 : vector<256x1xf32> to vector<256x1280xf32>
    %eq3A_202 = arith.cmpf oeq, %select_n3A_194, %eq3A_201 : vector<256x1280xf32>
    %jit3A_203 = arith.constant 3.000000e+38 : f32
    %broadcast_in_dim3A_204 = vector.broadcast %jit3A_203 : f32 to vector<256x1280xf32>
    %select_n3A_205 = arith.select %eq3A_202, %get3A_186, %broadcast_in_dim3A_204 : vector<256x1280xi1>, vector<256x1280xf32>
    %reduce_min3A_206 = arith.constant dense<0x7F800000> : vector<256xf32>
    %reduce_min3A_207 = vector.multi_reduction <minimumf>, %select_n3A_205, %reduce_min3A_206 [1] : vector<256x1280xf32> to vector<256xf32>
    %broadcast_in_dim3A_208 = vector.shape_cast %reduce_min3A_207 : vector<256xf32> to vector<256x1xf32>
    %lt3A_209 = arith.cmpf olt, %broadcast_in_dim3A_200, %broadcast_in_dim3A_179 : vector<256x1xf32>
    %select_n3A_210 = arith.select %lt3A_209, %broadcast_in_dim3A_200, %broadcast_in_dim3A_179 : vector<256x1xi1>, vector<256x1xf32>
    %select_n3A_211 = arith.select %lt3A_209, %broadcast_in_dim3A_208, %broadcast_in_dim3A_181 : vector<256x1xi1>, vector<256x1xf32>
    %while3A_212 = arith.constant 3.000000e+38 : f32
    %while3A_213 = arith.constant 1 : i32
    %while3A_214 = arith.subi %get3A_4, %while3A_213 : i32
    %while3A_215 = arith.addi %while3A_213, %while3A_214 : i32
    %while3A_216 = arith.constant 1 : i32
    %while3A_217 = arith.divsi %while3A_214, %while3A_216 : i32
    %while3A_218 = arith.muli %while3A_217, %while3A_216 : i32
    %while3A_219 = arith.addi %while3A_213, %while3A_218 : i32
    %while3A_220 = arith.constant 1 : i32
    %while3A_221:2 = scf.for %while3A_1104 = %while3A_213 to %while3A_219 step %while3A_220 iter_args(%while3A_1105 = %select_n3A_210, %while3A_1106 = %select_n3A_211) -> (vector<256x1xf32>, vector<256x1xf32>)  : i32 {
      %mul3A_1107 = arith.constant 1280 : i32
      %mul3A_1108 = arith.muli %while3A_1104, %mul3A_1107 : i32
      %multiple_of3A_1109 = tpu.assume_multiple %mul3A_1108, 1280 : i32
      %get3A_1110 = arith.constant 0 : index
      %get3A_1111 = arith.index_cast %multiple_of3A_1109 : i32 to index
      %get3A_1112 = vector.load %arg6[%get3A_1110, %get3A_1111] : memref<256x8960xf32, #tpu.memory_space<vmem>>, vector<256x1280xf32>
      %eq3A_1113 = vector.broadcast %while3A_177#1 : vector<256x1xf32> to vector<256x1280xf32>
      %eq3A_1114 = arith.cmpf oeq, %get3A_1112, %eq3A_1113 : vector<256x1280xf32>
      %get3A_1115 = arith.constant 0 : index
      %get3A_1116 = arith.index_cast %multiple_of3A_1109 : i32 to index
      %get3A_1117 = vector.load %arg5[%get3A_1115, %get3A_1116] : memref<256x8960xf32, #tpu.memory_space<vmem>>, vector<256x1280xf32>
      %broadcast_in_dim3A_1118 = vector.broadcast %while3A_212 : f32 to vector<256x1280xf32>
      %select_n3A_1119 = arith.select %eq3A_1114, %broadcast_in_dim3A_1118, %get3A_1117 : vector<256x1280xi1>, vector<256x1280xf32>
      %swap3A_1120 = arith.constant 0 : index
      %swap3A_1121 = arith.index_cast %multiple_of3A_1109 : i32 to index
      %swap3A_1122 = vector.load %arg5[%swap3A_1120, %swap3A_1121] : memref<256x8960xf32, #tpu.memory_space<vmem>>, vector<256x1280xf32>
      tpu.vector_store %arg5[%swap3A_1120, %swap3A_1121], %select_n3A_1119 {strides = array<i32>} : memref<256x8960xf32, #tpu.memory_space<vmem>>, vector<256x1280xf32>,
      %reduce_min3A_1123 = arith.constant dense<0x7F800000> : vector<256xf32>
      %reduce_min3A_1124 = vector.multi_reduction <minimumf>, %select_n3A_1119, %reduce_min3A_1123 [1] : vector<256x1280xf32> to vector<256xf32>
      %broadcast_in_dim3A_1125 = vector.shape_cast %reduce_min3A_1124 : vector<256xf32> to vector<256x1xf32>
      %eq3A_1126 = vector.broadcast %broadcast_in_dim3A_1125 : vector<256x1xf32> to vector<256x1280xf32>
      %eq3A_1127 = arith.cmpf oeq, %select_n3A_1119, %eq3A_1126 : vector<256x1280xf32>
      %broadcast_in_dim3A_1128 = vector.broadcast %while3A_212 : f32 to vector<256x1280xf32>
      %select_n3A_1129 = arith.select %eq3A_1127, %get3A_1112, %broadcast_in_dim3A_1128 : vector<256x1280xi1>, vector<256x1280xf32>
      %reduce_min3A_1130 = arith.constant dense<0x7F800000> : vector<256xf32>
      %reduce_min3A_1131 = vector.multi_reduction <minimumf>, %select_n3A_1129, %reduce_min3A_1130 [1] : vector<256x1280xf32> to vector<256xf32>
      %broadcast_in_dim3A_1132 = vector.shape_cast %reduce_min3A_1131 : vector<256xf32> to vector<256x1xf32>
      %lt3A_1133 = arith.cmpf olt, %broadcast_in_dim3A_1125, %while3A_1105 : vector<256x1xf32>
      %select_n3A_1134 = arith.select %lt3A_1133, %broadcast_in_dim3A_1125, %while3A_1105 : vector<256x1xi1>, vector<256x1xf32>
      %select_n3A_1135 = arith.select %lt3A_1133, %broadcast_in_dim3A_1132, %while3A_1106 : vector<256x1xi1>, vector<256x1xf32>
      scf.yield %select_n3A_1134, %select_n3A_1135 : vector<256x1xf32>, vector<256x1xf32>
    }
    %while3A_222 = arith.constant 1 : i32
    %while3A_223:2 = scf.for %while3A_1104 = %while3A_219 to %while3A_215 step %while3A_222 iter_args(%while3A_1105 = %while3A_221#0, %while3A_1106 = %while3A_221#1) -> (vector<256x1xf32>, vector<256x1xf32>)  : i32 {
      %mul3A_1107 = arith.constant 1280 : i32
      %mul3A_1108 = arith.muli %while3A_1104, %mul3A_1107 : i32
      %multiple_of3A_1109 = tpu.assume_multiple %mul3A_1108, 1280 : i32
      %get3A_1110 = arith.constant 0 : index
      %get3A_1111 = arith.index_cast %multiple_of3A_1109 : i32 to index
      %get3A_1112 = vector.load %arg6[%get3A_1110, %get3A_1111] : memref<256x8960xf32, #tpu.memory_space<vmem>>, vector<256x1280xf32>
      %eq3A_1113 = vector.broadcast %while3A_177#1 : vector<256x1xf32> to vector<256x1280xf32>
      %eq3A_1114 = arith.cmpf oeq, %get3A_1112, %eq3A_1113 : vector<256x1280xf32>
      %get3A_1115 = arith.constant 0 : index
      %get3A_1116 = arith.index_cast %multiple_of3A_1109 : i32 to index
      %get3A_1117 = vector.load %arg5[%get3A_1115, %get3A_1116] : memref<256x8960xf32, #tpu.memory_space<vmem>>, vector<256x1280xf32>
      %broadcast_in_dim3A_1118 = vector.broadcast %while3A_212 : f32 to vector<256x1280xf32>
      %select_n3A_1119 = arith.select %eq3A_1114, %broadcast_in_dim3A_1118, %get3A_1117 : vector<256x1280xi1>, vector<256x1280xf32>
      %swap3A_1120 = arith.constant 0 : index
      %swap3A_1121 = arith.index_cast %multiple_of3A_1109 : i32 to index
      %swap3A_1122 = vector.load %arg5[%swap3A_1120, %swap3A_1121] : memref<256x8960xf32, #tpu.memory_space<vmem>>, vector<256x1280xf32>
      tpu.vector_store %arg5[%swap3A_1120, %swap3A_1121], %select_n3A_1119 {strides = array<i32>} : memref<256x8960xf32, #tpu.memory_space<vmem>>, vector<256x1280xf32>,
      %reduce_min3A_1123 = arith.constant dense<0x7F800000> : vector<256xf32>
      %reduce_min3A_1124 = vector.multi_reduction <minimumf>, %select_n3A_1119, %reduce_min3A_1123 [1] : vector<256x1280xf32> to vector<256xf32>
      %broadcast_in_dim3A_1125 = vector.shape_cast %reduce_min3A_1124 : vector<256xf32> to vector<256x1xf32>
      %eq3A_1126 = vector.broadcast %broadcast_in_dim3A_1125 : vector<256x1xf32> to vector<256x1280xf32>
      %eq3A_1127 = arith.cmpf oeq, %select_n3A_1119, %eq3A_1126 : vector<256x1280xf32>
      %broadcast_in_dim3A_1128 = vector.broadcast %while3A_212 : f32 to vector<256x1280xf32>
      %select_n3A_1129 = arith.select %eq3A_1127, %get3A_1112, %broadcast_in_dim3A_1128 : vector<256x1280xi1>, vector<256x1280xf32>
      %reduce_min3A_1130 = arith.constant dense<0x7F800000> : vector<256xf32>
      %reduce_min3A_1131 = vector.multi_reduction <minimumf>, %select_n3A_1129, %reduce_min3A_1130 [1] : vector<256x1280xf32> to vector<256xf32>
      %broadcast_in_dim3A_1132 = vector.shape_cast %reduce_min3A_1131 : vector<256xf32> to vector<256x1xf32>
      %lt3A_1133 = arith.cmpf olt, %broadcast_in_dim3A_1125, %while3A_1105 : vector<256x1xf32>
      %select_n3A_1134 = arith.select %lt3A_1133, %broadcast_in_dim3A_1125, %while3A_1105 : vector<256x1xi1>, vector<256x1xf32>
      %select_n3A_1135 = arith.select %lt3A_1133, %broadcast_in_dim3A_1132, %while3A_1106 : vector<256x1xi1>, vector<256x1xf32>
      scf.yield %select_n3A_1134, %select_n3A_1135 : vector<256x1xf32>, vector<256x1xf32>
    }
    %broadcast_in_dim3A_224 = arith.constant 3.000000e+38 : f32
    %broadcast_in_dim3A_225 = vector.broadcast %broadcast_in_dim3A_224 : f32 to vector<256x1xf32>
    %broadcast_in_dim3A_226 = arith.constant 3.000000e+38 : f32
    %broadcast_in_dim3A_227 = vector.broadcast %broadcast_in_dim3A_226 : f32 to vector<256x1xf32>
    %multiple_of3A_228 = arith.constant 0 : i32
    %multiple_of3A_229 = tpu.assume_multiple %multiple_of3A_228, 1280 : i32
    %get3A_230 = arith.constant 0 : index
    %get3A_231 = arith.index_cast %multiple_of3A_229 : i32 to index
    %get3A_232 = vector.load %arg6[%get3A_230, %get3A_231] : memref<256x8960xf32, #tpu.memory_space<vmem>>, vector<256x1280xf32>
    %eq3A_233 = vector.broadcast %while3A_223#1 : vector<256x1xf32> to vector<256x1280xf32>
    %eq3A_234 = arith.cmpf oeq, %get3A_232, %eq3A_233 : vector<256x1280xf32>
    %get3A_235 = arith.constant 0 : index
    %get3A_236 = arith.index_cast %multiple_of3A_229 : i32 to index
    %get3A_237 = vector.load %arg5[%get3A_235, %get3A_236] : memref<256x8960xf32, #tpu.memory_space<vmem>>, vector<256x1280xf32>
    %jit3A_238 = arith.constant 3.000000e+38 : f32
    %broadcast_in_dim3A_239 = vector.broadcast %jit3A_238 : f32 to vector<256x1280xf32>
    %select_n3A_240 = arith.select %eq3A_234, %broadcast_in_dim3A_239, %get3A_237 : vector<256x1280xi1>, vector<256x1280xf32>
    %swap3A_241 = arith.constant 0 : index
    %swap3A_242 = arith.index_cast %multiple_of3A_229 : i32 to index
    %swap3A_243 = vector.load %arg5[%swap3A_241, %swap3A_242] : memref<256x8960xf32, #tpu.memory_space<vmem>>, vector<256x1280xf32>
    tpu.vector_store %arg5[%swap3A_241, %swap3A_242], %select_n3A_240 {strides = array<i32>} : memref<256x8960xf32, #tpu.memory_space<vmem>>, vector<256x1280xf32>,
    %reduce_min3A_244 = arith.constant dense<0x7F800000> : vector<256xf32>
    %reduce_min3A_245 = vector.multi_reduction <minimumf>, %select_n3A_240, %reduce_min3A_244 [1] : vector<256x1280xf32> to vector<256xf32>
    %broadcast_in_dim3A_246 = vector.shape_cast %reduce_min3A_245 : vector<256xf32> to vector<256x1xf32>
    %eq3A_247 = vector.broadcast %broadcast_in_dim3A_246 : vector<256x1xf32> to vector<256x1280xf32>
    %eq3A_248 = arith.cmpf oeq, %select_n3A_240, %eq3A_247 : vector<256x1280xf32>
    %jit3A_249 = arith.constant 3.000000e+38 : f32
    %broadcast_in_dim3A_250 = vector.broadcast %jit3A_249 : f32 to vector<256x1280xf32>
    %select_n3A_251 = arith.select %eq3A_248, %get3A_232, %broadcast_in_dim3A_250 : vector<256x1280xi1>, vector<256x1280xf32>
    %reduce_min3A_252 = arith.constant dense<0x7F800000> : vector<256xf32>
    %reduce_min3A_253 = vector.multi_reduction <minimumf>, %select_n3A_251, %reduce_min3A_252 [1] : vector<256x1280xf32> to vector<256xf32>
    %broadcast_in_dim3A_254 = vector.shape_cast %reduce_min3A_253 : vector<256xf32> to vector<256x1xf32>
    %lt3A_255 = arith.cmpf olt, %broadcast_in_dim3A_246, %broadcast_in_dim3A_225 : vector<256x1xf32>
    %select_n3A_256 = arith.select %lt3A_255, %broadcast_in_dim3A_246, %broadcast_in_dim3A_225 : vector<256x1xi1>, vector<256x1xf32>
    %select_n3A_257 = arith.select %lt3A_255, %broadcast_in_dim3A_254, %broadcast_in_dim3A_227 : vector<256x1xi1>, vector<256x1xf32>
    %while3A_258 = arith.constant 3.000000e+38 : f32
    %while3A_259 = arith.constant 1 : i32
    %while3A_260 = arith.subi %get3A_4, %while3A_259 : i32
    %while3A_261 = arith.addi %while3A_259, %while3A_260 : i32
    %while3A_262 = arith.constant 1 : i32
    %while3A_263 = arith.divsi %while3A_260, %while3A_262 : i32
    %while3A_264 = arith.muli %while3A_263, %while3A_262 : i32
    %while3A_265 = arith.addi %while3A_259, %while3A_264 : i32
    %while3A_266 = arith.constant 1 : i32
    %while3A_267:2 = scf.for %while3A_1104 = %while3A_259 to %while3A_265 step %while3A_266 iter_args(%while3A_1105 = %select_n3A_256, %while3A_1106 = %select_n3A_257) -> (vector<256x1xf32>, vector<256x1xf32>)  : i32 {
      %mul3A_1107 = arith.constant 1280 : i32
      %mul3A_1108 = arith.muli %while3A_1104, %mul3A_1107 : i32
      %multiple_of3A_1109 = tpu.assume_multiple %mul3A_1108, 1280 : i32
      %get3A_1110 = arith.constant 0 : index
      %get3A_1111 = arith.index_cast %multiple_of3A_1109 : i32 to index
      %get3A_1112 = vector.load %arg6[%get3A_1110, %get3A_1111] : memref<256x8960xf32, #tpu.memory_space<vmem>>, vector<256x1280xf32>
      %eq3A_1113 = vector.broadcast %while3A_223#1 : vector<256x1xf32> to vector<256x1280xf32>
      %eq3A_1114 = arith.cmpf oeq, %get3A_1112, %eq3A_1113 : vector<256x1280xf32>
      %get3A_1115 = arith.constant 0 : index
      %get3A_1116 = arith.index_cast %multiple_of3A_1109 : i32 to index
      %get3A_1117 = vector.load %arg5[%get3A_1115, %get3A_1116] : memref<256x8960xf32, #tpu.memory_space<vmem>>, vector<256x1280xf32>
      %broadcast_in_dim3A_1118 = vector.broadcast %while3A_258 : f32 to vector<256x1280xf32>
      %select_n3A_1119 = arith.select %eq3A_1114, %broadcast_in_dim3A_1118, %get3A_1117 : vector<256x1280xi1>, vector<256x1280xf32>
      %swap3A_1120 = arith.constant 0 : index
      %swap3A_1121 = arith.index_cast %multiple_of3A_1109 : i32 to index
      %swap3A_1122 = vector.load %arg5[%swap3A_1120, %swap3A_1121] : memref<256x8960xf32, #tpu.memory_space<vmem>>, vector<256x1280xf32>
      tpu.vector_store %arg5[%swap3A_1120, %swap3A_1121], %select_n3A_1119 {strides = array<i32>} : memref<256x8960xf32, #tpu.memory_space<vmem>>, vector<256x1280xf32>,
      %reduce_min3A_1123 = arith.constant dense<0x7F800000> : vector<256xf32>
      %reduce_min3A_1124 = vector.multi_reduction <minimumf>, %select_n3A_1119, %reduce_min3A_1123 [1] : vector<256x1280xf32> to vector<256xf32>
      %broadcast_in_dim3A_1125 = vector.shape_cast %reduce_min3A_1124 : vector<256xf32> to vector<256x1xf32>
      %eq3A_1126 = vector.broadcast %broadcast_in_dim3A_1125 : vector<256x1xf32> to vector<256x1280xf32>
      %eq3A_1127 = arith.cmpf oeq, %select_n3A_1119, %eq3A_1126 : vector<256x1280xf32>
      %broadcast_in_dim3A_1128 = vector.broadcast %while3A_258 : f32 to vector<256x1280xf32>
      %select_n3A_1129 = arith.select %eq3A_1127, %get3A_1112, %broadcast_in_dim3A_1128 : vector<256x1280xi1>, vector<256x1280xf32>
      %reduce_min3A_1130 = arith.constant dense<0x7F800000> : vector<256xf32>
      %reduce_min3A_1131 = vector.multi_reduction <minimumf>, %select_n3A_1129, %reduce_min3A_1130 [1] : vector<256x1280xf32> to vector<256xf32>
      %broadcast_in_dim3A_1132 = vector.shape_cast %reduce_min3A_1131 : vector<256xf32> to vector<256x1xf32>
      %lt3A_1133 = arith.cmpf olt, %broadcast_in_dim3A_1125, %while3A_1105 : vector<256x1xf32>
      %select_n3A_1134 = arith.select %lt3A_1133, %broadcast_in_dim3A_1125, %while3A_1105 : vector<256x1xi1>, vector<256x1xf32>
      %select_n3A_1135 = arith.select %lt3A_1133, %broadcast_in_dim3A_1132, %while3A_1106 : vector<256x1xi1>, vector<256x1xf32>
      scf.yield %select_n3A_1134, %select_n3A_1135 : vector<256x1xf32>, vector<256x1xf32>
    }
    %while3A_268 = arith.constant 1 : i32
    %while3A_269:2 = scf.for %while3A_1104 = %while3A_265 to %while3A_261 step %while3A_268 iter_args(%while3A_1105 = %while3A_267#0, %while3A_1106 = %while3A_267#1) -> (vector<256x1xf32>, vector<256x1xf32>)  : i32 {
      %mul3A_1107 = arith.constant 1280 : i32
      %mul3A_1108 = arith.muli %while3A_1104, %mul3A_1107 : i32
      %multiple_of3A_1109 = tpu.assume_multiple %mul3A_1108, 1280 : i32
      %get3A_1110 = arith.constant 0 : index
      %get3A_1111 = arith.index_cast %multiple_of3A_1109 : i32 to index
      %get3A_1112 = vector.load %arg6[%get3A_1110, %get3A_1111] : memref<256x8960xf32, #tpu.memory_space<vmem>>, vector<256x1280xf32>
      %eq3A_1113 = vector.broadcast %while3A_223#1 : vector<256x1xf32> to vector<256x1280xf32>
      %eq3A_1114 = arith.cmpf oeq, %get3A_1112, %eq3A_1113 : vector<256x1280xf32>
      %get3A_1115 = arith.constant 0 : index
      %get3A_1116 = arith.index_cast %multiple_of3A_1109 : i32 to index
      %get3A_1117 = vector.load %arg5[%get3A_1115, %get3A_1116] : memref<256x8960xf32, #tpu.memory_space<vmem>>, vector<256x1280xf32>
      %broadcast_in_dim3A_1118 = vector.broadcast %while3A_258 : f32 to vector<256x1280xf32>
      %select_n3A_1119 = arith.select %eq3A_1114, %broadcast_in_dim3A_1118, %get3A_1117 : vector<256x1280xi1>, vector<256x1280xf32>
      %swap3A_1120 = arith.constant 0 : index
      %swap3A_1121 = arith.index_cast %multiple_of3A_1109 : i32 to index
      %swap3A_1122 = vector.load %arg5[%swap3A_1120, %swap3A_1121] : memref<256x8960xf32, #tpu.memory_space<vmem>>, vector<256x1280xf32>
      tpu.vector_store %arg5[%swap3A_1120, %swap3A_1121], %select_n3A_1119 {strides = array<i32>} : memref<256x8960xf32, #tpu.memory_space<vmem>>, vector<256x1280xf32>,
      %reduce_min3A_1123 = arith.constant dense<0x7F800000> : vector<256xf32>
      %reduce_min3A_1124 = vector.multi_reduction <minimumf>, %select_n3A_1119, %reduce_min3A_1123 [1] : vector<256x1280xf32> to vector<256xf32>
      %broadcast_in_dim3A_1125 = vector.shape_cast %reduce_min3A_1124 : vector<256xf32> to vector<256x1xf32>
      %eq3A_1126 = vector.broadcast %broadcast_in_dim3A_1125 : vector<256x1xf32> to vector<256x1280xf32>
      %eq3A_1127 = arith.cmpf oeq, %select_n3A_1119, %eq3A_1126 : vector<256x1280xf32>
      %broadcast_in_dim3A_1128 = vector.broadcast %while3A_258 : f32 to vector<256x1280xf32>
      %select_n3A_1129 = arith.select %eq3A_1127, %get3A_1112, %broadcast_in_dim3A_1128 : vector<256x1280xi1>, vector<256x1280xf32>
      %reduce_min3A_1130 = arith.constant dense<0x7F800000> : vector<256xf32>
      %reduce_min3A_1131 = vector.multi_reduction <minimumf>, %select_n3A_1129, %reduce_min3A_1130 [1] : vector<256x1280xf32> to vector<256xf32>
      %broadcast_in_dim3A_1132 = vector.shape_cast %reduce_min3A_1131 : vector<256xf32> to vector<256x1xf32>
      %lt3A_1133 = arith.cmpf olt, %broadcast_in_dim3A_1125, %while3A_1105 : vector<256x1xf32>
      %select_n3A_1134 = arith.select %lt3A_1133, %broadcast_in_dim3A_1125, %while3A_1105 : vector<256x1xi1>, vector<256x1xf32>
      %select_n3A_1135 = arith.select %lt3A_1133, %broadcast_in_dim3A_1132, %while3A_1106 : vector<256x1xi1>, vector<256x1xf32>
      scf.yield %select_n3A_1134, %select_n3A_1135 : vector<256x1xf32>, vector<256x1xf32>
    }
    %broadcast_in_dim3A_270 = arith.constant 3.000000e+38 : f32
    %broadcast_in_dim3A_271 = vector.broadcast %broadcast_in_dim3A_270 : f32 to vector<256x1xf32>
    %broadcast_in_dim3A_272 = arith.constant 3.000000e+38 : f32
    %broadcast_in_dim3A_273 = vector.broadcast %broadcast_in_dim3A_272 : f32 to vector<256x1xf32>
    %multiple_of3A_274 = arith.constant 0 : i32
    %multiple_of3A_275 = tpu.assume_multiple %multiple_of3A_274, 1280 : i32
    %get3A_276 = arith.constant 0 : index
    %get3A_277 = arith.index_cast %multiple_of3A_275 : i32 to index
    %get3A_278 = vector.load %arg6[%get3A_276, %get3A_277] : memref<256x8960xf32, #tpu.memory_space<vmem>>, vector<256x1280xf32>
    %eq3A_279 = vector.broadcast %while3A_269#1 : vector<256x1xf32> to vector<256x1280xf32>
    %eq3A_280 = arith.cmpf oeq, %get3A_278, %eq3A_279 : vector<256x1280xf32>
    %get3A_281 = arith.constant 0 : index
    %get3A_282 = arith.index_cast %multiple_of3A_275 : i32 to index
    %get3A_283 = vector.load %arg5[%get3A_281, %get3A_282] : memref<256x8960xf32, #tpu.memory_space<vmem>>, vector<256x1280xf32>
    %jit3A_284 = arith.constant 3.000000e+38 : f32
    %broadcast_in_dim3A_285 = vector.broadcast %jit3A_284 : f32 to vector<256x1280xf32>
    %select_n3A_286 = arith.select %eq3A_280, %broadcast_in_dim3A_285, %get3A_283 : vector<256x1280xi1>, vector<256x1280xf32>
    %swap3A_287 = arith.constant 0 : index
    %swap3A_288 = arith.index_cast %multiple_of3A_275 : i32 to index
    %swap3A_289 = vector.load %arg5[%swap3A_287, %swap3A_288] : memref<256x8960xf32, #tpu.memory_space<vmem>>, vector<256x1280xf32>
    tpu.vector_store %arg5[%swap3A_287, %swap3A_288], %select_n3A_286 {strides = array<i32>} : memref<256x8960xf32, #tpu.memory_space<vmem>>, vector<256x1280xf32>,
    %reduce_min3A_290 = arith.constant dense<0x7F800000> : vector<256xf32>
    %reduce_min3A_291 = vector.multi_reduction <minimumf>, %select_n3A_286, %reduce_min3A_290 [1] : vector<256x1280xf32> to vector<256xf32>
    %broadcast_in_dim3A_292 = vector.shape_cast %reduce_min3A_291 : vector<256xf32> to vector<256x1xf32>
    %eq3A_293 = vector.broadcast %broadcast_in_dim3A_292 : vector<256x1xf32> to vector<256x1280xf32>
    %eq3A_294 = arith.cmpf oeq, %select_n3A_286, %eq3A_293 : vector<256x1280xf32>
    %jit3A_295 = arith.constant 3.000000e+38 : f32
    %broadcast_in_dim3A_296 = vector.broadcast %jit3A_295 : f32 to vector<256x1280xf32>
    %select_n3A_297 = arith.select %eq3A_294, %get3A_278, %broadcast_in_dim3A_296 : vector<256x1280xi1>, vector<256x1280xf32>
    %reduce_min3A_298 = arith.constant dense<0x7F800000> : vector<256xf32>
    %reduce_min3A_299 = vector.multi_reduction <minimumf>, %select_n3A_297, %reduce_min3A_298 [1] : vector<256x1280xf32> to vector<256xf32>
    %broadcast_in_dim3A_300 = vector.shape_cast %reduce_min3A_299 : vector<256xf32> to vector<256x1xf32>
    %lt3A_301 = arith.cmpf olt, %broadcast_in_dim3A_292, %broadcast_in_dim3A_271 : vector<256x1xf32>
    %select_n3A_302 = arith.select %lt3A_301, %broadcast_in_dim3A_292, %broadcast_in_dim3A_271 : vector<256x1xi1>, vector<256x1xf32>
    %select_n3A_303 = arith.select %lt3A_301, %broadcast_in_dim3A_300, %broadcast_in_dim3A_273 : vector<256x1xi1>, vector<256x1xf32>
    %while3A_304 = arith.constant 3.000000e+38 : f32
    %while3A_305 = arith.constant 1 : i32
    %while3A_306 = arith.subi %get3A_4, %while3A_305 : i32
    %while3A_307 = arith.addi %while3A_305, %while3A_306 : i32
    %while3A_308 = arith.constant 1 : i32
    %while3A_309 = arith.divsi %while3A_306, %while3A_308 : i32
    %while3A_310 = arith.muli %while3A_309, %while3A_308 : i32
    %while3A_311 = arith.addi %while3A_305, %while3A_310 : i32
    %while3A_312 = arith.constant 1 : i32
    %while3A_313:2 = scf.for %while3A_1104 = %while3A_305 to %while3A_311 step %while3A_312 iter_args(%while3A_1105 = %select_n3A_302, %while3A_1106 = %select_n3A_303) -> (vector<256x1xf32>, vector<256x1xf32>)  : i32 {
      %mul3A_1107 = arith.constant 1280 : i32
      %mul3A_1108 = arith.muli %while3A_1104, %mul3A_1107 : i32
      %multiple_of3A_1109 = tpu.assume_multiple %mul3A_1108, 1280 : i32
      %get3A_1110 = arith.constant 0 : index
      %get3A_1111 = arith.index_cast %multiple_of3A_1109 : i32 to index
      %get3A_1112 = vector.load %arg6[%get3A_1110, %get3A_1111] : memref<256x8960xf32, #tpu.memory_space<vmem>>, vector<256x1280xf32>
      %eq3A_1113 = vector.broadcast %while3A_269#1 : vector<256x1xf32> to vector<256x1280xf32>
      %eq3A_1114 = arith.cmpf oeq, %get3A_1112, %eq3A_1113 : vector<256x1280xf32>
      %get3A_1115 = arith.constant 0 : index
      %get3A_1116 = arith.index_cast %multiple_of3A_1109 : i32 to index
      %get3A_1117 = vector.load %arg5[%get3A_1115, %get3A_1116] : memref<256x8960xf32, #tpu.memory_space<vmem>>, vector<256x1280xf32>
      %broadcast_in_dim3A_1118 = vector.broadcast %while3A_304 : f32 to vector<256x1280xf32>
      %select_n3A_1119 = arith.select %eq3A_1114, %broadcast_in_dim3A_1118, %get3A_1117 : vector<256x1280xi1>, vector<256x1280xf32>
      %swap3A_1120 = arith.constant 0 : index
      %swap3A_1121 = arith.index_cast %multiple_of3A_1109 : i32 to index
      %swap3A_1122 = vector.load %arg5[%swap3A_1120, %swap3A_1121] : memref<256x8960xf32, #tpu.memory_space<vmem>>, vector<256x1280xf32>
      tpu.vector_store %arg5[%swap3A_1120, %swap3A_1121], %select_n3A_1119 {strides = array<i32>} : memref<256x8960xf32, #tpu.memory_space<vmem>>, vector<256x1280xf32>,
      %reduce_min3A_1123 = arith.constant dense<0x7F800000> : vector<256xf32>
      %reduce_min3A_1124 = vector.multi_reduction <minimumf>, %select_n3A_1119, %reduce_min3A_1123 [1] : vector<256x1280xf32> to vector<256xf32>
      %broadcast_in_dim3A_1125 = vector.shape_cast %reduce_min3A_1124 : vector<256xf32> to vector<256x1xf32>
      %eq3A_1126 = vector.broadcast %broadcast_in_dim3A_1125 : vector<256x1xf32> to vector<256x1280xf32>
      %eq3A_1127 = arith.cmpf oeq, %select_n3A_1119, %eq3A_1126 : vector<256x1280xf32>
      %broadcast_in_dim3A_1128 = vector.broadcast %while3A_304 : f32 to vector<256x1280xf32>
      %select_n3A_1129 = arith.select %eq3A_1127, %get3A_1112, %broadcast_in_dim3A_1128 : vector<256x1280xi1>, vector<256x1280xf32>
      %reduce_min3A_1130 = arith.constant dense<0x7F800000> : vector<256xf32>
      %reduce_min3A_1131 = vector.multi_reduction <minimumf>, %select_n3A_1129, %reduce_min3A_1130 [1] : vector<256x1280xf32> to vector<256xf32>
      %broadcast_in_dim3A_1132 = vector.shape_cast %reduce_min3A_1131 : vector<256xf32> to vector<256x1xf32>
      %lt3A_1133 = arith.cmpf olt, %broadcast_in_dim3A_1125, %while3A_1105 : vector<256x1xf32>
      %select_n3A_1134 = arith.select %lt3A_1133, %broadcast_in_dim3A_1125, %while3A_1105 : vector<256x1xi1>, vector<256x1xf32>
      %select_n3A_1135 = arith.select %lt3A_1133, %broadcast_in_dim3A_1132, %while3A_1106 : vector<256x1xi1>, vector<256x1xf32>
      scf.yield %select_n3A_1134, %select_n3A_1135 : vector<256x1xf32>, vector<256x1xf32>
    }
    %while3A_314 = arith.constant 1 : i32
    %while3A_315:2 = scf.for %while3A_1104 = %while3A_311 to %while3A_307 step %while3A_314 iter_args(%while3A_1105 = %while3A_313#0, %while3A_1106 = %while3A_313#1) -> (vector<256x1xf32>, vector<256x1xf32>)  : i32 {
      %mul3A_1107 = arith.constant 1280 : i32
      %mul3A_1108 = arith.muli %while3A_1104, %mul3A_1107 : i32
      %multiple_of3A_1109 = tpu.assume_multiple %mul3A_1108, 1280 : i32
      %get3A_1110 = arith.constant 0 : index
      %get3A_1111 = arith.index_cast %multiple_of3A_1109 : i32 to index
      %get3A_1112 = vector.load %arg6[%get3A_1110, %get3A_1111] : memref<256x8960xf32, #tpu.memory_space<vmem>>, vector<256x1280xf32>
      %eq3A_1113 = vector.broadcast %while3A_269#1 : vector<256x1xf32> to vector<256x1280xf32>
      %eq3A_1114 = arith.cmpf oeq, %get3A_1112, %eq3A_1113 : vector<256x1280xf32>
      %get3A_1115 = arith.constant 0 : index
      %get3A_1116 = arith.index_cast %multiple_of3A_1109 : i32 to index
      %get3A_1117 = vector.load %arg5[%get3A_1115, %get3A_1116] : memref<256x8960xf32, #tpu.memory_space<vmem>>, vector<256x1280xf32>
      %broadcast_in_dim3A_1118 = vector.broadcast %while3A_304 : f32 to vector<256x1280xf32>
      %select_n3A_1119 = arith.select %eq3A_1114, %broadcast_in_dim3A_1118, %get3A_1117 : vector<256x1280xi1>, vector<256x1280xf32>
      %swap3A_1120 = arith.constant 0 : index
      %swap3A_1121 = arith.index_cast %multiple_of3A_1109 : i32 to index
      %swap3A_1122 = vector.load %arg5[%swap3A_1120, %swap3A_1121] : memref<256x8960xf32, #tpu.memory_space<vmem>>, vector<256x1280xf32>
      tpu.vector_store %arg5[%swap3A_1120, %swap3A_1121], %select_n3A_1119 {strides = array<i32>} : memref<256x8960xf32, #tpu.memory_space<vmem>>, vector<256x1280xf32>,
      %reduce_min3A_1123 = arith.constant dense<0x7F800000> : vector<256xf32>
      %reduce_min3A_1124 = vector.multi_reduction <minimumf>, %select_n3A_1119, %reduce_min3A_1123 [1] : vector<256x1280xf32> to vector<256xf32>
      %broadcast_in_dim3A_1125 = vector.shape_cast %reduce_min3A_1124 : vector<256xf32> to vector<256x1xf32>
      %eq3A_1126 = vector.broadcast %broadcast_in_dim3A_1125 : vector<256x1xf32> to vector<256x1280xf32>
      %eq3A_1127 = arith.cmpf oeq, %select_n3A_1119, %eq3A_1126 : vector<256x1280xf32>
      %broadcast_in_dim3A_1128 = vector.broadcast %while3A_304 : f32 to vector<256x1280xf32>
      %select_n3A_1129 = arith.select %eq3A_1127, %get3A_1112, %broadcast_in_dim3A_1128 : vector<256x1280xi1>, vector<256x1280xf32>
      %reduce_min3A_1130 = arith.constant dense<0x7F800000> : vector<256xf32>
      %reduce_min3A_1131 = vector.multi_reduction <minimumf>, %select_n3A_1129, %reduce_min3A_1130 [1] : vector<256x1280xf32> to vector<256xf32>
      %broadcast_in_dim3A_1132 = vector.shape_cast %reduce_min3A_1131 : vector<256xf32> to vector<256x1xf32>
      %lt3A_1133 = arith.cmpf olt, %broadcast_in_dim3A_1125, %while3A_1105 : vector<256x1xf32>
      %select_n3A_1134 = arith.select %lt3A_1133, %broadcast_in_dim3A_1125, %while3A_1105 : vector<256x1xi1>, vector<256x1xf32>
      %select_n3A_1135 = arith.select %lt3A_1133, %broadcast_in_dim3A_1132, %while3A_1106 : vector<256x1xi1>, vector<256x1xf32>
      scf.yield %select_n3A_1134, %select_n3A_1135 : vector<256x1xf32>, vector<256x1xf32>
    }
    %broadcast_in_dim3A_316 = arith.constant 3.000000e+38 : f32
    %broadcast_in_dim3A_317 = vector.broadcast %broadcast_in_dim3A_316 : f32 to vector<256x1xf32>
    %broadcast_in_dim3A_318 = arith.constant 3.000000e+38 : f32
    %broadcast_in_dim3A_319 = vector.broadcast %broadcast_in_dim3A_318 : f32 to vector<256x1xf32>
    %multiple_of3A_320 = arith.constant 0 : i32
    %multiple_of3A_321 = tpu.assume_multiple %multiple_of3A_320, 1280 : i32
    %get3A_322 = arith.constant 0 : index
    %get3A_323 = arith.index_cast %multiple_of3A_321 : i32 to index
    %get3A_324 = vector.load %arg6[%get3A_322, %get3A_323] : memref<256x8960xf32, #tpu.memory_space<vmem>>, vector<256x1280xf32>
    %eq3A_325 = vector.broadcast %while3A_315#1 : vector<256x1xf32> to vector<256x1280xf32>
    %eq3A_326 = arith.cmpf oeq, %get3A_324, %eq3A_325 : vector<256x1280xf32>
    %get3A_327 = arith.constant 0 : index
    %get3A_328 = arith.index_cast %multiple_of3A_321 : i32 to index
    %get3A_329 = vector.load %arg5[%get3A_327, %get3A_328] : memref<256x8960xf32, #tpu.memory_space<vmem>>, vector<256x1280xf32>
    %jit3A_330 = arith.constant 3.000000e+38 : f32
    %broadcast_in_dim3A_331 = vector.broadcast %jit3A_330 : f32 to vector<256x1280xf32>
    %select_n3A_332 = arith.select %eq3A_326, %broadcast_in_dim3A_331, %get3A_329 : vector<256x1280xi1>, vector<256x1280xf32>
    %swap3A_333 = arith.constant 0 : index
    %swap3A_334 = arith.index_cast %multiple_of3A_321 : i32 to index
    %swap3A_335 = vector.load %arg5[%swap3A_333, %swap3A_334] : memref<256x8960xf32, #tpu.memory_space<vmem>>, vector<256x1280xf32>
    tpu.vector_store %arg5[%swap3A_333, %swap3A_334], %select_n3A_332 {strides = array<i32>} : memref<256x8960xf32, #tpu.memory_space<vmem>>, vector<256x1280xf32>,
    %reduce_min3A_336 = arith.constant dense<0x7F800000> : vector<256xf32>
    %reduce_min3A_337 = vector.multi_reduction <minimumf>, %select_n3A_332, %reduce_min3A_336 [1] : vector<256x1280xf32> to vector<256xf32>
    %broadcast_in_dim3A_338 = vector.shape_cast %reduce_min3A_337 : vector<256xf32> to vector<256x1xf32>
    %eq3A_339 = vector.broadcast %broadcast_in_dim3A_338 : vector<256x1xf32> to vector<256x1280xf32>
    %eq3A_340 = arith.cmpf oeq, %select_n3A_332, %eq3A_339 : vector<256x1280xf32>
    %jit3A_341 = arith.constant 3.000000e+38 : f32
    %broadcast_in_dim3A_342 = vector.broadcast %jit3A_341 : f32 to vector<256x1280xf32>
    %select_n3A_343 = arith.select %eq3A_340, %get3A_324, %broadcast_in_dim3A_342 : vector<256x1280xi1>, vector<256x1280xf32>
    %reduce_min3A_344 = arith.constant dense<0x7F800000> : vector<256xf32>
    %reduce_min3A_345 = vector.multi_reduction <minimumf>, %select_n3A_343, %reduce_min3A_344 [1] : vector<256x1280xf32> to vector<256xf32>
    %broadcast_in_dim3A_346 = vector.shape_cast %reduce_min3A_345 : vector<256xf32> to vector<256x1xf32>
    %lt3A_347 = arith.cmpf olt, %broadcast_in_dim3A_338, %broadcast_in_dim3A_317 : vector<256x1xf32>
    %select_n3A_348 = arith.select %lt3A_347, %broadcast_in_dim3A_338, %broadcast_in_dim3A_317 : vector<256x1xi1>, vector<256x1xf32>
    %select_n3A_349 = arith.select %lt3A_347, %broadcast_in_dim3A_346, %broadcast_in_dim3A_319 : vector<256x1xi1>, vector<256x1xf32>
    %while3A_350 = arith.constant 3.000000e+38 : f32
    %while3A_351 = arith.constant 1 : i32
    %while3A_352 = arith.subi %get3A_4, %while3A_351 : i32
    %while3A_353 = arith.addi %while3A_351, %while3A_352 : i32
    %while3A_354 = arith.constant 1 : i32
    %while3A_355 = arith.divsi %while3A_352, %while3A_354 : i32
    %while3A_356 = arith.muli %while3A_355, %while3A_354 : i32
    %while3A_357 = arith.addi %while3A_351, %while3A_356 : i32
    %while3A_358 = arith.constant 1 : i32
    %while3A_359:2 = scf.for %while3A_1104 = %while3A_351 to %while3A_357 step %while3A_358 iter_args(%while3A_1105 = %select_n3A_348, %while3A_1106 = %select_n3A_349) -> (vector<256x1xf32>, vector<256x1xf32>)  : i32 {
      %mul3A_1107 = arith.constant 1280 : i32
      %mul3A_1108 = arith.muli %while3A_1104, %mul3A_1107 : i32
      %multiple_of3A_1109 = tpu.assume_multiple %mul3A_1108, 1280 : i32
      %get3A_1110 = arith.constant 0 : index
      %get3A_1111 = arith.index_cast %multiple_of3A_1109 : i32 to index
      %get3A_1112 = vector.load %arg6[%get3A_1110, %get3A_1111] : memref<256x8960xf32, #tpu.memory_space<vmem>>, vector<256x1280xf32>
      %eq3A_1113 = vector.broadcast %while3A_315#1 : vector<256x1xf32> to vector<256x1280xf32>
      %eq3A_1114 = arith.cmpf oeq, %get3A_1112, %eq3A_1113 : vector<256x1280xf32>
      %get3A_1115 = arith.constant 0 : index
      %get3A_1116 = arith.index_cast %multiple_of3A_1109 : i32 to index
      %get3A_1117 = vector.load %arg5[%get3A_1115, %get3A_1116] : memref<256x8960xf32, #tpu.memory_space<vmem>>, vector<256x1280xf32>
      %broadcast_in_dim3A_1118 = vector.broadcast %while3A_350 : f32 to vector<256x1280xf32>
      %select_n3A_1119 = arith.select %eq3A_1114, %broadcast_in_dim3A_1118, %get3A_1117 : vector<256x1280xi1>, vector<256x1280xf32>
      %swap3A_1120 = arith.constant 0 : index
      %swap3A_1121 = arith.index_cast %multiple_of3A_1109 : i32 to index
      %swap3A_1122 = vector.load %arg5[%swap3A_1120, %swap3A_1121] : memref<256x8960xf32, #tpu.memory_space<vmem>>, vector<256x1280xf32>
      tpu.vector_store %arg5[%swap3A_1120, %swap3A_1121], %select_n3A_1119 {strides = array<i32>} : memref<256x8960xf32, #tpu.memory_space<vmem>>, vector<256x1280xf32>,
      %reduce_min3A_1123 = arith.constant dense<0x7F800000> : vector<256xf32>
      %reduce_min3A_1124 = vector.multi_reduction <minimumf>, %select_n3A_1119, %reduce_min3A_1123 [1] : vector<256x1280xf32> to vector<256xf32>
      %broadcast_in_dim3A_1125 = vector.shape_cast %reduce_min3A_1124 : vector<256xf32> to vector<256x1xf32>
      %eq3A_1126 = vector.broadcast %broadcast_in_dim3A_1125 : vector<256x1xf32> to vector<256x1280xf32>
      %eq3A_1127 = arith.cmpf oeq, %select_n3A_1119, %eq3A_1126 : vector<256x1280xf32>
      %broadcast_in_dim3A_1128 = vector.broadcast %while3A_350 : f32 to vector<256x1280xf32>
      %select_n3A_1129 = arith.select %eq3A_1127, %get3A_1112, %broadcast_in_dim3A_1128 : vector<256x1280xi1>, vector<256x1280xf32>
      %reduce_min3A_1130 = arith.constant dense<0x7F800000> : vector<256xf32>
      %reduce_min3A_1131 = vector.multi_reduction <minimumf>, %select_n3A_1129, %reduce_min3A_1130 [1] : vector<256x1280xf32> to vector<256xf32>
      %broadcast_in_dim3A_1132 = vector.shape_cast %reduce_min3A_1131 : vector<256xf32> to vector<256x1xf32>
      %lt3A_1133 = arith.cmpf olt, %broadcast_in_dim3A_1125, %while3A_1105 : vector<256x1xf32>
      %select_n3A_1134 = arith.select %lt3A_1133, %broadcast_in_dim3A_1125, %while3A_1105 : vector<256x1xi1>, vector<256x1xf32>
      %select_n3A_1135 = arith.select %lt3A_1133, %broadcast_in_dim3A_1132, %while3A_1106 : vector<256x1xi1>, vector<256x1xf32>
      scf.yield %select_n3A_1134, %select_n3A_1135 : vector<256x1xf32>, vector<256x1xf32>
    }
    %while3A_360 = arith.constant 1 : i32
    %while3A_361:2 = scf.for %while3A_1104 = %while3A_357 to %while3A_353 step %while3A_360 iter_args(%while3A_1105 = %while3A_359#0, %while3A_1106 = %while3A_359#1) -> (vector<256x1xf32>, vector<256x1xf32>)  : i32 {
      %mul3A_1107 = arith.constant 1280 : i32
      %mul3A_1108 = arith.muli %while3A_1104, %mul3A_1107 : i32
      %multiple_of3A_1109 = tpu.assume_multiple %mul3A_1108, 1280 : i32
      %get3A_1110 = arith.constant 0 : index
      %get3A_1111 = arith.index_cast %multiple_of3A_1109 : i32 to index
      %get3A_1112 = vector.load %arg6[%get3A_1110, %get3A_1111] : memref<256x8960xf32, #tpu.memory_space<vmem>>, vector<256x1280xf32>
      %eq3A_1113 = vector.broadcast %while3A_315#1 : vector<256x1xf32> to vector<256x1280xf32>
      %eq3A_1114 = arith.cmpf oeq, %get3A_1112, %eq3A_1113 : vector<256x1280xf32>
      %get3A_1115 = arith.constant 0 : index
      %get3A_1116 = arith.index_cast %multiple_of3A_1109 : i32 to index
      %get3A_1117 = vector.load %arg5[%get3A_1115, %get3A_1116] : memref<256x8960xf32, #tpu.memory_space<vmem>>, vector<256x1280xf32>
      %broadcast_in_dim3A_1118 = vector.broadcast %while3A_350 : f32 to vector<256x1280xf32>
      %select_n3A_1119 = arith.select %eq3A_1114, %broadcast_in_dim3A_1118, %get3A_1117 : vector<256x1280xi1>, vector<256x1280xf32>
      %swap3A_1120 = arith.constant 0 : index
      %swap3A_1121 = arith.index_cast %multiple_of3A_1109 : i32 to index
      %swap3A_1122 = vector.load %arg5[%swap3A_1120, %swap3A_1121] : memref<256x8960xf32, #tpu.memory_space<vmem>>, vector<256x1280xf32>
      tpu.vector_store %arg5[%swap3A_1120, %swap3A_1121], %select_n3A_1119 {strides = array<i32>} : memref<256x8960xf32, #tpu.memory_space<vmem>>, vector<256x1280xf32>,
      %reduce_min3A_1123 = arith.constant dense<0x7F800000> : vector<256xf32>
      %reduce_min3A_1124 = vector.multi_reduction <minimumf>, %select_n3A_1119, %reduce_min3A_1123 [1] : vector<256x1280xf32> to vector<256xf32>
      %broadcast_in_dim3A_1125 = vector.shape_cast %reduce_min3A_1124 : vector<256xf32> to vector<256x1xf32>
      %eq3A_1126 = vector.broadcast %broadcast_in_dim3A_1125 : vector<256x1xf32> to vector<256x1280xf32>
      %eq3A_1127 = arith.cmpf oeq, %select_n3A_1119, %eq3A_1126 : vector<256x1280xf32>
      %broadcast_in_dim3A_1128 = vector.broadcast %while3A_350 : f32 to vector<256x1280xf32>
      %select_n3A_1129 = arith.select %eq3A_1127, %get3A_1112, %broadcast_in_dim3A_1128 : vector<256x1280xi1>, vector<256x1280xf32>
      %reduce_min3A_1130 = arith.constant dense<0x7F800000> : vector<256xf32>
      %reduce_min3A_1131 = vector.multi_reduction <minimumf>, %select_n3A_1129, %reduce_min3A_1130 [1] : vector<256x1280xf32> to vector<256xf32>
      %broadcast_in_dim3A_1132 = vector.shape_cast %reduce_min3A_1131 : vector<256xf32> to vector<256x1xf32>
      %lt3A_1133 = arith.cmpf olt, %broadcast_in_dim3A_1125, %while3A_1105 : vector<256x1xf32>
      %select_n3A_1134 = arith.select %lt3A_1133, %broadcast_in_dim3A_1125, %while3A_1105 : vector<256x1xi1>, vector<256x1xf32>
      %select_n3A_1135 = arith.select %lt3A_1133, %broadcast_in_dim3A_1132, %while3A_1106 : vector<256x1xi1>, vector<256x1xf32>
      scf.yield %select_n3A_1134, %select_n3A_1135 : vector<256x1xf32>, vector<256x1xf32>
    }
    %broadcast_in_dim3A_362 = arith.constant 3.000000e+38 : f32
    %broadcast_in_dim3A_363 = vector.broadcast %broadcast_in_dim3A_362 : f32 to vector<256x1xf32>
    %broadcast_in_dim3A_364 = arith.constant 3.000000e+38 : f32
    %broadcast_in_dim3A_365 = vector.broadcast %broadcast_in_dim3A_364 : f32 to vector<256x1xf32>
    %multiple_of3A_366 = arith.constant 0 : i32
    %multiple_of3A_367 = tpu.assume_multiple %multiple_of3A_366, 1280 : i32
    %get3A_368 = arith.constant 0 : index
    %get3A_369 = arith.index_cast %multiple_of3A_367 : i32 to index
    %get3A_370 = vector.load %arg6[%get3A_368, %get3A_369] : memref<256x8960xf32, #tpu.memory_space<vmem>>, vector<256x1280xf32>
    %eq3A_371 = vector.broadcast %while3A_361#1 : vector<256x1xf32> to vector<256x1280xf32>
    %eq3A_372 = arith.cmpf oeq, %get3A_370, %eq3A_371 : vector<256x1280xf32>
    %get3A_373 = arith.constant 0 : index
    %get3A_374 = arith.index_cast %multiple_of3A_367 : i32 to index
    %get3A_375 = vector.load %arg5[%get3A_373, %get3A_374] : memref<256x8960xf32, #tpu.memory_space<vmem>>, vector<256x1280xf32>
    %jit3A_376 = arith.constant 3.000000e+38 : f32
    %broadcast_in_dim3A_377 = vector.broadcast %jit3A_376 : f32 to vector<256x1280xf32>
    %select_n3A_378 = arith.select %eq3A_372, %broadcast_in_dim3A_377, %get3A_375 : vector<256x1280xi1>, vector<256x1280xf32>
    %swap3A_379 = arith.constant 0 : index
    %swap3A_380 = arith.index_cast %multiple_of3A_367 : i32 to index
    %swap3A_381 = vector.load %arg5[%swap3A_379, %swap3A_380] : memref<256x8960xf32, #tpu.memory_space<vmem>>, vector<256x1280xf32>
    tpu.vector_store %arg5[%swap3A_379, %swap3A_380], %select_n3A_378 {strides = array<i32>} : memref<256x8960xf32, #tpu.memory_space<vmem>>, vector<256x1280xf32>,
    %reduce_min3A_382 = arith.constant dense<0x7F800000> : vector<256xf32>
    %reduce_min3A_383 = vector.multi_reduction <minimumf>, %select_n3A_378, %reduce_min3A_382 [1] : vector<256x1280xf32> to vector<256xf32>
    %broadcast_in_dim3A_384 = vector.shape_cast %reduce_min3A_383 : vector<256xf32> to vector<256x1xf32>
    %eq3A_385 = vector.broadcast %broadcast_in_dim3A_384 : vector<256x1xf32> to vector<256x1280xf32>
    %eq3A_386 = arith.cmpf oeq, %select_n3A_378, %eq3A_385 : vector<256x1280xf32>
    %jit3A_387 = arith.constant 3.000000e+38 : f32
    %broadcast_in_dim3A_388 = vector.broadcast %jit3A_387 : f32 to vector<256x1280xf32>
    %select_n3A_389 = arith.select %eq3A_386, %get3A_370, %broadcast_in_dim3A_388 : vector<256x1280xi1>, vector<256x1280xf32>
    %reduce_min3A_390 = arith.constant dense<0x7F800000> : vector<256xf32>
    %reduce_min3A_391 = vector.multi_reduction <minimumf>, %select_n3A_389, %reduce_min3A_390 [1] : vector<256x1280xf32> to vector<256xf32>
    %broadcast_in_dim3A_392 = vector.shape_cast %reduce_min3A_391 : vector<256xf32> to vector<256x1xf32>
    %lt3A_393 = arith.cmpf olt, %broadcast_in_dim3A_384, %broadcast_in_dim3A_363 : vector<256x1xf32>
    %select_n3A_394 = arith.select %lt3A_393, %broadcast_in_dim3A_384, %broadcast_in_dim3A_363 : vector<256x1xi1>, vector<256x1xf32>
    %select_n3A_395 = arith.select %lt3A_393, %broadcast_in_dim3A_392, %broadcast_in_dim3A_365 : vector<256x1xi1>, vector<256x1xf32>
    %while3A_396 = arith.constant 3.000000e+38 : f32
    %while3A_397 = arith.constant 1 : i32
    %while3A_398 = arith.subi %get3A_4, %while3A_397 : i32
    %while3A_399 = arith.addi %while3A_397, %while3A_398 : i32
    %while3A_400 = arith.constant 1 : i32
    %while3A_401 = arith.divsi %while3A_398, %while3A_400 : i32
    %while3A_402 = arith.muli %while3A_401, %while3A_400 : i32
    %while3A_403 = arith.addi %while3A_397, %while3A_402 : i32
    %while3A_404 = arith.constant 1 : i32
    %while3A_405:2 = scf.for %while3A_1104 = %while3A_397 to %while3A_403 step %while3A_404 iter_args(%while3A_1105 = %select_n3A_394, %while3A_1106 = %select_n3A_395) -> (vector<256x1xf32>, vector<256x1xf32>)  : i32 {
      %mul3A_1107 = arith.constant 1280 : i32
      %mul3A_1108 = arith.muli %while3A_1104, %mul3A_1107 : i32
      %multiple_of3A_1109 = tpu.assume_multiple %mul3A_1108, 1280 : i32
      %get3A_1110 = arith.constant 0 : index
      %get3A_1111 = arith.index_cast %multiple_of3A_1109 : i32 to index
      %get3A_1112 = vector.load %arg6[%get3A_1110, %get3A_1111] : memref<256x8960xf32, #tpu.memory_space<vmem>>, vector<256x1280xf32>
      %eq3A_1113 = vector.broadcast %while3A_361#1 : vector<256x1xf32> to vector<256x1280xf32>
      %eq3A_1114 = arith.cmpf oeq, %get3A_1112, %eq3A_1113 : vector<256x1280xf32>
      %get3A_1115 = arith.constant 0 : index
      %get3A_1116 = arith.index_cast %multiple_of3A_1109 : i32 to index
      %get3A_1117 = vector.load %arg5[%get3A_1115, %get3A_1116] : memref<256x8960xf32, #tpu.memory_space<vmem>>, vector<256x1280xf32>
      %broadcast_in_dim3A_1118 = vector.broadcast %while3A_396 : f32 to vector<256x1280xf32>
      %select_n3A_1119 = arith.select %eq3A_1114, %broadcast_in_dim3A_1118, %get3A_1117 : vector<256x1280xi1>, vector<256x1280xf32>
      %swap3A_1120 = arith.constant 0 : index
      %swap3A_1121 = arith.index_cast %multiple_of3A_1109 : i32 to index
      %swap3A_1122 = vector.load %arg5[%swap3A_1120, %swap3A_1121] : memref<256x8960xf32, #tpu.memory_space<vmem>>, vector<256x1280xf32>
      tpu.vector_store %arg5[%swap3A_1120, %swap3A_1121], %select_n3A_1119 {strides = array<i32>} : memref<256x8960xf32, #tpu.memory_space<vmem>>, vector<256x1280xf32>,
      %reduce_min3A_1123 = arith.constant dense<0x7F800000> : vector<256xf32>
      %reduce_min3A_1124 = vector.multi_reduction <minimumf>, %select_n3A_1119, %reduce_min3A_1123 [1] : vector<256x1280xf32> to vector<256xf32>
      %broadcast_in_dim3A_1125 = vector.shape_cast %reduce_min3A_1124 : vector<256xf32> to vector<256x1xf32>
      %eq3A_1126 = vector.broadcast %broadcast_in_dim3A_1125 : vector<256x1xf32> to vector<256x1280xf32>
      %eq3A_1127 = arith.cmpf oeq, %select_n3A_1119, %eq3A_1126 : vector<256x1280xf32>
      %broadcast_in_dim3A_1128 = vector.broadcast %while3A_396 : f32 to vector<256x1280xf32>
      %select_n3A_1129 = arith.select %eq3A_1127, %get3A_1112, %broadcast_in_dim3A_1128 : vector<256x1280xi1>, vector<256x1280xf32>
      %reduce_min3A_1130 = arith.constant dense<0x7F800000> : vector<256xf32>
      %reduce_min3A_1131 = vector.multi_reduction <minimumf>, %select_n3A_1129, %reduce_min3A_1130 [1] : vector<256x1280xf32> to vector<256xf32>
      %broadcast_in_dim3A_1132 = vector.shape_cast %reduce_min3A_1131 : vector<256xf32> to vector<256x1xf32>
      %lt3A_1133 = arith.cmpf olt, %broadcast_in_dim3A_1125, %while3A_1105 : vector<256x1xf32>
      %select_n3A_1134 = arith.select %lt3A_1133, %broadcast_in_dim3A_1125, %while3A_1105 : vector<256x1xi1>, vector<256x1xf32>
      %select_n3A_1135 = arith.select %lt3A_1133, %broadcast_in_dim3A_1132, %while3A_1106 : vector<256x1xi1>, vector<256x1xf32>
      scf.yield %select_n3A_1134, %select_n3A_1135 : vector<256x1xf32>, vector<256x1xf32>
    }
    %while3A_406 = arith.constant 1 : i32
    %while3A_407:2 = scf.for %while3A_1104 = %while3A_403 to %while3A_399 step %while3A_406 iter_args(%while3A_1105 = %while3A_405#0, %while3A_1106 = %while3A_405#1) -> (vector<256x1xf32>, vector<256x1xf32>)  : i32 {
      %mul3A_1107 = arith.constant 1280 : i32
      %mul3A_1108 = arith.muli %while3A_1104, %mul3A_1107 : i32
      %multiple_of3A_1109 = tpu.assume_multiple %mul3A_1108, 1280 : i32
      %get3A_1110 = arith.constant 0 : index
      %get3A_1111 = arith.index_cast %multiple_of3A_1109 : i32 to index
      %get3A_1112 = vector.load %arg6[%get3A_1110, %get3A_1111] : memref<256x8960xf32, #tpu.memory_space<vmem>>, vector<256x1280xf32>
      %eq3A_1113 = vector.broadcast %while3A_361#1 : vector<256x1xf32> to vector<256x1280xf32>
      %eq3A_1114 = arith.cmpf oeq, %get3A_1112, %eq3A_1113 : vector<256x1280xf32>
      %get3A_1115 = arith.constant 0 : index
      %get3A_1116 = arith.index_cast %multiple_of3A_1109 : i32 to index
      %get3A_1117 = vector.load %arg5[%get3A_1115, %get3A_1116] : memref<256x8960xf32, #tpu.memory_space<vmem>>, vector<256x1280xf32>
      %broadcast_in_dim3A_1118 = vector.broadcast %while3A_396 : f32 to vector<256x1280xf32>
      %select_n3A_1119 = arith.select %eq3A_1114, %broadcast_in_dim3A_1118, %get3A_1117 : vector<256x1280xi1>, vector<256x1280xf32>
      %swap3A_1120 = arith.constant 0 : index
      %swap3A_1121 = arith.index_cast %multiple_of3A_1109 : i32 to index
      %swap3A_1122 = vector.load %arg5[%swap3A_1120, %swap3A_1121] : memref<256x8960xf32, #tpu.memory_space<vmem>>, vector<256x1280xf32>
      tpu.vector_store %arg5[%swap3A_1120, %swap3A_1121], %select_n3A_1119 {strides = array<i32>} : memref<256x8960xf32, #tpu.memory_space<vmem>>, vector<256x1280xf32>,
      %reduce_min3A_1123 = arith.constant dense<0x7F800000> : vector<256xf32>
      %reduce_min3A_1124 = vector.multi_reduction <minimumf>, %select_n3A_1119, %reduce_min3A_1123 [1] : vector<256x1280xf32> to vector<256xf32>
      %broadcast_in_dim3A_1125 = vector.shape_cast %reduce_min3A_1124 : vector<256xf32> to vector<256x1xf32>
      %eq3A_1126 = vector.broadcast %broadcast_in_dim3A_1125 : vector<256x1xf32> to vector<256x1280xf32>
      %eq3A_1127 = arith.cmpf oeq, %select_n3A_1119, %eq3A_1126 : vector<256x1280xf32>
      %broadcast_in_dim3A_1128 = vector.broadcast %while3A_396 : f32 to vector<256x1280xf32>
      %select_n3A_1129 = arith.select %eq3A_1127, %get3A_1112, %broadcast_in_dim3A_1128 : vector<256x1280xi1>, vector<256x1280xf32>
      %reduce_min3A_1130 = arith.constant dense<0x7F800000> : vector<256xf32>
      %reduce_min3A_1131 = vector.multi_reduction <minimumf>, %select_n3A_1129, %reduce_min3A_1130 [1] : vector<256x1280xf32> to vector<256xf32>
      %broadcast_in_dim3A_1132 = vector.shape_cast %reduce_min3A_1131 : vector<256xf32> to vector<256x1xf32>
      %lt3A_1133 = arith.cmpf olt, %broadcast_in_dim3A_1125, %while3A_1105 : vector<256x1xf32>
      %select_n3A_1134 = arith.select %lt3A_1133, %broadcast_in_dim3A_1125, %while3A_1105 : vector<256x1xi1>, vector<256x1xf32>
      %select_n3A_1135 = arith.select %lt3A_1133, %broadcast_in_dim3A_1132, %while3A_1106 : vector<256x1xi1>, vector<256x1xf32>
      scf.yield %select_n3A_1134, %select_n3A_1135 : vector<256x1xf32>, vector<256x1xf32>
    }
    %broadcast_in_dim3A_408 = arith.constant 3.000000e+38 : f32
    %broadcast_in_dim3A_409 = vector.broadcast %broadcast_in_dim3A_408 : f32 to vector<256x1xf32>
    %broadcast_in_dim3A_410 = arith.constant 3.000000e+38 : f32
    %broadcast_in_dim3A_411 = vector.broadcast %broadcast_in_dim3A_410 : f32 to vector<256x1xf32>
    %multiple_of3A_412 = arith.constant 0 : i32
    %multiple_of3A_413 = tpu.assume_multiple %multiple_of3A_412, 1280 : i32
    %get3A_414 = arith.constant 0 : index
    %get3A_415 = arith.index_cast %multiple_of3A_413 : i32 to index
    %get3A_416 = vector.load %arg6[%get3A_414, %get3A_415] : memref<256x8960xf32, #tpu.memory_space<vmem>>, vector<256x1280xf32>
    %eq3A_417 = vector.broadcast %while3A_407#1 : vector<256x1xf32> to vector<256x1280xf32>
    %eq3A_418 = arith.cmpf oeq, %get3A_416, %eq3A_417 : vector<256x1280xf32>
    %get3A_419 = arith.constant 0 : index
    %get3A_420 = arith.index_cast %multiple_of3A_413 : i32 to index
    %get3A_421 = vector.load %arg5[%get3A_419, %get3A_420] : memref<256x8960xf32, #tpu.memory_space<vmem>>, vector<256x1280xf32>
    %jit3A_422 = arith.constant 3.000000e+38 : f32
    %broadcast_in_dim3A_423 = vector.broadcast %jit3A_422 : f32 to vector<256x1280xf32>
    %select_n3A_424 = arith.select %eq3A_418, %broadcast_in_dim3A_423, %get3A_421 : vector<256x1280xi1>, vector<256x1280xf32>
    %swap3A_425 = arith.constant 0 : index
    %swap3A_426 = arith.index_cast %multiple_of3A_413 : i32 to index
    %swap3A_427 = vector.load %arg5[%swap3A_425, %swap3A_426] : memref<256x8960xf32, #tpu.memory_space<vmem>>, vector<256x1280xf32>
    tpu.vector_store %arg5[%swap3A_425, %swap3A_426], %select_n3A_424 {strides = array<i32>} : memref<256x8960xf32, #tpu.memory_space<vmem>>, vector<256x1280xf32>,
    %reduce_min3A_428 = arith.constant dense<0x7F800000> : vector<256xf32>
    %reduce_min3A_429 = vector.multi_reduction <minimumf>, %select_n3A_424, %reduce_min3A_428 [1] : vector<256x1280xf32> to vector<256xf32>
    %broadcast_in_dim3A_430 = vector.shape_cast %reduce_min3A_429 : vector<256xf32> to vector<256x1xf32>
    %eq3A_431 = vector.broadcast %broadcast_in_dim3A_430 : vector<256x1xf32> to vector<256x1280xf32>
    %eq3A_432 = arith.cmpf oeq, %select_n3A_424, %eq3A_431 : vector<256x1280xf32>
    %jit3A_433 = arith.constant 3.000000e+38 : f32
    %broadcast_in_dim3A_434 = vector.broadcast %jit3A_433 : f32 to vector<256x1280xf32>
    %select_n3A_435 = arith.select %eq3A_432, %get3A_416, %broadcast_in_dim3A_434 : vector<256x1280xi1>, vector<256x1280xf32>
    %reduce_min3A_436 = arith.constant dense<0x7F800000> : vector<256xf32>
    %reduce_min3A_437 = vector.multi_reduction <minimumf>, %select_n3A_435, %reduce_min3A_436 [1] : vector<256x1280xf32> to vector<256xf32>
    %broadcast_in_dim3A_438 = vector.shape_cast %reduce_min3A_437 : vector<256xf32> to vector<256x1xf32>
    %lt3A_439 = arith.cmpf olt, %broadcast_in_dim3A_430, %broadcast_in_dim3A_409 : vector<256x1xf32>
    %select_n3A_440 = arith.select %lt3A_439, %broadcast_in_dim3A_430, %broadcast_in_dim3A_409 : vector<256x1xi1>, vector<256x1xf32>
    %select_n3A_441 = arith.select %lt3A_439, %broadcast_in_dim3A_438, %broadcast_in_dim3A_411 : vector<256x1xi1>, vector<256x1xf32>
    %while3A_442 = arith.constant 3.000000e+38 : f32
    %while3A_443 = arith.constant 1 : i32
    %while3A_444 = arith.subi %get3A_4, %while3A_443 : i32
    %while3A_445 = arith.addi %while3A_443, %while3A_444 : i32
    %while3A_446 = arith.constant 1 : i32
    %while3A_447 = arith.divsi %while3A_444, %while3A_446 : i32
    %while3A_448 = arith.muli %while3A_447, %while3A_446 : i32
    %while3A_449 = arith.addi %while3A_443, %while3A_448 : i32
    %while3A_450 = arith.constant 1 : i32
    %while3A_451:2 = scf.for %while3A_1104 = %while3A_443 to %while3A_449 step %while3A_450 iter_args(%while3A_1105 = %select_n3A_440, %while3A_1106 = %select_n3A_441) -> (vector<256x1xf32>, vector<256x1xf32>)  : i32 {
      %mul3A_1107 = arith.constant 1280 : i32
      %mul3A_1108 = arith.muli %while3A_1104, %mul3A_1107 : i32
      %multiple_of3A_1109 = tpu.assume_multiple %mul3A_1108, 1280 : i32
      %get3A_1110 = arith.constant 0 : index
      %get3A_1111 = arith.index_cast %multiple_of3A_1109 : i32 to index
      %get3A_1112 = vector.load %arg6[%get3A_1110, %get3A_1111] : memref<256x8960xf32, #tpu.memory_space<vmem>>, vector<256x1280xf32>
      %eq3A_1113 = vector.broadcast %while3A_407#1 : vector<256x1xf32> to vector<256x1280xf32>
      %eq3A_1114 = arith.cmpf oeq, %get3A_1112, %eq3A_1113 : vector<256x1280xf32>
      %get3A_1115 = arith.constant 0 : index
      %get3A_1116 = arith.index_cast %multiple_of3A_1109 : i32 to index
      %get3A_1117 = vector.load %arg5[%get3A_1115, %get3A_1116] : memref<256x8960xf32, #tpu.memory_space<vmem>>, vector<256x1280xf32>
      %broadcast_in_dim3A_1118 = vector.broadcast %while3A_442 : f32 to vector<256x1280xf32>
      %select_n3A_1119 = arith.select %eq3A_1114, %broadcast_in_dim3A_1118, %get3A_1117 : vector<256x1280xi1>, vector<256x1280xf32>
      %swap3A_1120 = arith.constant 0 : index
      %swap3A_1121 = arith.index_cast %multiple_of3A_1109 : i32 to index
      %swap3A_1122 = vector.load %arg5[%swap3A_1120, %swap3A_1121] : memref<256x8960xf32, #tpu.memory_space<vmem>>, vector<256x1280xf32>
      tpu.vector_store %arg5[%swap3A_1120, %swap3A_1121], %select_n3A_1119 {strides = array<i32>} : memref<256x8960xf32, #tpu.memory_space<vmem>>, vector<256x1280xf32>,
      %reduce_min3A_1123 = arith.constant dense<0x7F800000> : vector<256xf32>
      %reduce_min3A_1124 = vector.multi_reduction <minimumf>, %select_n3A_1119, %reduce_min3A_1123 [1] : vector<256x1280xf32> to vector<256xf32>
      %broadcast_in_dim3A_1125 = vector.shape_cast %reduce_min3A_1124 : vector<256xf32> to vector<256x1xf32>
      %eq3A_1126 = vector.broadcast %broadcast_in_dim3A_1125 : vector<256x1xf32> to vector<256x1280xf32>
      %eq3A_1127 = arith.cmpf oeq, %select_n3A_1119, %eq3A_1126 : vector<256x1280xf32>
      %broadcast_in_dim3A_1128 = vector.broadcast %while3A_442 : f32 to vector<256x1280xf32>
      %select_n3A_1129 = arith.select %eq3A_1127, %get3A_1112, %broadcast_in_dim3A_1128 : vector<256x1280xi1>, vector<256x1280xf32>
      %reduce_min3A_1130 = arith.constant dense<0x7F800000> : vector<256xf32>
      %reduce_min3A_1131 = vector.multi_reduction <minimumf>, %select_n3A_1129, %reduce_min3A_1130 [1] : vector<256x1280xf32> to vector<256xf32>
      %broadcast_in_dim3A_1132 = vector.shape_cast %reduce_min3A_1131 : vector<256xf32> to vector<256x1xf32>
      %lt3A_1133 = arith.cmpf olt, %broadcast_in_dim3A_1125, %while3A_1105 : vector<256x1xf32>
      %select_n3A_1134 = arith.select %lt3A_1133, %broadcast_in_dim3A_1125, %while3A_1105 : vector<256x1xi1>, vector<256x1xf32>
      %select_n3A_1135 = arith.select %lt3A_1133, %broadcast_in_dim3A_1132, %while3A_1106 : vector<256x1xi1>, vector<256x1xf32>
      scf.yield %select_n3A_1134, %select_n3A_1135 : vector<256x1xf32>, vector<256x1xf32>
    }
    %while3A_452 = arith.constant 1 : i32
    %while3A_453:2 = scf.for %while3A_1104 = %while3A_449 to %while3A_445 step %while3A_452 iter_args(%while3A_1105 = %while3A_451#0, %while3A_1106 = %while3A_451#1) -> (vector<256x1xf32>, vector<256x1xf32>)  : i32 {
      %mul3A_1107 = arith.constant 1280 : i32
      %mul3A_1108 = arith.muli %while3A_1104, %mul3A_1107 : i32
      %multiple_of3A_1109 = tpu.assume_multiple %mul3A_1108, 1280 : i32
      %get3A_1110 = arith.constant 0 : index
      %get3A_1111 = arith.index_cast %multiple_of3A_1109 : i32 to index
      %get3A_1112 = vector.load %arg6[%get3A_1110, %get3A_1111] : memref<256x8960xf32, #tpu.memory_space<vmem>>, vector<256x1280xf32>
      %eq3A_1113 = vector.broadcast %while3A_407#1 : vector<256x1xf32> to vector<256x1280xf32>
      %eq3A_1114 = arith.cmpf oeq, %get3A_1112, %eq3A_1113 : vector<256x1280xf32>
      %get3A_1115 = arith.constant 0 : index
      %get3A_1116 = arith.index_cast %multiple_of3A_1109 : i32 to index
      %get3A_1117 = vector.load %arg5[%get3A_1115, %get3A_1116] : memref<256x8960xf32, #tpu.memory_space<vmem>>, vector<256x1280xf32>
      %broadcast_in_dim3A_1118 = vector.broadcast %while3A_442 : f32 to vector<256x1280xf32>
      %select_n3A_1119 = arith.select %eq3A_1114, %broadcast_in_dim3A_1118, %get3A_1117 : vector<256x1280xi1>, vector<256x1280xf32>
      %swap3A_1120 = arith.constant 0 : index
      %swap3A_1121 = arith.index_cast %multiple_of3A_1109 : i32 to index
      %swap3A_1122 = vector.load %arg5[%swap3A_1120, %swap3A_1121] : memref<256x8960xf32, #tpu.memory_space<vmem>>, vector<256x1280xf32>
      tpu.vector_store %arg5[%swap3A_1120, %swap3A_1121], %select_n3A_1119 {strides = array<i32>} : memref<256x8960xf32, #tpu.memory_space<vmem>>, vector<256x1280xf32>,
      %reduce_min3A_1123 = arith.constant dense<0x7F800000> : vector<256xf32>
      %reduce_min3A_1124 = vector.multi_reduction <minimumf>, %select_n3A_1119, %reduce_min3A_1123 [1] : vector<256x1280xf32> to vector<256xf32>
      %broadcast_in_dim3A_1125 = vector.shape_cast %reduce_min3A_1124 : vector<256xf32> to vector<256x1xf32>
      %eq3A_1126 = vector.broadcast %broadcast_in_dim3A_1125 : vector<256x1xf32> to vector<256x1280xf32>
      %eq3A_1127 = arith.cmpf oeq, %select_n3A_1119, %eq3A_1126 : vector<256x1280xf32>
      %broadcast_in_dim3A_1128 = vector.broadcast %while3A_442 : f32 to vector<256x1280xf32>
      %select_n3A_1129 = arith.select %eq3A_1127, %get3A_1112, %broadcast_in_dim3A_1128 : vector<256x1280xi1>, vector<256x1280xf32>
      %reduce_min3A_1130 = arith.constant dense<0x7F800000> : vector<256xf32>
      %reduce_min3A_1131 = vector.multi_reduction <minimumf>, %select_n3A_1129, %reduce_min3A_1130 [1] : vector<256x1280xf32> to vector<256xf32>
      %broadcast_in_dim3A_1132 = vector.shape_cast %reduce_min3A_1131 : vector<256xf32> to vector<256x1xf32>
      %lt3A_1133 = arith.cmpf olt, %broadcast_in_dim3A_1125, %while3A_1105 : vector<256x1xf32>
      %select_n3A_1134 = arith.select %lt3A_1133, %broadcast_in_dim3A_1125, %while3A_1105 : vector<256x1xi1>, vector<256x1xf32>
      %select_n3A_1135 = arith.select %lt3A_1133, %broadcast_in_dim3A_1132, %while3A_1106 : vector<256x1xi1>, vector<256x1xf32>
      scf.yield %select_n3A_1134, %select_n3A_1135 : vector<256x1xf32>, vector<256x1xf32>
    }
    %broadcast_in_dim3A_454 = arith.constant 3.000000e+38 : f32
    %broadcast_in_dim3A_455 = vector.broadcast %broadcast_in_dim3A_454 : f32 to vector<256x1xf32>
    %broadcast_in_dim3A_456 = arith.constant 3.000000e+38 : f32
    %broadcast_in_dim3A_457 = vector.broadcast %broadcast_in_dim3A_456 : f32 to vector<256x1xf32>
    %multiple_of3A_458 = arith.constant 0 : i32
    %multiple_of3A_459 = tpu.assume_multiple %multiple_of3A_458, 1280 : i32
    %get3A_460 = arith.constant 0 : index
    %get3A_461 = arith.index_cast %multiple_of3A_459 : i32 to index
    %get3A_462 = vector.load %arg6[%get3A_460, %get3A_461] : memref<256x8960xf32, #tpu.memory_space<vmem>>, vector<256x1280xf32>
    %eq3A_463 = vector.broadcast %while3A_453#1 : vector<256x1xf32> to vector<256x1280xf32>
    %eq3A_464 = arith.cmpf oeq, %get3A_462, %eq3A_463 : vector<256x1280xf32>
    %get3A_465 = arith.constant 0 : index
    %get3A_466 = arith.index_cast %multiple_of3A_459 : i32 to index
    %get3A_467 = vector.load %arg5[%get3A_465, %get3A_466] : memref<256x8960xf32, #tpu.memory_space<vmem>>, vector<256x1280xf32>
    %jit3A_468 = arith.constant 3.000000e+38 : f32
    %broadcast_in_dim3A_469 = vector.broadcast %jit3A_468 : f32 to vector<256x1280xf32>
    %select_n3A_470 = arith.select %eq3A_464, %broadcast_in_dim3A_469, %get3A_467 : vector<256x1280xi1>, vector<256x1280xf32>
    %swap3A_471 = arith.constant 0 : index
    %swap3A_472 = arith.index_cast %multiple_of3A_459 : i32 to index
    %swap3A_473 = vector.load %arg5[%swap3A_471, %swap3A_472] : memref<256x8960xf32, #tpu.memory_space<vmem>>, vector<256x1280xf32>
    tpu.vector_store %arg5[%swap3A_471, %swap3A_472], %select_n3A_470 {strides = array<i32>} : memref<256x8960xf32, #tpu.memory_space<vmem>>, vector<256x1280xf32>,
    %reduce_min3A_474 = arith.constant dense<0x7F800000> : vector<256xf32>
    %reduce_min3A_475 = vector.multi_reduction <minimumf>, %select_n3A_470, %reduce_min3A_474 [1] : vector<256x1280xf32> to vector<256xf32>
    %broadcast_in_dim3A_476 = vector.shape_cast %reduce_min3A_475 : vector<256xf32> to vector<256x1xf32>
    %eq3A_477 = vector.broadcast %broadcast_in_dim3A_476 : vector<256x1xf32> to vector<256x1280xf32>
    %eq3A_478 = arith.cmpf oeq, %select_n3A_470, %eq3A_477 : vector<256x1280xf32>
    %jit3A_479 = arith.constant 3.000000e+38 : f32
    %broadcast_in_dim3A_480 = vector.broadcast %jit3A_479 : f32 to vector<256x1280xf32>
    %select_n3A_481 = arith.select %eq3A_478, %get3A_462, %broadcast_in_dim3A_480 : vector<256x1280xi1>, vector<256x1280xf32>
    %reduce_min3A_482 = arith.constant dense<0x7F800000> : vector<256xf32>
    %reduce_min3A_483 = vector.multi_reduction <minimumf>, %select_n3A_481, %reduce_min3A_482 [1] : vector<256x1280xf32> to vector<256xf32>
    %broadcast_in_dim3A_484 = vector.shape_cast %reduce_min3A_483 : vector<256xf32> to vector<256x1xf32>
    %lt3A_485 = arith.cmpf olt, %broadcast_in_dim3A_476, %broadcast_in_dim3A_455 : vector<256x1xf32>
    %select_n3A_486 = arith.select %lt3A_485, %broadcast_in_dim3A_476, %broadcast_in_dim3A_455 : vector<256x1xi1>, vector<256x1xf32>
    %select_n3A_487 = arith.select %lt3A_485, %broadcast_in_dim3A_484, %broadcast_in_dim3A_457 : vector<256x1xi1>, vector<256x1xf32>
    %while3A_488 = arith.constant 3.000000e+38 : f32
    %while3A_489 = arith.constant 1 : i32
    %while3A_490 = arith.subi %get3A_4, %while3A_489 : i32
    %while3A_491 = arith.addi %while3A_489, %while3A_490 : i32
    %while3A_492 = arith.constant 1 : i32
    %while3A_493 = arith.divsi %while3A_490, %while3A_492 : i32
    %while3A_494 = arith.muli %while3A_493, %while3A_492 : i32
    %while3A_495 = arith.addi %while3A_489, %while3A_494 : i32
    %while3A_496 = arith.constant 1 : i32
    %while3A_497:2 = scf.for %while3A_1104 = %while3A_489 to %while3A_495 step %while3A_496 iter_args(%while3A_1105 = %select_n3A_486, %while3A_1106 = %select_n3A_487) -> (vector<256x1xf32>, vector<256x1xf32>)  : i32 {
      %mul3A_1107 = arith.constant 1280 : i32
      %mul3A_1108 = arith.muli %while3A_1104, %mul3A_1107 : i32
      %multiple_of3A_1109 = tpu.assume_multiple %mul3A_1108, 1280 : i32
      %get3A_1110 = arith.constant 0 : index
      %get3A_1111 = arith.index_cast %multiple_of3A_1109 : i32 to index
      %get3A_1112 = vector.load %arg6[%get3A_1110, %get3A_1111] : memref<256x8960xf32, #tpu.memory_space<vmem>>, vector<256x1280xf32>
      %eq3A_1113 = vector.broadcast %while3A_453#1 : vector<256x1xf32> to vector<256x1280xf32>
      %eq3A_1114 = arith.cmpf oeq, %get3A_1112, %eq3A_1113 : vector<256x1280xf32>
      %get3A_1115 = arith.constant 0 : index
      %get3A_1116 = arith.index_cast %multiple_of3A_1109 : i32 to index
      %get3A_1117 = vector.load %arg5[%get3A_1115, %get3A_1116] : memref<256x8960xf32, #tpu.memory_space<vmem>>, vector<256x1280xf32>
      %broadcast_in_dim3A_1118 = vector.broadcast %while3A_488 : f32 to vector<256x1280xf32>
      %select_n3A_1119 = arith.select %eq3A_1114, %broadcast_in_dim3A_1118, %get3A_1117 : vector<256x1280xi1>, vector<256x1280xf32>
      %swap3A_1120 = arith.constant 0 : index
      %swap3A_1121 = arith.index_cast %multiple_of3A_1109 : i32 to index
      %swap3A_1122 = vector.load %arg5[%swap3A_1120, %swap3A_1121] : memref<256x8960xf32, #tpu.memory_space<vmem>>, vector<256x1280xf32>
      tpu.vector_store %arg5[%swap3A_1120, %swap3A_1121], %select_n3A_1119 {strides = array<i32>} : memref<256x8960xf32, #tpu.memory_space<vmem>>, vector<256x1280xf32>,
      %reduce_min3A_1123 = arith.constant dense<0x7F800000> : vector<256xf32>
      %reduce_min3A_1124 = vector.multi_reduction <minimumf>, %select_n3A_1119, %reduce_min3A_1123 [1] : vector<256x1280xf32> to vector<256xf32>
      %broadcast_in_dim3A_1125 = vector.shape_cast %reduce_min3A_1124 : vector<256xf32> to vector<256x1xf32>
      %eq3A_1126 = vector.broadcast %broadcast_in_dim3A_1125 : vector<256x1xf32> to vector<256x1280xf32>
      %eq3A_1127 = arith.cmpf oeq, %select_n3A_1119, %eq3A_1126 : vector<256x1280xf32>
      %broadcast_in_dim3A_1128 = vector.broadcast %while3A_488 : f32 to vector<256x1280xf32>
      %select_n3A_1129 = arith.select %eq3A_1127, %get3A_1112, %broadcast_in_dim3A_1128 : vector<256x1280xi1>, vector<256x1280xf32>
      %reduce_min3A_1130 = arith.constant dense<0x7F800000> : vector<256xf32>
      %reduce_min3A_1131 = vector.multi_reduction <minimumf>, %select_n3A_1129, %reduce_min3A_1130 [1] : vector<256x1280xf32> to vector<256xf32>
      %broadcast_in_dim3A_1132 = vector.shape_cast %reduce_min3A_1131 : vector<256xf32> to vector<256x1xf32>
      %lt3A_1133 = arith.cmpf olt, %broadcast_in_dim3A_1125, %while3A_1105 : vector<256x1xf32>
      %select_n3A_1134 = arith.select %lt3A_1133, %broadcast_in_dim3A_1125, %while3A_1105 : vector<256x1xi1>, vector<256x1xf32>
      %select_n3A_1135 = arith.select %lt3A_1133, %broadcast_in_dim3A_1132, %while3A_1106 : vector<256x1xi1>, vector<256x1xf32>
      scf.yield %select_n3A_1134, %select_n3A_1135 : vector<256x1xf32>, vector<256x1xf32>
    }
    %while3A_498 = arith.constant 1 : i32
    %while3A_499:2 = scf.for %while3A_1104 = %while3A_495 to %while3A_491 step %while3A_498 iter_args(%while3A_1105 = %while3A_497#0, %while3A_1106 = %while3A_497#1) -> (vector<256x1xf32>, vector<256x1xf32>)  : i32 {
      %mul3A_1107 = arith.constant 1280 : i32
      %mul3A_1108 = arith.muli %while3A_1104, %mul3A_1107 : i32
      %multiple_of3A_1109 = tpu.assume_multiple %mul3A_1108, 1280 : i32
      %get3A_1110 = arith.constant 0 : index
      %get3A_1111 = arith.index_cast %multiple_of3A_1109 : i32 to index
      %get3A_1112 = vector.load %arg6[%get3A_1110, %get3A_1111] : memref<256x8960xf32, #tpu.memory_space<vmem>>, vector<256x1280xf32>
      %eq3A_1113 = vector.broadcast %while3A_453#1 : vector<256x1xf32> to vector<256x1280xf32>
      %eq3A_1114 = arith.cmpf oeq, %get3A_1112, %eq3A_1113 : vector<256x1280xf32>
      %get3A_1115 = arith.constant 0 : index
      %get3A_1116 = arith.index_cast %multiple_of3A_1109 : i32 to index
      %get3A_1117 = vector.load %arg5[%get3A_1115, %get3A_1116] : memref<256x8960xf32, #tpu.memory_space<vmem>>, vector<256x1280xf32>
      %broadcast_in_dim3A_1118 = vector.broadcast %while3A_488 : f32 to vector<256x1280xf32>
      %select_n3A_1119 = arith.select %eq3A_1114, %broadcast_in_dim3A_1118, %get3A_1117 : vector<256x1280xi1>, vector<256x1280xf32>
      %swap3A_1120 = arith.constant 0 : index
      %swap3A_1121 = arith.index_cast %multiple_of3A_1109 : i32 to index
      %swap3A_1122 = vector.load %arg5[%swap3A_1120, %swap3A_1121] : memref<256x8960xf32, #tpu.memory_space<vmem>>, vector<256x1280xf32>
      tpu.vector_store %arg5[%swap3A_1120, %swap3A_1121], %select_n3A_1119 {strides = array<i32>} : memref<256x8960xf32, #tpu.memory_space<vmem>>, vector<256x1280xf32>,
      %reduce_min3A_1123 = arith.constant dense<0x7F800000> : vector<256xf32>
      %reduce_min3A_1124 = vector.multi_reduction <minimumf>, %select_n3A_1119, %reduce_min3A_1123 [1] : vector<256x1280xf32> to vector<256xf32>
      %broadcast_in_dim3A_1125 = vector.shape_cast %reduce_min3A_1124 : vector<256xf32> to vector<256x1xf32>
      %eq3A_1126 = vector.broadcast %broadcast_in_dim3A_1125 : vector<256x1xf32> to vector<256x1280xf32>
      %eq3A_1127 = arith.cmpf oeq, %select_n3A_1119, %eq3A_1126 : vector<256x1280xf32>
      %broadcast_in_dim3A_1128 = vector.broadcast %while3A_488 : f32 to vector<256x1280xf32>
      %select_n3A_1129 = arith.select %eq3A_1127, %get3A_1112, %broadcast_in_dim3A_1128 : vector<256x1280xi1>, vector<256x1280xf32>
      %reduce_min3A_1130 = arith.constant dense<0x7F800000> : vector<256xf32>
      %reduce_min3A_1131 = vector.multi_reduction <minimumf>, %select_n3A_1129, %reduce_min3A_1130 [1] : vector<256x1280xf32> to vector<256xf32>
      %broadcast_in_dim3A_1132 = vector.shape_cast %reduce_min3A_1131 : vector<256xf32> to vector<256x1xf32>
      %lt3A_1133 = arith.cmpf olt, %broadcast_in_dim3A_1125, %while3A_1105 : vector<256x1xf32>
      %select_n3A_1134 = arith.select %lt3A_1133, %broadcast_in_dim3A_1125, %while3A_1105 : vector<256x1xi1>, vector<256x1xf32>
      %select_n3A_1135 = arith.select %lt3A_1133, %broadcast_in_dim3A_1132, %while3A_1106 : vector<256x1xi1>, vector<256x1xf32>
      scf.yield %select_n3A_1134, %select_n3A_1135 : vector<256x1xf32>, vector<256x1xf32>
    }
    %broadcast_in_dim3A_500 = arith.constant 3.000000e+38 : f32
    %broadcast_in_dim3A_501 = vector.broadcast %broadcast_in_dim3A_500 : f32 to vector<256x1xf32>
    %broadcast_in_dim3A_502 = arith.constant 3.000000e+38 : f32
    %broadcast_in_dim3A_503 = vector.broadcast %broadcast_in_dim3A_502 : f32 to vector<256x1xf32>
    %multiple_of3A_504 = arith.constant 0 : i32
    %multiple_of3A_505 = tpu.assume_multiple %multiple_of3A_504, 1280 : i32
    %get3A_506 = arith.constant 0 : index
    %get3A_507 = arith.index_cast %multiple_of3A_505 : i32 to index
    %get3A_508 = vector.load %arg6[%get3A_506, %get3A_507] : memref<256x8960xf32, #tpu.memory_space<vmem>>, vector<256x1280xf32>
    %eq3A_509 = vector.broadcast %while3A_499#1 : vector<256x1xf32> to vector<256x1280xf32>
    %eq3A_510 = arith.cmpf oeq, %get3A_508, %eq3A_509 : vector<256x1280xf32>
    %get3A_511 = arith.constant 0 : index
    %get3A_512 = arith.index_cast %multiple_of3A_505 : i32 to index
    %get3A_513 = vector.load %arg5[%get3A_511, %get3A_512] : memref<256x8960xf32, #tpu.memory_space<vmem>>, vector<256x1280xf32>
    %jit3A_514 = arith.constant 3.000000e+38 : f32
    %broadcast_in_dim3A_515 = vector.broadcast %jit3A_514 : f32 to vector<256x1280xf32>
    %select_n3A_516 = arith.select %eq3A_510, %broadcast_in_dim3A_515, %get3A_513 : vector<256x1280xi1>, vector<256x1280xf32>
    %swap3A_517 = arith.constant 0 : index
    %swap3A_518 = arith.index_cast %multiple_of3A_505 : i32 to index
    %swap3A_519 = vector.load %arg5[%swap3A_517, %swap3A_518] : memref<256x8960xf32, #tpu.memory_space<vmem>>, vector<256x1280xf32>
    tpu.vector_store %arg5[%swap3A_517, %swap3A_518], %select_n3A_516 {strides = array<i32>} : memref<256x8960xf32, #tpu.memory_space<vmem>>, vector<256x1280xf32>,
    %reduce_min3A_520 = arith.constant dense<0x7F800000> : vector<256xf32>
    %reduce_min3A_521 = vector.multi_reduction <minimumf>, %select_n3A_516, %reduce_min3A_520 [1] : vector<256x1280xf32> to vector<256xf32>
    %broadcast_in_dim3A_522 = vector.shape_cast %reduce_min3A_521 : vector<256xf32> to vector<256x1xf32>
    %eq3A_523 = vector.broadcast %broadcast_in_dim3A_522 : vector<256x1xf32> to vector<256x1280xf32>
    %eq3A_524 = arith.cmpf oeq, %select_n3A_516, %eq3A_523 : vector<256x1280xf32>
    %jit3A_525 = arith.constant 3.000000e+38 : f32
    %broadcast_in_dim3A_526 = vector.broadcast %jit3A_525 : f32 to vector<256x1280xf32>
    %select_n3A_527 = arith.select %eq3A_524, %get3A_508, %broadcast_in_dim3A_526 : vector<256x1280xi1>, vector<256x1280xf32>
    %reduce_min3A_528 = arith.constant dense<0x7F800000> : vector<256xf32>
    %reduce_min3A_529 = vector.multi_reduction <minimumf>, %select_n3A_527, %reduce_min3A_528 [1] : vector<256x1280xf32> to vector<256xf32>
    %broadcast_in_dim3A_530 = vector.shape_cast %reduce_min3A_529 : vector<256xf32> to vector<256x1xf32>
    %lt3A_531 = arith.cmpf olt, %broadcast_in_dim3A_522, %broadcast_in_dim3A_501 : vector<256x1xf32>
    %select_n3A_532 = arith.select %lt3A_531, %broadcast_in_dim3A_522, %broadcast_in_dim3A_501 : vector<256x1xi1>, vector<256x1xf32>
    %select_n3A_533 = arith.select %lt3A_531, %broadcast_in_dim3A_530, %broadcast_in_dim3A_503 : vector<256x1xi1>, vector<256x1xf32>
    %while3A_534 = arith.constant 3.000000e+38 : f32
    %while3A_535 = arith.constant 1 : i32
    %while3A_536 = arith.subi %get3A_4, %while3A_535 : i32
    %while3A_537 = arith.addi %while3A_535, %while3A_536 : i32
    %while3A_538 = arith.constant 1 : i32
    %while3A_539 = arith.divsi %while3A_536, %while3A_538 : i32
    %while3A_540 = arith.muli %while3A_539, %while3A_538 : i32
    %while3A_541 = arith.addi %while3A_535, %while3A_540 : i32
    %while3A_542 = arith.constant 1 : i32
    %while3A_543:2 = scf.for %while3A_1104 = %while3A_535 to %while3A_541 step %while3A_542 iter_args(%while3A_1105 = %select_n3A_532, %while3A_1106 = %select_n3A_533) -> (vector<256x1xf32>, vector<256x1xf32>)  : i32 {
      %mul3A_1107 = arith.constant 1280 : i32
      %mul3A_1108 = arith.muli %while3A_1104, %mul3A_1107 : i32
      %multiple_of3A_1109 = tpu.assume_multiple %mul3A_1108, 1280 : i32
      %get3A_1110 = arith.constant 0 : index
      %get3A_1111 = arith.index_cast %multiple_of3A_1109 : i32 to index
      %get3A_1112 = vector.load %arg6[%get3A_1110, %get3A_1111] : memref<256x8960xf32, #tpu.memory_space<vmem>>, vector<256x1280xf32>
      %eq3A_1113 = vector.broadcast %while3A_499#1 : vector<256x1xf32> to vector<256x1280xf32>
      %eq3A_1114 = arith.cmpf oeq, %get3A_1112, %eq3A_1113 : vector<256x1280xf32>
      %get3A_1115 = arith.constant 0 : index
      %get3A_1116 = arith.index_cast %multiple_of3A_1109 : i32 to index
      %get3A_1117 = vector.load %arg5[%get3A_1115, %get3A_1116] : memref<256x8960xf32, #tpu.memory_space<vmem>>, vector<256x1280xf32>
      %broadcast_in_dim3A_1118 = vector.broadcast %while3A_534 : f32 to vector<256x1280xf32>
      %select_n3A_1119 = arith.select %eq3A_1114, %broadcast_in_dim3A_1118, %get3A_1117 : vector<256x1280xi1>, vector<256x1280xf32>
      %swap3A_1120 = arith.constant 0 : index
      %swap3A_1121 = arith.index_cast %multiple_of3A_1109 : i32 to index
      %swap3A_1122 = vector.load %arg5[%swap3A_1120, %swap3A_1121] : memref<256x8960xf32, #tpu.memory_space<vmem>>, vector<256x1280xf32>
      tpu.vector_store %arg5[%swap3A_1120, %swap3A_1121], %select_n3A_1119 {strides = array<i32>} : memref<256x8960xf32, #tpu.memory_space<vmem>>, vector<256x1280xf32>,
      %reduce_min3A_1123 = arith.constant dense<0x7F800000> : vector<256xf32>
      %reduce_min3A_1124 = vector.multi_reduction <minimumf>, %select_n3A_1119, %reduce_min3A_1123 [1] : vector<256x1280xf32> to vector<256xf32>
      %broadcast_in_dim3A_1125 = vector.shape_cast %reduce_min3A_1124 : vector<256xf32> to vector<256x1xf32>
      %eq3A_1126 = vector.broadcast %broadcast_in_dim3A_1125 : vector<256x1xf32> to vector<256x1280xf32>
      %eq3A_1127 = arith.cmpf oeq, %select_n3A_1119, %eq3A_1126 : vector<256x1280xf32>
      %broadcast_in_dim3A_1128 = vector.broadcast %while3A_534 : f32 to vector<256x1280xf32>
      %select_n3A_1129 = arith.select %eq3A_1127, %get3A_1112, %broadcast_in_dim3A_1128 : vector<256x1280xi1>, vector<256x1280xf32>
      %reduce_min3A_1130 = arith.constant dense<0x7F800000> : vector<256xf32>
      %reduce_min3A_1131 = vector.multi_reduction <minimumf>, %select_n3A_1129, %reduce_min3A_1130 [1] : vector<256x1280xf32> to vector<256xf32>
      %broadcast_in_dim3A_1132 = vector.shape_cast %reduce_min3A_1131 : vector<256xf32> to vector<256x1xf32>
      %lt3A_1133 = arith.cmpf olt, %broadcast_in_dim3A_1125, %while3A_1105 : vector<256x1xf32>
      %select_n3A_1134 = arith.select %lt3A_1133, %broadcast_in_dim3A_1125, %while3A_1105 : vector<256x1xi1>, vector<256x1xf32>
      %select_n3A_1135 = arith.select %lt3A_1133, %broadcast_in_dim3A_1132, %while3A_1106 : vector<256x1xi1>, vector<256x1xf32>
      scf.yield %select_n3A_1134, %select_n3A_1135 : vector<256x1xf32>, vector<256x1xf32>
    }
    %while3A_544 = arith.constant 1 : i32
    %while3A_545:2 = scf.for %while3A_1104 = %while3A_541 to %while3A_537 step %while3A_544 iter_args(%while3A_1105 = %while3A_543#0, %while3A_1106 = %while3A_543#1) -> (vector<256x1xf32>, vector<256x1xf32>)  : i32 {
      %mul3A_1107 = arith.constant 1280 : i32
      %mul3A_1108 = arith.muli %while3A_1104, %mul3A_1107 : i32
      %multiple_of3A_1109 = tpu.assume_multiple %mul3A_1108, 1280 : i32
      %get3A_1110 = arith.constant 0 : index
      %get3A_1111 = arith.index_cast %multiple_of3A_1109 : i32 to index
      %get3A_1112 = vector.load %arg6[%get3A_1110, %get3A_1111] : memref<256x8960xf32, #tpu.memory_space<vmem>>, vector<256x1280xf32>
      %eq3A_1113 = vector.broadcast %while3A_499#1 : vector<256x1xf32> to vector<256x1280xf32>
      %eq3A_1114 = arith.cmpf oeq, %get3A_1112, %eq3A_1113 : vector<256x1280xf32>
      %get3A_1115 = arith.constant 0 : index
      %get3A_1116 = arith.index_cast %multiple_of3A_1109 : i32 to index
      %get3A_1117 = vector.load %arg5[%get3A_1115, %get3A_1116] : memref<256x8960xf32, #tpu.memory_space<vmem>>, vector<256x1280xf32>
      %broadcast_in_dim3A_1118 = vector.broadcast %while3A_534 : f32 to vector<256x1280xf32>
      %select_n3A_1119 = arith.select %eq3A_1114, %broadcast_in_dim3A_1118, %get3A_1117 : vector<256x1280xi1>, vector<256x1280xf32>
      %swap3A_1120 = arith.constant 0 : index
      %swap3A_1121 = arith.index_cast %multiple_of3A_1109 : i32 to index
      %swap3A_1122 = vector.load %arg5[%swap3A_1120, %swap3A_1121] : memref<256x8960xf32, #tpu.memory_space<vmem>>, vector<256x1280xf32>
      tpu.vector_store %arg5[%swap3A_1120, %swap3A_1121], %select_n3A_1119 {strides = array<i32>} : memref<256x8960xf32, #tpu.memory_space<vmem>>, vector<256x1280xf32>,
      %reduce_min3A_1123 = arith.constant dense<0x7F800000> : vector<256xf32>
      %reduce_min3A_1124 = vector.multi_reduction <minimumf>, %select_n3A_1119, %reduce_min3A_1123 [1] : vector<256x1280xf32> to vector<256xf32>
      %broadcast_in_dim3A_1125 = vector.shape_cast %reduce_min3A_1124 : vector<256xf32> to vector<256x1xf32>
      %eq3A_1126 = vector.broadcast %broadcast_in_dim3A_1125 : vector<256x1xf32> to vector<256x1280xf32>
      %eq3A_1127 = arith.cmpf oeq, %select_n3A_1119, %eq3A_1126 : vector<256x1280xf32>
      %broadcast_in_dim3A_1128 = vector.broadcast %while3A_534 : f32 to vector<256x1280xf32>
      %select_n3A_1129 = arith.select %eq3A_1127, %get3A_1112, %broadcast_in_dim3A_1128 : vector<256x1280xi1>, vector<256x1280xf32>
      %reduce_min3A_1130 = arith.constant dense<0x7F800000> : vector<256xf32>
      %reduce_min3A_1131 = vector.multi_reduction <minimumf>, %select_n3A_1129, %reduce_min3A_1130 [1] : vector<256x1280xf32> to vector<256xf32>
      %broadcast_in_dim3A_1132 = vector.shape_cast %reduce_min3A_1131 : vector<256xf32> to vector<256x1xf32>
      %lt3A_1133 = arith.cmpf olt, %broadcast_in_dim3A_1125, %while3A_1105 : vector<256x1xf32>
      %select_n3A_1134 = arith.select %lt3A_1133, %broadcast_in_dim3A_1125, %while3A_1105 : vector<256x1xi1>, vector<256x1xf32>
      %select_n3A_1135 = arith.select %lt3A_1133, %broadcast_in_dim3A_1132, %while3A_1106 : vector<256x1xi1>, vector<256x1xf32>
      scf.yield %select_n3A_1134, %select_n3A_1135 : vector<256x1xf32>, vector<256x1xf32>
    }
    %broadcast_in_dim3A_546 = arith.constant 3.000000e+38 : f32
    %broadcast_in_dim3A_547 = vector.broadcast %broadcast_in_dim3A_546 : f32 to vector<256x1xf32>
    %broadcast_in_dim3A_548 = arith.constant 3.000000e+38 : f32
    %broadcast_in_dim3A_549 = vector.broadcast %broadcast_in_dim3A_548 : f32 to vector<256x1xf32>
    %multiple_of3A_550 = arith.constant 0 : i32
    %multiple_of3A_551 = tpu.assume_multiple %multiple_of3A_550, 1280 : i32
    %get3A_552 = arith.constant 0 : index
    %get3A_553 = arith.index_cast %multiple_of3A_551 : i32 to index
    %get3A_554 = vector.load %arg6[%get3A_552, %get3A_553] : memref<256x8960xf32, #tpu.memory_space<vmem>>, vector<256x1280xf32>
    %eq3A_555 = vector.broadcast %while3A_545#1 : vector<256x1xf32> to vector<256x1280xf32>
    %eq3A_556 = arith.cmpf oeq, %get3A_554, %eq3A_555 : vector<256x1280xf32>
    %get3A_557 = arith.constant 0 : index
    %get3A_558 = arith.index_cast %multiple_of3A_551 : i32 to index
    %get3A_559 = vector.load %arg5[%get3A_557, %get3A_558] : memref<256x8960xf32, #tpu.memory_space<vmem>>, vector<256x1280xf32>
    %jit3A_560 = arith.constant 3.000000e+38 : f32
    %broadcast_in_dim3A_561 = vector.broadcast %jit3A_560 : f32 to vector<256x1280xf32>
    %select_n3A_562 = arith.select %eq3A_556, %broadcast_in_dim3A_561, %get3A_559 : vector<256x1280xi1>, vector<256x1280xf32>
    %swap3A_563 = arith.constant 0 : index
    %swap3A_564 = arith.index_cast %multiple_of3A_551 : i32 to index
    %swap3A_565 = vector.load %arg5[%swap3A_563, %swap3A_564] : memref<256x8960xf32, #tpu.memory_space<vmem>>, vector<256x1280xf32>
    tpu.vector_store %arg5[%swap3A_563, %swap3A_564], %select_n3A_562 {strides = array<i32>} : memref<256x8960xf32, #tpu.memory_space<vmem>>, vector<256x1280xf32>,
    %reduce_min3A_566 = arith.constant dense<0x7F800000> : vector<256xf32>
    %reduce_min3A_567 = vector.multi_reduction <minimumf>, %select_n3A_562, %reduce_min3A_566 [1] : vector<256x1280xf32> to vector<256xf32>
    %broadcast_in_dim3A_568 = vector.shape_cast %reduce_min3A_567 : vector<256xf32> to vector<256x1xf32>
    %eq3A_569 = vector.broadcast %broadcast_in_dim3A_568 : vector<256x1xf32> to vector<256x1280xf32>
    %eq3A_570 = arith.cmpf oeq, %select_n3A_562, %eq3A_569 : vector<256x1280xf32>
    %jit3A_571 = arith.constant 3.000000e+38 : f32
    %broadcast_in_dim3A_572 = vector.broadcast %jit3A_571 : f32 to vector<256x1280xf32>
    %select_n3A_573 = arith.select %eq3A_570, %get3A_554, %broadcast_in_dim3A_572 : vector<256x1280xi1>, vector<256x1280xf32>
    %reduce_min3A_574 = arith.constant dense<0x7F800000> : vector<256xf32>
    %reduce_min3A_575 = vector.multi_reduction <minimumf>, %select_n3A_573, %reduce_min3A_574 [1] : vector<256x1280xf32> to vector<256xf32>
    %broadcast_in_dim3A_576 = vector.shape_cast %reduce_min3A_575 : vector<256xf32> to vector<256x1xf32>
    %lt3A_577 = arith.cmpf olt, %broadcast_in_dim3A_568, %broadcast_in_dim3A_547 : vector<256x1xf32>
    %select_n3A_578 = arith.select %lt3A_577, %broadcast_in_dim3A_568, %broadcast_in_dim3A_547 : vector<256x1xi1>, vector<256x1xf32>
    %select_n3A_579 = arith.select %lt3A_577, %broadcast_in_dim3A_576, %broadcast_in_dim3A_549 : vector<256x1xi1>, vector<256x1xf32>
    %while3A_580 = arith.constant 3.000000e+38 : f32
    %while3A_581 = arith.constant 1 : i32
    %while3A_582 = arith.subi %get3A_4, %while3A_581 : i32
    %while3A_583 = arith.addi %while3A_581, %while3A_582 : i32
    %while3A_584 = arith.constant 1 : i32
    %while3A_585 = arith.divsi %while3A_582, %while3A_584 : i32
    %while3A_586 = arith.muli %while3A_585, %while3A_584 : i32
    %while3A_587 = arith.addi %while3A_581, %while3A_586 : i32
    %while3A_588 = arith.constant 1 : i32
    %while3A_589:2 = scf.for %while3A_1104 = %while3A_581 to %while3A_587 step %while3A_588 iter_args(%while3A_1105 = %select_n3A_578, %while3A_1106 = %select_n3A_579) -> (vector<256x1xf32>, vector<256x1xf32>)  : i32 {
      %mul3A_1107 = arith.constant 1280 : i32
      %mul3A_1108 = arith.muli %while3A_1104, %mul3A_1107 : i32
      %multiple_of3A_1109 = tpu.assume_multiple %mul3A_1108, 1280 : i32
      %get3A_1110 = arith.constant 0 : index
      %get3A_1111 = arith.index_cast %multiple_of3A_1109 : i32 to index
      %get3A_1112 = vector.load %arg6[%get3A_1110, %get3A_1111] : memref<256x8960xf32, #tpu.memory_space<vmem>>, vector<256x1280xf32>
      %eq3A_1113 = vector.broadcast %while3A_545#1 : vector<256x1xf32> to vector<256x1280xf32>
      %eq3A_1114 = arith.cmpf oeq, %get3A_1112, %eq3A_1113 : vector<256x1280xf32>
      %get3A_1115 = arith.constant 0 : index
      %get3A_1116 = arith.index_cast %multiple_of3A_1109 : i32 to index
      %get3A_1117 = vector.load %arg5[%get3A_1115, %get3A_1116] : memref<256x8960xf32, #tpu.memory_space<vmem>>, vector<256x1280xf32>
      %broadcast_in_dim3A_1118 = vector.broadcast %while3A_580 : f32 to vector<256x1280xf32>
      %select_n3A_1119 = arith.select %eq3A_1114, %broadcast_in_dim3A_1118, %get3A_1117 : vector<256x1280xi1>, vector<256x1280xf32>
      %swap3A_1120 = arith.constant 0 : index
      %swap3A_1121 = arith.index_cast %multiple_of3A_1109 : i32 to index
      %swap3A_1122 = vector.load %arg5[%swap3A_1120, %swap3A_1121] : memref<256x8960xf32, #tpu.memory_space<vmem>>, vector<256x1280xf32>
      tpu.vector_store %arg5[%swap3A_1120, %swap3A_1121], %select_n3A_1119 {strides = array<i32>} : memref<256x8960xf32, #tpu.memory_space<vmem>>, vector<256x1280xf32>,
      %reduce_min3A_1123 = arith.constant dense<0x7F800000> : vector<256xf32>
      %reduce_min3A_1124 = vector.multi_reduction <minimumf>, %select_n3A_1119, %reduce_min3A_1123 [1] : vector<256x1280xf32> to vector<256xf32>
      %broadcast_in_dim3A_1125 = vector.shape_cast %reduce_min3A_1124 : vector<256xf32> to vector<256x1xf32>
      %eq3A_1126 = vector.broadcast %broadcast_in_dim3A_1125 : vector<256x1xf32> to vector<256x1280xf32>
      %eq3A_1127 = arith.cmpf oeq, %select_n3A_1119, %eq3A_1126 : vector<256x1280xf32>
      %broadcast_in_dim3A_1128 = vector.broadcast %while3A_580 : f32 to vector<256x1280xf32>
      %select_n3A_1129 = arith.select %eq3A_1127, %get3A_1112, %broadcast_in_dim3A_1128 : vector<256x1280xi1>, vector<256x1280xf32>
      %reduce_min3A_1130 = arith.constant dense<0x7F800000> : vector<256xf32>
      %reduce_min3A_1131 = vector.multi_reduction <minimumf>, %select_n3A_1129, %reduce_min3A_1130 [1] : vector<256x1280xf32> to vector<256xf32>
      %broadcast_in_dim3A_1132 = vector.shape_cast %reduce_min3A_1131 : vector<256xf32> to vector<256x1xf32>
      %lt3A_1133 = arith.cmpf olt, %broadcast_in_dim3A_1125, %while3A_1105 : vector<256x1xf32>
      %select_n3A_1134 = arith.select %lt3A_1133, %broadcast_in_dim3A_1125, %while3A_1105 : vector<256x1xi1>, vector<256x1xf32>
      %select_n3A_1135 = arith.select %lt3A_1133, %broadcast_in_dim3A_1132, %while3A_1106 : vector<256x1xi1>, vector<256x1xf32>
      scf.yield %select_n3A_1134, %select_n3A_1135 : vector<256x1xf32>, vector<256x1xf32>
    }
    %while3A_590 = arith.constant 1 : i32
    %while3A_591:2 = scf.for %while3A_1104 = %while3A_587 to %while3A_583 step %while3A_590 iter_args(%while3A_1105 = %while3A_589#0, %while3A_1106 = %while3A_589#1) -> (vector<256x1xf32>, vector<256x1xf32>)  : i32 {
      %mul3A_1107 = arith.constant 1280 : i32
      %mul3A_1108 = arith.muli %while3A_1104, %mul3A_1107 : i32
      %multiple_of3A_1109 = tpu.assume_multiple %mul3A_1108, 1280 : i32
      %get3A_1110 = arith.constant 0 : index
      %get3A_1111 = arith.index_cast %multiple_of3A_1109 : i32 to index
      %get3A_1112 = vector.load %arg6[%get3A_1110, %get3A_1111] : memref<256x8960xf32, #tpu.memory_space<vmem>>, vector<256x1280xf32>
      %eq3A_1113 = vector.broadcast %while3A_545#1 : vector<256x1xf32> to vector<256x1280xf32>
      %eq3A_1114 = arith.cmpf oeq, %get3A_1112, %eq3A_1113 : vector<256x1280xf32>
      %get3A_1115 = arith.constant 0 : index
      %get3A_1116 = arith.index_cast %multiple_of3A_1109 : i32 to index
      %get3A_1117 = vector.load %arg5[%get3A_1115, %get3A_1116] : memref<256x8960xf32, #tpu.memory_space<vmem>>, vector<256x1280xf32>
      %broadcast_in_dim3A_1118 = vector.broadcast %while3A_580 : f32 to vector<256x1280xf32>
      %select_n3A_1119 = arith.select %eq3A_1114, %broadcast_in_dim3A_1118, %get3A_1117 : vector<256x1280xi1>, vector<256x1280xf32>
      %swap3A_1120 = arith.constant 0 : index
      %swap3A_1121 = arith.index_cast %multiple_of3A_1109 : i32 to index
      %swap3A_1122 = vector.load %arg5[%swap3A_1120, %swap3A_1121] : memref<256x8960xf32, #tpu.memory_space<vmem>>, vector<256x1280xf32>
      tpu.vector_store %arg5[%swap3A_1120, %swap3A_1121], %select_n3A_1119 {strides = array<i32>} : memref<256x8960xf32, #tpu.memory_space<vmem>>, vector<256x1280xf32>,
      %reduce_min3A_1123 = arith.constant dense<0x7F800000> : vector<256xf32>
      %reduce_min3A_1124 = vector.multi_reduction <minimumf>, %select_n3A_1119, %reduce_min3A_1123 [1] : vector<256x1280xf32> to vector<256xf32>
      %broadcast_in_dim3A_1125 = vector.shape_cast %reduce_min3A_1124 : vector<256xf32> to vector<256x1xf32>
      %eq3A_1126 = vector.broadcast %broadcast_in_dim3A_1125 : vector<256x1xf32> to vector<256x1280xf32>
      %eq3A_1127 = arith.cmpf oeq, %select_n3A_1119, %eq3A_1126 : vector<256x1280xf32>
      %broadcast_in_dim3A_1128 = vector.broadcast %while3A_580 : f32 to vector<256x1280xf32>
      %select_n3A_1129 = arith.select %eq3A_1127, %get3A_1112, %broadcast_in_dim3A_1128 : vector<256x1280xi1>, vector<256x1280xf32>
      %reduce_min3A_1130 = arith.constant dense<0x7F800000> : vector<256xf32>
      %reduce_min3A_1131 = vector.multi_reduction <minimumf>, %select_n3A_1129, %reduce_min3A_1130 [1] : vector<256x1280xf32> to vector<256xf32>
      %broadcast_in_dim3A_1132 = vector.shape_cast %reduce_min3A_1131 : vector<256xf32> to vector<256x1xf32>
      %lt3A_1133 = arith.cmpf olt, %broadcast_in_dim3A_1125, %while3A_1105 : vector<256x1xf32>
      %select_n3A_1134 = arith.select %lt3A_1133, %broadcast_in_dim3A_1125, %while3A_1105 : vector<256x1xi1>, vector<256x1xf32>
      %select_n3A_1135 = arith.select %lt3A_1133, %broadcast_in_dim3A_1132, %while3A_1106 : vector<256x1xi1>, vector<256x1xf32>
      scf.yield %select_n3A_1134, %select_n3A_1135 : vector<256x1xf32>, vector<256x1xf32>
    }
    %broadcast_in_dim3A_592 = arith.constant 3.000000e+38 : f32
    %broadcast_in_dim3A_593 = vector.broadcast %broadcast_in_dim3A_592 : f32 to vector<256x1xf32>
    %broadcast_in_dim3A_594 = arith.constant 3.000000e+38 : f32
    %broadcast_in_dim3A_595 = vector.broadcast %broadcast_in_dim3A_594 : f32 to vector<256x1xf32>
    %multiple_of3A_596 = arith.constant 0 : i32
    %multiple_of3A_597 = tpu.assume_multiple %multiple_of3A_596, 1280 : i32
    %get3A_598 = arith.constant 0 : index
    %get3A_599 = arith.index_cast %multiple_of3A_597 : i32 to index
    %get3A_600 = vector.load %arg6[%get3A_598, %get3A_599] : memref<256x8960xf32, #tpu.memory_space<vmem>>, vector<256x1280xf32>
    %eq3A_601 = vector.broadcast %while3A_591#1 : vector<256x1xf32> to vector<256x1280xf32>
    %eq3A_602 = arith.cmpf oeq, %get3A_600, %eq3A_601 : vector<256x1280xf32>
    %get3A_603 = arith.constant 0 : index
    %get3A_604 = arith.index_cast %multiple_of3A_597 : i32 to index
    %get3A_605 = vector.load %arg5[%get3A_603, %get3A_604] : memref<256x8960xf32, #tpu.memory_space<vmem>>, vector<256x1280xf32>
    %jit3A_606 = arith.constant 3.000000e+38 : f32
    %broadcast_in_dim3A_607 = vector.broadcast %jit3A_606 : f32 to vector<256x1280xf32>
    %select_n3A_608 = arith.select %eq3A_602, %broadcast_in_dim3A_607, %get3A_605 : vector<256x1280xi1>, vector<256x1280xf32>
    %swap3A_609 = arith.constant 0 : index
    %swap3A_610 = arith.index_cast %multiple_of3A_597 : i32 to index
    %swap3A_611 = vector.load %arg5[%swap3A_609, %swap3A_610] : memref<256x8960xf32, #tpu.memory_space<vmem>>, vector<256x1280xf32>
    tpu.vector_store %arg5[%swap3A_609, %swap3A_610], %select_n3A_608 {strides = array<i32>} : memref<256x8960xf32, #tpu.memory_space<vmem>>, vector<256x1280xf32>,
    %reduce_min3A_612 = arith.constant dense<0x7F800000> : vector<256xf32>
    %reduce_min3A_613 = vector.multi_reduction <minimumf>, %select_n3A_608, %reduce_min3A_612 [1] : vector<256x1280xf32> to vector<256xf32>
    %broadcast_in_dim3A_614 = vector.shape_cast %reduce_min3A_613 : vector<256xf32> to vector<256x1xf32>
    %eq3A_615 = vector.broadcast %broadcast_in_dim3A_614 : vector<256x1xf32> to vector<256x1280xf32>
    %eq3A_616 = arith.cmpf oeq, %select_n3A_608, %eq3A_615 : vector<256x1280xf32>
    %jit3A_617 = arith.constant 3.000000e+38 : f32
    %broadcast_in_dim3A_618 = vector.broadcast %jit3A_617 : f32 to vector<256x1280xf32>
    %select_n3A_619 = arith.select %eq3A_616, %get3A_600, %broadcast_in_dim3A_618 : vector<256x1280xi1>, vector<256x1280xf32>
    %reduce_min3A_620 = arith.constant dense<0x7F800000> : vector<256xf32>
    %reduce_min3A_621 = vector.multi_reduction <minimumf>, %select_n3A_619, %reduce_min3A_620 [1] : vector<256x1280xf32> to vector<256xf32>
    %broadcast_in_dim3A_622 = vector.shape_cast %reduce_min3A_621 : vector<256xf32> to vector<256x1xf32>
    %lt3A_623 = arith.cmpf olt, %broadcast_in_dim3A_614, %broadcast_in_dim3A_593 : vector<256x1xf32>
    %select_n3A_624 = arith.select %lt3A_623, %broadcast_in_dim3A_614, %broadcast_in_dim3A_593 : vector<256x1xi1>, vector<256x1xf32>
    %select_n3A_625 = arith.select %lt3A_623, %broadcast_in_dim3A_622, %broadcast_in_dim3A_595 : vector<256x1xi1>, vector<256x1xf32>
    %while3A_626 = arith.constant 3.000000e+38 : f32
    %while3A_627 = arith.constant 1 : i32
    %while3A_628 = arith.subi %get3A_4, %while3A_627 : i32
    %while3A_629 = arith.addi %while3A_627, %while3A_628 : i32
    %while3A_630 = arith.constant 1 : i32
    %while3A_631 = arith.divsi %while3A_628, %while3A_630 : i32
    %while3A_632 = arith.muli %while3A_631, %while3A_630 : i32
    %while3A_633 = arith.addi %while3A_627, %while3A_632 : i32
    %while3A_634 = arith.constant 1 : i32
    %while3A_635:2 = scf.for %while3A_1104 = %while3A_627 to %while3A_633 step %while3A_634 iter_args(%while3A_1105 = %select_n3A_624, %while3A_1106 = %select_n3A_625) -> (vector<256x1xf32>, vector<256x1xf32>)  : i32 {
      %mul3A_1107 = arith.constant 1280 : i32
      %mul3A_1108 = arith.muli %while3A_1104, %mul3A_1107 : i32
      %multiple_of3A_1109 = tpu.assume_multiple %mul3A_1108, 1280 : i32
      %get3A_1110 = arith.constant 0 : index
      %get3A_1111 = arith.index_cast %multiple_of3A_1109 : i32 to index
      %get3A_1112 = vector.load %arg6[%get3A_1110, %get3A_1111] : memref<256x8960xf32, #tpu.memory_space<vmem>>, vector<256x1280xf32>
      %eq3A_1113 = vector.broadcast %while3A_591#1 : vector<256x1xf32> to vector<256x1280xf32>
      %eq3A_1114 = arith.cmpf oeq, %get3A_1112, %eq3A_1113 : vector<256x1280xf32>
      %get3A_1115 = arith.constant 0 : index
      %get3A_1116 = arith.index_cast %multiple_of3A_1109 : i32 to index
      %get3A_1117 = vector.load %arg5[%get3A_1115, %get3A_1116] : memref<256x8960xf32, #tpu.memory_space<vmem>>, vector<256x1280xf32>
      %broadcast_in_dim3A_1118 = vector.broadcast %while3A_626 : f32 to vector<256x1280xf32>
      %select_n3A_1119 = arith.select %eq3A_1114, %broadcast_in_dim3A_1118, %get3A_1117 : vector<256x1280xi1>, vector<256x1280xf32>
      %swap3A_1120 = arith.constant 0 : index
      %swap3A_1121 = arith.index_cast %multiple_of3A_1109 : i32 to index
      %swap3A_1122 = vector.load %arg5[%swap3A_1120, %swap3A_1121] : memref<256x8960xf32, #tpu.memory_space<vmem>>, vector<256x1280xf32>
      tpu.vector_store %arg5[%swap3A_1120, %swap3A_1121], %select_n3A_1119 {strides = array<i32>} : memref<256x8960xf32, #tpu.memory_space<vmem>>, vector<256x1280xf32>,
      %reduce_min3A_1123 = arith.constant dense<0x7F800000> : vector<256xf32>
      %reduce_min3A_1124 = vector.multi_reduction <minimumf>, %select_n3A_1119, %reduce_min3A_1123 [1] : vector<256x1280xf32> to vector<256xf32>
      %broadcast_in_dim3A_1125 = vector.shape_cast %reduce_min3A_1124 : vector<256xf32> to vector<256x1xf32>
      %eq3A_1126 = vector.broadcast %broadcast_in_dim3A_1125 : vector<256x1xf32> to vector<256x1280xf32>
      %eq3A_1127 = arith.cmpf oeq, %select_n3A_1119, %eq3A_1126 : vector<256x1280xf32>
      %broadcast_in_dim3A_1128 = vector.broadcast %while3A_626 : f32 to vector<256x1280xf32>
      %select_n3A_1129 = arith.select %eq3A_1127, %get3A_1112, %broadcast_in_dim3A_1128 : vector<256x1280xi1>, vector<256x1280xf32>
      %reduce_min3A_1130 = arith.constant dense<0x7F800000> : vector<256xf32>
      %reduce_min3A_1131 = vector.multi_reduction <minimumf>, %select_n3A_1129, %reduce_min3A_1130 [1] : vector<256x1280xf32> to vector<256xf32>
      %broadcast_in_dim3A_1132 = vector.shape_cast %reduce_min3A_1131 : vector<256xf32> to vector<256x1xf32>
      %lt3A_1133 = arith.cmpf olt, %broadcast_in_dim3A_1125, %while3A_1105 : vector<256x1xf32>
      %select_n3A_1134 = arith.select %lt3A_1133, %broadcast_in_dim3A_1125, %while3A_1105 : vector<256x1xi1>, vector<256x1xf32>
      %select_n3A_1135 = arith.select %lt3A_1133, %broadcast_in_dim3A_1132, %while3A_1106 : vector<256x1xi1>, vector<256x1xf32>
      scf.yield %select_n3A_1134, %select_n3A_1135 : vector<256x1xf32>, vector<256x1xf32>
    }
    %while3A_636 = arith.constant 1 : i32
    %while3A_637:2 = scf.for %while3A_1104 = %while3A_633 to %while3A_629 step %while3A_636 iter_args(%while3A_1105 = %while3A_635#0, %while3A_1106 = %while3A_635#1) -> (vector<256x1xf32>, vector<256x1xf32>)  : i32 {
      %mul3A_1107 = arith.constant 1280 : i32
      %mul3A_1108 = arith.muli %while3A_1104, %mul3A_1107 : i32
      %multiple_of3A_1109 = tpu.assume_multiple %mul3A_1108, 1280 : i32
      %get3A_1110 = arith.constant 0 : index
      %get3A_1111 = arith.index_cast %multiple_of3A_1109 : i32 to index
      %get3A_1112 = vector.load %arg6[%get3A_1110, %get3A_1111] : memref<256x8960xf32, #tpu.memory_space<vmem>>, vector<256x1280xf32>
      %eq3A_1113 = vector.broadcast %while3A_591#1 : vector<256x1xf32> to vector<256x1280xf32>
      %eq3A_1114 = arith.cmpf oeq, %get3A_1112, %eq3A_1113 : vector<256x1280xf32>
      %get3A_1115 = arith.constant 0 : index
      %get3A_1116 = arith.index_cast %multiple_of3A_1109 : i32 to index
      %get3A_1117 = vector.load %arg5[%get3A_1115, %get3A_1116] : memref<256x8960xf32, #tpu.memory_space<vmem>>, vector<256x1280xf32>
      %broadcast_in_dim3A_1118 = vector.broadcast %while3A_626 : f32 to vector<256x1280xf32>
      %select_n3A_1119 = arith.select %eq3A_1114, %broadcast_in_dim3A_1118, %get3A_1117 : vector<256x1280xi1>, vector<256x1280xf32>
      %swap3A_1120 = arith.constant 0 : index
      %swap3A_1121 = arith.index_cast %multiple_of3A_1109 : i32 to index
      %swap3A_1122 = vector.load %arg5[%swap3A_1120, %swap3A_1121] : memref<256x8960xf32, #tpu.memory_space<vmem>>, vector<256x1280xf32>
      tpu.vector_store %arg5[%swap3A_1120, %swap3A_1121], %select_n3A_1119 {strides = array<i32>} : memref<256x8960xf32, #tpu.memory_space<vmem>>, vector<256x1280xf32>,
      %reduce_min3A_1123 = arith.constant dense<0x7F800000> : vector<256xf32>
      %reduce_min3A_1124 = vector.multi_reduction <minimumf>, %select_n3A_1119, %reduce_min3A_1123 [1] : vector<256x1280xf32> to vector<256xf32>
      %broadcast_in_dim3A_1125 = vector.shape_cast %reduce_min3A_1124 : vector<256xf32> to vector<256x1xf32>
      %eq3A_1126 = vector.broadcast %broadcast_in_dim3A_1125 : vector<256x1xf32> to vector<256x1280xf32>
      %eq3A_1127 = arith.cmpf oeq, %select_n3A_1119, %eq3A_1126 : vector<256x1280xf32>
      %broadcast_in_dim3A_1128 = vector.broadcast %while3A_626 : f32 to vector<256x1280xf32>
      %select_n3A_1129 = arith.select %eq3A_1127, %get3A_1112, %broadcast_in_dim3A_1128 : vector<256x1280xi1>, vector<256x1280xf32>
      %reduce_min3A_1130 = arith.constant dense<0x7F800000> : vector<256xf32>
      %reduce_min3A_1131 = vector.multi_reduction <minimumf>, %select_n3A_1129, %reduce_min3A_1130 [1] : vector<256x1280xf32> to vector<256xf32>
      %broadcast_in_dim3A_1132 = vector.shape_cast %reduce_min3A_1131 : vector<256xf32> to vector<256x1xf32>
      %lt3A_1133 = arith.cmpf olt, %broadcast_in_dim3A_1125, %while3A_1105 : vector<256x1xf32>
      %select_n3A_1134 = arith.select %lt3A_1133, %broadcast_in_dim3A_1125, %while3A_1105 : vector<256x1xi1>, vector<256x1xf32>
      %select_n3A_1135 = arith.select %lt3A_1133, %broadcast_in_dim3A_1132, %while3A_1106 : vector<256x1xi1>, vector<256x1xf32>
      scf.yield %select_n3A_1134, %select_n3A_1135 : vector<256x1xf32>, vector<256x1xf32>
    }
    %broadcast_in_dim3A_638 = arith.constant 3.000000e+38 : f32
    %broadcast_in_dim3A_639 = vector.broadcast %broadcast_in_dim3A_638 : f32 to vector<256x1xf32>
    %broadcast_in_dim3A_640 = arith.constant 3.000000e+38 : f32
    %broadcast_in_dim3A_641 = vector.broadcast %broadcast_in_dim3A_640 : f32 to vector<256x1xf32>
    %multiple_of3A_642 = arith.constant 0 : i32
    %multiple_of3A_643 = tpu.assume_multiple %multiple_of3A_642, 1280 : i32
    %get3A_644 = arith.constant 0 : index
    %get3A_645 = arith.index_cast %multiple_of3A_643 : i32 to index
    %get3A_646 = vector.load %arg6[%get3A_644, %get3A_645] : memref<256x8960xf32, #tpu.memory_space<vmem>>, vector<256x1280xf32>
    %eq3A_647 = vector.broadcast %while3A_637#1 : vector<256x1xf32> to vector<256x1280xf32>
    %eq3A_648 = arith.cmpf oeq, %get3A_646, %eq3A_647 : vector<256x1280xf32>
    %get3A_649 = arith.constant 0 : index
    %get3A_650 = arith.index_cast %multiple_of3A_643 : i32 to index
    %get3A_651 = vector.load %arg5[%get3A_649, %get3A_650] : memref<256x8960xf32, #tpu.memory_space<vmem>>, vector<256x1280xf32>
    %jit3A_652 = arith.constant 3.000000e+38 : f32
    %broadcast_in_dim3A_653 = vector.broadcast %jit3A_652 : f32 to vector<256x1280xf32>
    %select_n3A_654 = arith.select %eq3A_648, %broadcast_in_dim3A_653, %get3A_651 : vector<256x1280xi1>, vector<256x1280xf32>
    %swap3A_655 = arith.constant 0 : index
    %swap3A_656 = arith.index_cast %multiple_of3A_643 : i32 to index
    %swap3A_657 = vector.load %arg5[%swap3A_655, %swap3A_656] : memref<256x8960xf32, #tpu.memory_space<vmem>>, vector<256x1280xf32>
    tpu.vector_store %arg5[%swap3A_655, %swap3A_656], %select_n3A_654 {strides = array<i32>} : memref<256x8960xf32, #tpu.memory_space<vmem>>, vector<256x1280xf32>,
    %reduce_min3A_658 = arith.constant dense<0x7F800000> : vector<256xf32>
    %reduce_min3A_659 = vector.multi_reduction <minimumf>, %select_n3A_654, %reduce_min3A_658 [1] : vector<256x1280xf32> to vector<256xf32>
    %broadcast_in_dim3A_660 = vector.shape_cast %reduce_min3A_659 : vector<256xf32> to vector<256x1xf32>
    %eq3A_661 = vector.broadcast %broadcast_in_dim3A_660 : vector<256x1xf32> to vector<256x1280xf32>
    %eq3A_662 = arith.cmpf oeq, %select_n3A_654, %eq3A_661 : vector<256x1280xf32>
    %jit3A_663 = arith.constant 3.000000e+38 : f32
    %broadcast_in_dim3A_664 = vector.broadcast %jit3A_663 : f32 to vector<256x1280xf32>
    %select_n3A_665 = arith.select %eq3A_662, %get3A_646, %broadcast_in_dim3A_664 : vector<256x1280xi1>, vector<256x1280xf32>
    %reduce_min3A_666 = arith.constant dense<0x7F800000> : vector<256xf32>
    %reduce_min3A_667 = vector.multi_reduction <minimumf>, %select_n3A_665, %reduce_min3A_666 [1] : vector<256x1280xf32> to vector<256xf32>
    %broadcast_in_dim3A_668 = vector.shape_cast %reduce_min3A_667 : vector<256xf32> to vector<256x1xf32>
    %lt3A_669 = arith.cmpf olt, %broadcast_in_dim3A_660, %broadcast_in_dim3A_639 : vector<256x1xf32>
    %select_n3A_670 = arith.select %lt3A_669, %broadcast_in_dim3A_660, %broadcast_in_dim3A_639 : vector<256x1xi1>, vector<256x1xf32>
    %select_n3A_671 = arith.select %lt3A_669, %broadcast_in_dim3A_668, %broadcast_in_dim3A_641 : vector<256x1xi1>, vector<256x1xf32>
    %while3A_672 = arith.constant 3.000000e+38 : f32
    %while3A_673 = arith.constant 1 : i32
    %while3A_674 = arith.subi %get3A_4, %while3A_673 : i32
    %while3A_675 = arith.addi %while3A_673, %while3A_674 : i32
    %while3A_676 = arith.constant 1 : i32
    %while3A_677 = arith.divsi %while3A_674, %while3A_676 : i32
    %while3A_678 = arith.muli %while3A_677, %while3A_676 : i32
    %while3A_679 = arith.addi %while3A_673, %while3A_678 : i32
    %while3A_680 = arith.constant 1 : i32
    %while3A_681:2 = scf.for %while3A_1104 = %while3A_673 to %while3A_679 step %while3A_680 iter_args(%while3A_1105 = %select_n3A_670, %while3A_1106 = %select_n3A_671) -> (vector<256x1xf32>, vector<256x1xf32>)  : i32 {
      %mul3A_1107 = arith.constant 1280 : i32
      %mul3A_1108 = arith.muli %while3A_1104, %mul3A_1107 : i32
      %multiple_of3A_1109 = tpu.assume_multiple %mul3A_1108, 1280 : i32
      %get3A_1110 = arith.constant 0 : index
      %get3A_1111 = arith.index_cast %multiple_of3A_1109 : i32 to index
      %get3A_1112 = vector.load %arg6[%get3A_1110, %get3A_1111] : memref<256x8960xf32, #tpu.memory_space<vmem>>, vector<256x1280xf32>
      %eq3A_1113 = vector.broadcast %while3A_637#1 : vector<256x1xf32> to vector<256x1280xf32>
      %eq3A_1114 = arith.cmpf oeq, %get3A_1112, %eq3A_1113 : vector<256x1280xf32>
      %get3A_1115 = arith.constant 0 : index
      %get3A_1116 = arith.index_cast %multiple_of3A_1109 : i32 to index
      %get3A_1117 = vector.load %arg5[%get3A_1115, %get3A_1116] : memref<256x8960xf32, #tpu.memory_space<vmem>>, vector<256x1280xf32>
      %broadcast_in_dim3A_1118 = vector.broadcast %while3A_672 : f32 to vector<256x1280xf32>
      %select_n3A_1119 = arith.select %eq3A_1114, %broadcast_in_dim3A_1118, %get3A_1117 : vector<256x1280xi1>, vector<256x1280xf32>
      %swap3A_1120 = arith.constant 0 : index
      %swap3A_1121 = arith.index_cast %multiple_of3A_1109 : i32 to index
      %swap3A_1122 = vector.load %arg5[%swap3A_1120, %swap3A_1121] : memref<256x8960xf32, #tpu.memory_space<vmem>>, vector<256x1280xf32>
      tpu.vector_store %arg5[%swap3A_1120, %swap3A_1121], %select_n3A_1119 {strides = array<i32>} : memref<256x8960xf32, #tpu.memory_space<vmem>>, vector<256x1280xf32>,
      %reduce_min3A_1123 = arith.constant dense<0x7F800000> : vector<256xf32>
      %reduce_min3A_1124 = vector.multi_reduction <minimumf>, %select_n3A_1119, %reduce_min3A_1123 [1] : vector<256x1280xf32> to vector<256xf32>
      %broadcast_in_dim3A_1125 = vector.shape_cast %reduce_min3A_1124 : vector<256xf32> to vector<256x1xf32>
      %eq3A_1126 = vector.broadcast %broadcast_in_dim3A_1125 : vector<256x1xf32> to vector<256x1280xf32>
      %eq3A_1127 = arith.cmpf oeq, %select_n3A_1119, %eq3A_1126 : vector<256x1280xf32>
      %broadcast_in_dim3A_1128 = vector.broadcast %while3A_672 : f32 to vector<256x1280xf32>
      %select_n3A_1129 = arith.select %eq3A_1127, %get3A_1112, %broadcast_in_dim3A_1128 : vector<256x1280xi1>, vector<256x1280xf32>
      %reduce_min3A_1130 = arith.constant dense<0x7F800000> : vector<256xf32>
      %reduce_min3A_1131 = vector.multi_reduction <minimumf>, %select_n3A_1129, %reduce_min3A_1130 [1] : vector<256x1280xf32> to vector<256xf32>
      %broadcast_in_dim3A_1132 = vector.shape_cast %reduce_min3A_1131 : vector<256xf32> to vector<256x1xf32>
      %lt3A_1133 = arith.cmpf olt, %broadcast_in_dim3A_1125, %while3A_1105 : vector<256x1xf32>
      %select_n3A_1134 = arith.select %lt3A_1133, %broadcast_in_dim3A_1125, %while3A_1105 : vector<256x1xi1>, vector<256x1xf32>
      %select_n3A_1135 = arith.select %lt3A_1133, %broadcast_in_dim3A_1132, %while3A_1106 : vector<256x1xi1>, vector<256x1xf32>
      scf.yield %select_n3A_1134, %select_n3A_1135 : vector<256x1xf32>, vector<256x1xf32>
    }
    %while3A_682 = arith.constant 1 : i32
    %while3A_683:2 = scf.for %while3A_1104 = %while3A_679 to %while3A_675 step %while3A_682 iter_args(%while3A_1105 = %while3A_681#0, %while3A_1106 = %while3A_681#1) -> (vector<256x1xf32>, vector<256x1xf32>)  : i32 {
      %mul3A_1107 = arith.constant 1280 : i32
      %mul3A_1108 = arith.muli %while3A_1104, %mul3A_1107 : i32
      %multiple_of3A_1109 = tpu.assume_multiple %mul3A_1108, 1280 : i32
      %get3A_1110 = arith.constant 0 : index
      %get3A_1111 = arith.index_cast %multiple_of3A_1109 : i32 to index
      %get3A_1112 = vector.load %arg6[%get3A_1110, %get3A_1111] : memref<256x8960xf32, #tpu.memory_space<vmem>>, vector<256x1280xf32>
      %eq3A_1113 = vector.broadcast %while3A_637#1 : vector<256x1xf32> to vector<256x1280xf32>
      %eq3A_1114 = arith.cmpf oeq, %get3A_1112, %eq3A_1113 : vector<256x1280xf32>
      %get3A_1115 = arith.constant 0 : index
      %get3A_1116 = arith.index_cast %multiple_of3A_1109 : i32 to index
      %get3A_1117 = vector.load %arg5[%get3A_1115, %get3A_1116] : memref<256x8960xf32, #tpu.memory_space<vmem>>, vector<256x1280xf32>
      %broadcast_in_dim3A_1118 = vector.broadcast %while3A_672 : f32 to vector<256x1280xf32>
      %select_n3A_1119 = arith.select %eq3A_1114, %broadcast_in_dim3A_1118, %get3A_1117 : vector<256x1280xi1>, vector<256x1280xf32>
      %swap3A_1120 = arith.constant 0 : index
      %swap3A_1121 = arith.index_cast %multiple_of3A_1109 : i32 to index
      %swap3A_1122 = vector.load %arg5[%swap3A_1120, %swap3A_1121] : memref<256x8960xf32, #tpu.memory_space<vmem>>, vector<256x1280xf32>
      tpu.vector_store %arg5[%swap3A_1120, %swap3A_1121], %select_n3A_1119 {strides = array<i32>} : memref<256x8960xf32, #tpu.memory_space<vmem>>, vector<256x1280xf32>,
      %reduce_min3A_1123 = arith.constant dense<0x7F800000> : vector<256xf32>
      %reduce_min3A_1124 = vector.multi_reduction <minimumf>, %select_n3A_1119, %reduce_min3A_1123 [1] : vector<256x1280xf32> to vector<256xf32>
      %broadcast_in_dim3A_1125 = vector.shape_cast %reduce_min3A_1124 : vector<256xf32> to vector<256x1xf32>
      %eq3A_1126 = vector.broadcast %broadcast_in_dim3A_1125 : vector<256x1xf32> to vector<256x1280xf32>
      %eq3A_1127 = arith.cmpf oeq, %select_n3A_1119, %eq3A_1126 : vector<256x1280xf32>
      %broadcast_in_dim3A_1128 = vector.broadcast %while3A_672 : f32 to vector<256x1280xf32>
      %select_n3A_1129 = arith.select %eq3A_1127, %get3A_1112, %broadcast_in_dim3A_1128 : vector<256x1280xi1>, vector<256x1280xf32>
      %reduce_min3A_1130 = arith.constant dense<0x7F800000> : vector<256xf32>
      %reduce_min3A_1131 = vector.multi_reduction <minimumf>, %select_n3A_1129, %reduce_min3A_1130 [1] : vector<256x1280xf32> to vector<256xf32>
      %broadcast_in_dim3A_1132 = vector.shape_cast %reduce_min3A_1131 : vector<256xf32> to vector<256x1xf32>
      %lt3A_1133 = arith.cmpf olt, %broadcast_in_dim3A_1125, %while3A_1105 : vector<256x1xf32>
      %select_n3A_1134 = arith.select %lt3A_1133, %broadcast_in_dim3A_1125, %while3A_1105 : vector<256x1xi1>, vector<256x1xf32>
      %select_n3A_1135 = arith.select %lt3A_1133, %broadcast_in_dim3A_1132, %while3A_1106 : vector<256x1xi1>, vector<256x1xf32>
      scf.yield %select_n3A_1134, %select_n3A_1135 : vector<256x1xf32>, vector<256x1xf32>
    }
    %broadcast_in_dim3A_684 = arith.constant 3.000000e+38 : f32
    %broadcast_in_dim3A_685 = vector.broadcast %broadcast_in_dim3A_684 : f32 to vector<256x1xf32>
    %broadcast_in_dim3A_686 = arith.constant 3.000000e+38 : f32
    %broadcast_in_dim3A_687 = vector.broadcast %broadcast_in_dim3A_686 : f32 to vector<256x1xf32>
    %multiple_of3A_688 = arith.constant 0 : i32
    %multiple_of3A_689 = tpu.assume_multiple %multiple_of3A_688, 1280 : i32
    %get3A_690 = arith.constant 0 : index
    %get3A_691 = arith.index_cast %multiple_of3A_689 : i32 to index
    %get3A_692 = vector.load %arg6[%get3A_690, %get3A_691] : memref<256x8960xf32, #tpu.memory_space<vmem>>, vector<256x1280xf32>
    %eq3A_693 = vector.broadcast %while3A_683#1 : vector<256x1xf32> to vector<256x1280xf32>
    %eq3A_694 = arith.cmpf oeq, %get3A_692, %eq3A_693 : vector<256x1280xf32>
    %get3A_695 = arith.constant 0 : index
    %get3A_696 = arith.index_cast %multiple_of3A_689 : i32 to index
    %get3A_697 = vector.load %arg5[%get3A_695, %get3A_696] : memref<256x8960xf32, #tpu.memory_space<vmem>>, vector<256x1280xf32>
    %jit3A_698 = arith.constant 3.000000e+38 : f32
    %broadcast_in_dim3A_699 = vector.broadcast %jit3A_698 : f32 to vector<256x1280xf32>
    %select_n3A_700 = arith.select %eq3A_694, %broadcast_in_dim3A_699, %get3A_697 : vector<256x1280xi1>, vector<256x1280xf32>
    %swap3A_701 = arith.constant 0 : index
    %swap3A_702 = arith.index_cast %multiple_of3A_689 : i32 to index
    %swap3A_703 = vector.load %arg5[%swap3A_701, %swap3A_702] : memref<256x8960xf32, #tpu.memory_space<vmem>>, vector<256x1280xf32>
    tpu.vector_store %arg5[%swap3A_701, %swap3A_702], %select_n3A_700 {strides = array<i32>} : memref<256x8960xf32, #tpu.memory_space<vmem>>, vector<256x1280xf32>,
    %reduce_min3A_704 = arith.constant dense<0x7F800000> : vector<256xf32>
    %reduce_min3A_705 = vector.multi_reduction <minimumf>, %select_n3A_700, %reduce_min3A_704 [1] : vector<256x1280xf32> to vector<256xf32>
    %broadcast_in_dim3A_706 = vector.shape_cast %reduce_min3A_705 : vector<256xf32> to vector<256x1xf32>
    %eq3A_707 = vector.broadcast %broadcast_in_dim3A_706 : vector<256x1xf32> to vector<256x1280xf32>
    %eq3A_708 = arith.cmpf oeq, %select_n3A_700, %eq3A_707 : vector<256x1280xf32>
    %jit3A_709 = arith.constant 3.000000e+38 : f32
    %broadcast_in_dim3A_710 = vector.broadcast %jit3A_709 : f32 to vector<256x1280xf32>
    %select_n3A_711 = arith.select %eq3A_708, %get3A_692, %broadcast_in_dim3A_710 : vector<256x1280xi1>, vector<256x1280xf32>
    %reduce_min3A_712 = arith.constant dense<0x7F800000> : vector<256xf32>
    %reduce_min3A_713 = vector.multi_reduction <minimumf>, %select_n3A_711, %reduce_min3A_712 [1] : vector<256x1280xf32> to vector<256xf32>
    %broadcast_in_dim3A_714 = vector.shape_cast %reduce_min3A_713 : vector<256xf32> to vector<256x1xf32>
    %lt3A_715 = arith.cmpf olt, %broadcast_in_dim3A_706, %broadcast_in_dim3A_685 : vector<256x1xf32>
    %select_n3A_716 = arith.select %lt3A_715, %broadcast_in_dim3A_706, %broadcast_in_dim3A_685 : vector<256x1xi1>, vector<256x1xf32>
    %select_n3A_717 = arith.select %lt3A_715, %broadcast_in_dim3A_714, %broadcast_in_dim3A_687 : vector<256x1xi1>, vector<256x1xf32>
    %while3A_718 = arith.constant 3.000000e+38 : f32
    %while3A_719 = arith.constant 1 : i32
    %while3A_720 = arith.subi %get3A_4, %while3A_719 : i32
    %while3A_721 = arith.addi %while3A_719, %while3A_720 : i32
    %while3A_722 = arith.constant 1 : i32
    %while3A_723 = arith.divsi %while3A_720, %while3A_722 : i32
    %while3A_724 = arith.muli %while3A_723, %while3A_722 : i32
    %while3A_725 = arith.addi %while3A_719, %while3A_724 : i32
    %while3A_726 = arith.constant 1 : i32
    %while3A_727:2 = scf.for %while3A_1104 = %while3A_719 to %while3A_725 step %while3A_726 iter_args(%while3A_1105 = %select_n3A_716, %while3A_1106 = %select_n3A_717) -> (vector<256x1xf32>, vector<256x1xf32>)  : i32 {
      %mul3A_1107 = arith.constant 1280 : i32
      %mul3A_1108 = arith.muli %while3A_1104, %mul3A_1107 : i32
      %multiple_of3A_1109 = tpu.assume_multiple %mul3A_1108, 1280 : i32
      %get3A_1110 = arith.constant 0 : index
      %get3A_1111 = arith.index_cast %multiple_of3A_1109 : i32 to index
      %get3A_1112 = vector.load %arg6[%get3A_1110, %get3A_1111] : memref<256x8960xf32, #tpu.memory_space<vmem>>, vector<256x1280xf32>
      %eq3A_1113 = vector.broadcast %while3A_683#1 : vector<256x1xf32> to vector<256x1280xf32>
      %eq3A_1114 = arith.cmpf oeq, %get3A_1112, %eq3A_1113 : vector<256x1280xf32>
      %get3A_1115 = arith.constant 0 : index
      %get3A_1116 = arith.index_cast %multiple_of3A_1109 : i32 to index
      %get3A_1117 = vector.load %arg5[%get3A_1115, %get3A_1116] : memref<256x8960xf32, #tpu.memory_space<vmem>>, vector<256x1280xf32>
      %broadcast_in_dim3A_1118 = vector.broadcast %while3A_718 : f32 to vector<256x1280xf32>
      %select_n3A_1119 = arith.select %eq3A_1114, %broadcast_in_dim3A_1118, %get3A_1117 : vector<256x1280xi1>, vector<256x1280xf32>
      %swap3A_1120 = arith.constant 0 : index
      %swap3A_1121 = arith.index_cast %multiple_of3A_1109 : i32 to index
      %swap3A_1122 = vector.load %arg5[%swap3A_1120, %swap3A_1121] : memref<256x8960xf32, #tpu.memory_space<vmem>>, vector<256x1280xf32>
      tpu.vector_store %arg5[%swap3A_1120, %swap3A_1121], %select_n3A_1119 {strides = array<i32>} : memref<256x8960xf32, #tpu.memory_space<vmem>>, vector<256x1280xf32>,
      %reduce_min3A_1123 = arith.constant dense<0x7F800000> : vector<256xf32>
      %reduce_min3A_1124 = vector.multi_reduction <minimumf>, %select_n3A_1119, %reduce_min3A_1123 [1] : vector<256x1280xf32> to vector<256xf32>
      %broadcast_in_dim3A_1125 = vector.shape_cast %reduce_min3A_1124 : vector<256xf32> to vector<256x1xf32>
      %eq3A_1126 = vector.broadcast %broadcast_in_dim3A_1125 : vector<256x1xf32> to vector<256x1280xf32>
      %eq3A_1127 = arith.cmpf oeq, %select_n3A_1119, %eq3A_1126 : vector<256x1280xf32>
      %broadcast_in_dim3A_1128 = vector.broadcast %while3A_718 : f32 to vector<256x1280xf32>
      %select_n3A_1129 = arith.select %eq3A_1127, %get3A_1112, %broadcast_in_dim3A_1128 : vector<256x1280xi1>, vector<256x1280xf32>
      %reduce_min3A_1130 = arith.constant dense<0x7F800000> : vector<256xf32>
      %reduce_min3A_1131 = vector.multi_reduction <minimumf>, %select_n3A_1129, %reduce_min3A_1130 [1] : vector<256x1280xf32> to vector<256xf32>
      %broadcast_in_dim3A_1132 = vector.shape_cast %reduce_min3A_1131 : vector<256xf32> to vector<256x1xf32>
      %lt3A_1133 = arith.cmpf olt, %broadcast_in_dim3A_1125, %while3A_1105 : vector<256x1xf32>
      %select_n3A_1134 = arith.select %lt3A_1133, %broadcast_in_dim3A_1125, %while3A_1105 : vector<256x1xi1>, vector<256x1xf32>
      %select_n3A_1135 = arith.select %lt3A_1133, %broadcast_in_dim3A_1132, %while3A_1106 : vector<256x1xi1>, vector<256x1xf32>
      scf.yield %select_n3A_1134, %select_n3A_1135 : vector<256x1xf32>, vector<256x1xf32>
    }
    %while3A_728 = arith.constant 1 : i32
    %while3A_729:2 = scf.for %while3A_1104 = %while3A_725 to %while3A_721 step %while3A_728 iter_args(%while3A_1105 = %while3A_727#0, %while3A_1106 = %while3A_727#1) -> (vector<256x1xf32>, vector<256x1xf32>)  : i32 {
      %mul3A_1107 = arith.constant 1280 : i32
      %mul3A_1108 = arith.muli %while3A_1104, %mul3A_1107 : i32
      %multiple_of3A_1109 = tpu.assume_multiple %mul3A_1108, 1280 : i32
      %get3A_1110 = arith.constant 0 : index
      %get3A_1111 = arith.index_cast %multiple_of3A_1109 : i32 to index
      %get3A_1112 = vector.load %arg6[%get3A_1110, %get3A_1111] : memref<256x8960xf32, #tpu.memory_space<vmem>>, vector<256x1280xf32>
      %eq3A_1113 = vector.broadcast %while3A_683#1 : vector<256x1xf32> to vector<256x1280xf32>
      %eq3A_1114 = arith.cmpf oeq, %get3A_1112, %eq3A_1113 : vector<256x1280xf32>
      %get3A_1115 = arith.constant 0 : index
      %get3A_1116 = arith.index_cast %multiple_of3A_1109 : i32 to index
      %get3A_1117 = vector.load %arg5[%get3A_1115, %get3A_1116] : memref<256x8960xf32, #tpu.memory_space<vmem>>, vector<256x1280xf32>
      %broadcast_in_dim3A_1118 = vector.broadcast %while3A_718 : f32 to vector<256x1280xf32>
      %select_n3A_1119 = arith.select %eq3A_1114, %broadcast_in_dim3A_1118, %get3A_1117 : vector<256x1280xi1>, vector<256x1280xf32>
      %swap3A_1120 = arith.constant 0 : index
      %swap3A_1121 = arith.index_cast %multiple_of3A_1109 : i32 to index
      %swap3A_1122 = vector.load %arg5[%swap3A_1120, %swap3A_1121] : memref<256x8960xf32, #tpu.memory_space<vmem>>, vector<256x1280xf32>
      tpu.vector_store %arg5[%swap3A_1120, %swap3A_1121], %select_n3A_1119 {strides = array<i32>} : memref<256x8960xf32, #tpu.memory_space<vmem>>, vector<256x1280xf32>,
      %reduce_min3A_1123 = arith.constant dense<0x7F800000> : vector<256xf32>
      %reduce_min3A_1124 = vector.multi_reduction <minimumf>, %select_n3A_1119, %reduce_min3A_1123 [1] : vector<256x1280xf32> to vector<256xf32>
      %broadcast_in_dim3A_1125 = vector.shape_cast %reduce_min3A_1124 : vector<256xf32> to vector<256x1xf32>
      %eq3A_1126 = vector.broadcast %broadcast_in_dim3A_1125 : vector<256x1xf32> to vector<256x1280xf32>
      %eq3A_1127 = arith.cmpf oeq, %select_n3A_1119, %eq3A_1126 : vector<256x1280xf32>
      %broadcast_in_dim3A_1128 = vector.broadcast %while3A_718 : f32 to vector<256x1280xf32>
      %select_n3A_1129 = arith.select %eq3A_1127, %get3A_1112, %broadcast_in_dim3A_1128 : vector<256x1280xi1>, vector<256x1280xf32>
      %reduce_min3A_1130 = arith.constant dense<0x7F800000> : vector<256xf32>
      %reduce_min3A_1131 = vector.multi_reduction <minimumf>, %select_n3A_1129, %reduce_min3A_1130 [1] : vector<256x1280xf32> to vector<256xf32>
      %broadcast_in_dim3A_1132 = vector.shape_cast %reduce_min3A_1131 : vector<256xf32> to vector<256x1xf32>
      %lt3A_1133 = arith.cmpf olt, %broadcast_in_dim3A_1125, %while3A_1105 : vector<256x1xf32>
      %select_n3A_1134 = arith.select %lt3A_1133, %broadcast_in_dim3A_1125, %while3A_1105 : vector<256x1xi1>, vector<256x1xf32>
      %select_n3A_1135 = arith.select %lt3A_1133, %broadcast_in_dim3A_1132, %while3A_1106 : vector<256x1xi1>, vector<256x1xf32>
      scf.yield %select_n3A_1134, %select_n3A_1135 : vector<256x1xf32>, vector<256x1xf32>
    }
    %broadcast_in_dim3A_730 = arith.constant 3.000000e+38 : f32
    %broadcast_in_dim3A_731 = vector.broadcast %broadcast_in_dim3A_730 : f32 to vector<256x1xf32>
    %broadcast_in_dim3A_732 = arith.constant 3.000000e+38 : f32
    %broadcast_in_dim3A_733 = vector.broadcast %broadcast_in_dim3A_732 : f32 to vector<256x1xf32>
    %multiple_of3A_734 = arith.constant 0 : i32
    %multiple_of3A_735 = tpu.assume_multiple %multiple_of3A_734, 1280 : i32
    %get3A_736 = arith.constant 0 : index
    %get3A_737 = arith.index_cast %multiple_of3A_735 : i32 to index
    %get3A_738 = vector.load %arg6[%get3A_736, %get3A_737] : memref<256x8960xf32, #tpu.memory_space<vmem>>, vector<256x1280xf32>
    %eq3A_739 = vector.broadcast %while3A_729#1 : vector<256x1xf32> to vector<256x1280xf32>
    %eq3A_740 = arith.cmpf oeq, %get3A_738, %eq3A_739 : vector<256x1280xf32>
    %get3A_741 = arith.constant 0 : index
    %get3A_742 = arith.index_cast %multiple_of3A_735 : i32 to index
    %get3A_743 = vector.load %arg5[%get3A_741, %get3A_742] : memref<256x8960xf32, #tpu.memory_space<vmem>>, vector<256x1280xf32>
    %jit3A_744 = arith.constant 3.000000e+38 : f32
    %broadcast_in_dim3A_745 = vector.broadcast %jit3A_744 : f32 to vector<256x1280xf32>
    %select_n3A_746 = arith.select %eq3A_740, %broadcast_in_dim3A_745, %get3A_743 : vector<256x1280xi1>, vector<256x1280xf32>
    %swap3A_747 = arith.constant 0 : index
    %swap3A_748 = arith.index_cast %multiple_of3A_735 : i32 to index
    %swap3A_749 = vector.load %arg5[%swap3A_747, %swap3A_748] : memref<256x8960xf32, #tpu.memory_space<vmem>>, vector<256x1280xf32>
    tpu.vector_store %arg5[%swap3A_747, %swap3A_748], %select_n3A_746 {strides = array<i32>} : memref<256x8960xf32, #tpu.memory_space<vmem>>, vector<256x1280xf32>,
    %reduce_min3A_750 = arith.constant dense<0x7F800000> : vector<256xf32>
    %reduce_min3A_751 = vector.multi_reduction <minimumf>, %select_n3A_746, %reduce_min3A_750 [1] : vector<256x1280xf32> to vector<256xf32>
    %broadcast_in_dim3A_752 = vector.shape_cast %reduce_min3A_751 : vector<256xf32> to vector<256x1xf32>
    %eq3A_753 = vector.broadcast %broadcast_in_dim3A_752 : vector<256x1xf32> to vector<256x1280xf32>
    %eq3A_754 = arith.cmpf oeq, %select_n3A_746, %eq3A_753 : vector<256x1280xf32>
    %jit3A_755 = arith.constant 3.000000e+38 : f32
    %broadcast_in_dim3A_756 = vector.broadcast %jit3A_755 : f32 to vector<256x1280xf32>
    %select_n3A_757 = arith.select %eq3A_754, %get3A_738, %broadcast_in_dim3A_756 : vector<256x1280xi1>, vector<256x1280xf32>
    %reduce_min3A_758 = arith.constant dense<0x7F800000> : vector<256xf32>
    %reduce_min3A_759 = vector.multi_reduction <minimumf>, %select_n3A_757, %reduce_min3A_758 [1] : vector<256x1280xf32> to vector<256xf32>
    %broadcast_in_dim3A_760 = vector.shape_cast %reduce_min3A_759 : vector<256xf32> to vector<256x1xf32>
    %lt3A_761 = arith.cmpf olt, %broadcast_in_dim3A_752, %broadcast_in_dim3A_731 : vector<256x1xf32>
    %select_n3A_762 = arith.select %lt3A_761, %broadcast_in_dim3A_752, %broadcast_in_dim3A_731 : vector<256x1xi1>, vector<256x1xf32>
    %select_n3A_763 = arith.select %lt3A_761, %broadcast_in_dim3A_760, %broadcast_in_dim3A_733 : vector<256x1xi1>, vector<256x1xf32>
    %while3A_764 = arith.constant 3.000000e+38 : f32
    %while3A_765 = arith.constant 1 : i32
    %while3A_766 = arith.subi %get3A_4, %while3A_765 : i32
    %while3A_767 = arith.addi %while3A_765, %while3A_766 : i32
    %while3A_768 = arith.constant 1 : i32
    %while3A_769 = arith.divsi %while3A_766, %while3A_768 : i32
    %while3A_770 = arith.muli %while3A_769, %while3A_768 : i32
    %while3A_771 = arith.addi %while3A_765, %while3A_770 : i32
    %while3A_772 = arith.constant 1 : i32
    %while3A_773:2 = scf.for %while3A_1104 = %while3A_765 to %while3A_771 step %while3A_772 iter_args(%while3A_1105 = %select_n3A_762, %while3A_1106 = %select_n3A_763) -> (vector<256x1xf32>, vector<256x1xf32>)  : i32 {
      %mul3A_1107 = arith.constant 1280 : i32
      %mul3A_1108 = arith.muli %while3A_1104, %mul3A_1107 : i32
      %multiple_of3A_1109 = tpu.assume_multiple %mul3A_1108, 1280 : i32
      %get3A_1110 = arith.constant 0 : index
      %get3A_1111 = arith.index_cast %multiple_of3A_1109 : i32 to index
      %get3A_1112 = vector.load %arg6[%get3A_1110, %get3A_1111] : memref<256x8960xf32, #tpu.memory_space<vmem>>, vector<256x1280xf32>
      %eq3A_1113 = vector.broadcast %while3A_729#1 : vector<256x1xf32> to vector<256x1280xf32>
      %eq3A_1114 = arith.cmpf oeq, %get3A_1112, %eq3A_1113 : vector<256x1280xf32>
      %get3A_1115 = arith.constant 0 : index
      %get3A_1116 = arith.index_cast %multiple_of3A_1109 : i32 to index
      %get3A_1117 = vector.load %arg5[%get3A_1115, %get3A_1116] : memref<256x8960xf32, #tpu.memory_space<vmem>>, vector<256x1280xf32>
      %broadcast_in_dim3A_1118 = vector.broadcast %while3A_764 : f32 to vector<256x1280xf32>
      %select_n3A_1119 = arith.select %eq3A_1114, %broadcast_in_dim3A_1118, %get3A_1117 : vector<256x1280xi1>, vector<256x1280xf32>
      %swap3A_1120 = arith.constant 0 : index
      %swap3A_1121 = arith.index_cast %multiple_of3A_1109 : i32 to index
      %swap3A_1122 = vector.load %arg5[%swap3A_1120, %swap3A_1121] : memref<256x8960xf32, #tpu.memory_space<vmem>>, vector<256x1280xf32>
      tpu.vector_store %arg5[%swap3A_1120, %swap3A_1121], %select_n3A_1119 {strides = array<i32>} : memref<256x8960xf32, #tpu.memory_space<vmem>>, vector<256x1280xf32>,
      %reduce_min3A_1123 = arith.constant dense<0x7F800000> : vector<256xf32>
      %reduce_min3A_1124 = vector.multi_reduction <minimumf>, %select_n3A_1119, %reduce_min3A_1123 [1] : vector<256x1280xf32> to vector<256xf32>
      %broadcast_in_dim3A_1125 = vector.shape_cast %reduce_min3A_1124 : vector<256xf32> to vector<256x1xf32>
      %eq3A_1126 = vector.broadcast %broadcast_in_dim3A_1125 : vector<256x1xf32> to vector<256x1280xf32>
      %eq3A_1127 = arith.cmpf oeq, %select_n3A_1119, %eq3A_1126 : vector<256x1280xf32>
      %broadcast_in_dim3A_1128 = vector.broadcast %while3A_764 : f32 to vector<256x1280xf32>
      %select_n3A_1129 = arith.select %eq3A_1127, %get3A_1112, %broadcast_in_dim3A_1128 : vector<256x1280xi1>, vector<256x1280xf32>
      %reduce_min3A_1130 = arith.constant dense<0x7F800000> : vector<256xf32>
      %reduce_min3A_1131 = vector.multi_reduction <minimumf>, %select_n3A_1129, %reduce_min3A_1130 [1] : vector<256x1280xf32> to vector<256xf32>
      %broadcast_in_dim3A_1132 = vector.shape_cast %reduce_min3A_1131 : vector<256xf32> to vector<256x1xf32>
      %lt3A_1133 = arith.cmpf olt, %broadcast_in_dim3A_1125, %while3A_1105 : vector<256x1xf32>
      %select_n3A_1134 = arith.select %lt3A_1133, %broadcast_in_dim3A_1125, %while3A_1105 : vector<256x1xi1>, vector<256x1xf32>
      %select_n3A_1135 = arith.select %lt3A_1133, %broadcast_in_dim3A_1132, %while3A_1106 : vector<256x1xi1>, vector<256x1xf32>
      scf.yield %select_n3A_1134, %select_n3A_1135 : vector<256x1xf32>, vector<256x1xf32>
    }
    %while3A_774 = arith.constant 1 : i32
    %while3A_775:2 = scf.for %while3A_1104 = %while3A_771 to %while3A_767 step %while3A_774 iter_args(%while3A_1105 = %while3A_773#0, %while3A_1106 = %while3A_773#1) -> (vector<256x1xf32>, vector<256x1xf32>)  : i32 {
      %mul3A_1107 = arith.constant 1280 : i32
      %mul3A_1108 = arith.muli %while3A_1104, %mul3A_1107 : i32
      %multiple_of3A_1109 = tpu.assume_multiple %mul3A_1108, 1280 : i32
      %get3A_1110 = arith.constant 0 : index
      %get3A_1111 = arith.index_cast %multiple_of3A_1109 : i32 to index
      %get3A_1112 = vector.load %arg6[%get3A_1110, %get3A_1111] : memref<256x8960xf32, #tpu.memory_space<vmem>>, vector<256x1280xf32>
      %eq3A_1113 = vector.broadcast %while3A_729#1 : vector<256x1xf32> to vector<256x1280xf32>
      %eq3A_1114 = arith.cmpf oeq, %get3A_1112, %eq3A_1113 : vector<256x1280xf32>
      %get3A_1115 = arith.constant 0 : index
      %get3A_1116 = arith.index_cast %multiple_of3A_1109 : i32 to index
      %get3A_1117 = vector.load %arg5[%get3A_1115, %get3A_1116] : memref<256x8960xf32, #tpu.memory_space<vmem>>, vector<256x1280xf32>
      %broadcast_in_dim3A_1118 = vector.broadcast %while3A_764 : f32 to vector<256x1280xf32>
      %select_n3A_1119 = arith.select %eq3A_1114, %broadcast_in_dim3A_1118, %get3A_1117 : vector<256x1280xi1>, vector<256x1280xf32>
      %swap3A_1120 = arith.constant 0 : index
      %swap3A_1121 = arith.index_cast %multiple_of3A_1109 : i32 to index
      %swap3A_1122 = vector.load %arg5[%swap3A_1120, %swap3A_1121] : memref<256x8960xf32, #tpu.memory_space<vmem>>, vector<256x1280xf32>
      tpu.vector_store %arg5[%swap3A_1120, %swap3A_1121], %select_n3A_1119 {strides = array<i32>} : memref<256x8960xf32, #tpu.memory_space<vmem>>, vector<256x1280xf32>,
      %reduce_min3A_1123 = arith.constant dense<0x7F800000> : vector<256xf32>
      %reduce_min3A_1124 = vector.multi_reduction <minimumf>, %select_n3A_1119, %reduce_min3A_1123 [1] : vector<256x1280xf32> to vector<256xf32>
      %broadcast_in_dim3A_1125 = vector.shape_cast %reduce_min3A_1124 : vector<256xf32> to vector<256x1xf32>
      %eq3A_1126 = vector.broadcast %broadcast_in_dim3A_1125 : vector<256x1xf32> to vector<256x1280xf32>
      %eq3A_1127 = arith.cmpf oeq, %select_n3A_1119, %eq3A_1126 : vector<256x1280xf32>
      %broadcast_in_dim3A_1128 = vector.broadcast %while3A_764 : f32 to vector<256x1280xf32>
      %select_n3A_1129 = arith.select %eq3A_1127, %get3A_1112, %broadcast_in_dim3A_1128 : vector<256x1280xi1>, vector<256x1280xf32>
      %reduce_min3A_1130 = arith.constant dense<0x7F800000> : vector<256xf32>
      %reduce_min3A_1131 = vector.multi_reduction <minimumf>, %select_n3A_1129, %reduce_min3A_1130 [1] : vector<256x1280xf32> to vector<256xf32>
      %broadcast_in_dim3A_1132 = vector.shape_cast %reduce_min3A_1131 : vector<256xf32> to vector<256x1xf32>
      %lt3A_1133 = arith.cmpf olt, %broadcast_in_dim3A_1125, %while3A_1105 : vector<256x1xf32>
      %select_n3A_1134 = arith.select %lt3A_1133, %broadcast_in_dim3A_1125, %while3A_1105 : vector<256x1xi1>, vector<256x1xf32>
      %select_n3A_1135 = arith.select %lt3A_1133, %broadcast_in_dim3A_1132, %while3A_1106 : vector<256x1xi1>, vector<256x1xf32>
      scf.yield %select_n3A_1134, %select_n3A_1135 : vector<256x1xf32>, vector<256x1xf32>
    }
    %broadcast_in_dim3A_776 = arith.constant 3.000000e+38 : f32
    %broadcast_in_dim3A_777 = vector.broadcast %broadcast_in_dim3A_776 : f32 to vector<256x1xf32>
    %broadcast_in_dim3A_778 = arith.constant 3.000000e+38 : f32
    %broadcast_in_dim3A_779 = vector.broadcast %broadcast_in_dim3A_778 : f32 to vector<256x1xf32>
    %multiple_of3A_780 = arith.constant 0 : i32
    %multiple_of3A_781 = tpu.assume_multiple %multiple_of3A_780, 1280 : i32
    %get3A_782 = arith.constant 0 : index
    %get3A_783 = arith.index_cast %multiple_of3A_781 : i32 to index
    %get3A_784 = vector.load %arg6[%get3A_782, %get3A_783] : memref<256x8960xf32, #tpu.memory_space<vmem>>, vector<256x1280xf32>
    %eq3A_785 = vector.broadcast %while3A_775#1 : vector<256x1xf32> to vector<256x1280xf32>
    %eq3A_786 = arith.cmpf oeq, %get3A_784, %eq3A_785 : vector<256x1280xf32>
    %get3A_787 = arith.constant 0 : index
    %get3A_788 = arith.index_cast %multiple_of3A_781 : i32 to index
    %get3A_789 = vector.load %arg5[%get3A_787, %get3A_788] : memref<256x8960xf32, #tpu.memory_space<vmem>>, vector<256x1280xf32>
    %jit3A_790 = arith.constant 3.000000e+38 : f32
    %broadcast_in_dim3A_791 = vector.broadcast %jit3A_790 : f32 to vector<256x1280xf32>
    %select_n3A_792 = arith.select %eq3A_786, %broadcast_in_dim3A_791, %get3A_789 : vector<256x1280xi1>, vector<256x1280xf32>
    %swap3A_793 = arith.constant 0 : index
    %swap3A_794 = arith.index_cast %multiple_of3A_781 : i32 to index
    %swap3A_795 = vector.load %arg5[%swap3A_793, %swap3A_794] : memref<256x8960xf32, #tpu.memory_space<vmem>>, vector<256x1280xf32>
    tpu.vector_store %arg5[%swap3A_793, %swap3A_794], %select_n3A_792 {strides = array<i32>} : memref<256x8960xf32, #tpu.memory_space<vmem>>, vector<256x1280xf32>,
    %reduce_min3A_796 = arith.constant dense<0x7F800000> : vector<256xf32>
    %reduce_min3A_797 = vector.multi_reduction <minimumf>, %select_n3A_792, %reduce_min3A_796 [1] : vector<256x1280xf32> to vector<256xf32>
    %broadcast_in_dim3A_798 = vector.shape_cast %reduce_min3A_797 : vector<256xf32> to vector<256x1xf32>
    %eq3A_799 = vector.broadcast %broadcast_in_dim3A_798 : vector<256x1xf32> to vector<256x1280xf32>
    %eq3A_800 = arith.cmpf oeq, %select_n3A_792, %eq3A_799 : vector<256x1280xf32>
    %jit3A_801 = arith.constant 3.000000e+38 : f32
    %broadcast_in_dim3A_802 = vector.broadcast %jit3A_801 : f32 to vector<256x1280xf32>
    %select_n3A_803 = arith.select %eq3A_800, %get3A_784, %broadcast_in_dim3A_802 : vector<256x1280xi1>, vector<256x1280xf32>
    %reduce_min3A_804 = arith.constant dense<0x7F800000> : vector<256xf32>
    %reduce_min3A_805 = vector.multi_reduction <minimumf>, %select_n3A_803, %reduce_min3A_804 [1] : vector<256x1280xf32> to vector<256xf32>
    %broadcast_in_dim3A_806 = vector.shape_cast %reduce_min3A_805 : vector<256xf32> to vector<256x1xf32>
    %lt3A_807 = arith.cmpf olt, %broadcast_in_dim3A_798, %broadcast_in_dim3A_777 : vector<256x1xf32>
    %select_n3A_808 = arith.select %lt3A_807, %broadcast_in_dim3A_798, %broadcast_in_dim3A_777 : vector<256x1xi1>, vector<256x1xf32>
    %select_n3A_809 = arith.select %lt3A_807, %broadcast_in_dim3A_806, %broadcast_in_dim3A_779 : vector<256x1xi1>, vector<256x1xf32>
    %while3A_810 = arith.constant 3.000000e+38 : f32
    %while3A_811 = arith.constant 1 : i32
    %while3A_812 = arith.subi %get3A_4, %while3A_811 : i32
    %while3A_813 = arith.addi %while3A_811, %while3A_812 : i32
    %while3A_814 = arith.constant 1 : i32
    %while3A_815 = arith.divsi %while3A_812, %while3A_814 : i32
    %while3A_816 = arith.muli %while3A_815, %while3A_814 : i32
    %while3A_817 = arith.addi %while3A_811, %while3A_816 : i32
    %while3A_818 = arith.constant 1 : i32
    %while3A_819:2 = scf.for %while3A_1104 = %while3A_811 to %while3A_817 step %while3A_818 iter_args(%while3A_1105 = %select_n3A_808, %while3A_1106 = %select_n3A_809) -> (vector<256x1xf32>, vector<256x1xf32>)  : i32 {
      %mul3A_1107 = arith.constant 1280 : i32
      %mul3A_1108 = arith.muli %while3A_1104, %mul3A_1107 : i32
      %multiple_of3A_1109 = tpu.assume_multiple %mul3A_1108, 1280 : i32
      %get3A_1110 = arith.constant 0 : index
      %get3A_1111 = arith.index_cast %multiple_of3A_1109 : i32 to index
      %get3A_1112 = vector.load %arg6[%get3A_1110, %get3A_1111] : memref<256x8960xf32, #tpu.memory_space<vmem>>, vector<256x1280xf32>
      %eq3A_1113 = vector.broadcast %while3A_775#1 : vector<256x1xf32> to vector<256x1280xf32>
      %eq3A_1114 = arith.cmpf oeq, %get3A_1112, %eq3A_1113 : vector<256x1280xf32>
      %get3A_1115 = arith.constant 0 : index
      %get3A_1116 = arith.index_cast %multiple_of3A_1109 : i32 to index
      %get3A_1117 = vector.load %arg5[%get3A_1115, %get3A_1116] : memref<256x8960xf32, #tpu.memory_space<vmem>>, vector<256x1280xf32>
      %broadcast_in_dim3A_1118 = vector.broadcast %while3A_810 : f32 to vector<256x1280xf32>
      %select_n3A_1119 = arith.select %eq3A_1114, %broadcast_in_dim3A_1118, %get3A_1117 : vector<256x1280xi1>, vector<256x1280xf32>
      %swap3A_1120 = arith.constant 0 : index
      %swap3A_1121 = arith.index_cast %multiple_of3A_1109 : i32 to index
      %swap3A_1122 = vector.load %arg5[%swap3A_1120, %swap3A_1121] : memref<256x8960xf32, #tpu.memory_space<vmem>>, vector<256x1280xf32>
      tpu.vector_store %arg5[%swap3A_1120, %swap3A_1121], %select_n3A_1119 {strides = array<i32>} : memref<256x8960xf32, #tpu.memory_space<vmem>>, vector<256x1280xf32>,
      %reduce_min3A_1123 = arith.constant dense<0x7F800000> : vector<256xf32>
      %reduce_min3A_1124 = vector.multi_reduction <minimumf>, %select_n3A_1119, %reduce_min3A_1123 [1] : vector<256x1280xf32> to vector<256xf32>
      %broadcast_in_dim3A_1125 = vector.shape_cast %reduce_min3A_1124 : vector<256xf32> to vector<256x1xf32>
      %eq3A_1126 = vector.broadcast %broadcast_in_dim3A_1125 : vector<256x1xf32> to vector<256x1280xf32>
      %eq3A_1127 = arith.cmpf oeq, %select_n3A_1119, %eq3A_1126 : vector<256x1280xf32>
      %broadcast_in_dim3A_1128 = vector.broadcast %while3A_810 : f32 to vector<256x1280xf32>
      %select_n3A_1129 = arith.select %eq3A_1127, %get3A_1112, %broadcast_in_dim3A_1128 : vector<256x1280xi1>, vector<256x1280xf32>
      %reduce_min3A_1130 = arith.constant dense<0x7F800000> : vector<256xf32>
      %reduce_min3A_1131 = vector.multi_reduction <minimumf>, %select_n3A_1129, %reduce_min3A_1130 [1] : vector<256x1280xf32> to vector<256xf32>
      %broadcast_in_dim3A_1132 = vector.shape_cast %reduce_min3A_1131 : vector<256xf32> to vector<256x1xf32>
      %lt3A_1133 = arith.cmpf olt, %broadcast_in_dim3A_1125, %while3A_1105 : vector<256x1xf32>
      %select_n3A_1134 = arith.select %lt3A_1133, %broadcast_in_dim3A_1125, %while3A_1105 : vector<256x1xi1>, vector<256x1xf32>
      %select_n3A_1135 = arith.select %lt3A_1133, %broadcast_in_dim3A_1132, %while3A_1106 : vector<256x1xi1>, vector<256x1xf32>
      scf.yield %select_n3A_1134, %select_n3A_1135 : vector<256x1xf32>, vector<256x1xf32>
    }
    %while3A_820 = arith.constant 1 : i32
    %while3A_821:2 = scf.for %while3A_1104 = %while3A_817 to %while3A_813 step %while3A_820 iter_args(%while3A_1105 = %while3A_819#0, %while3A_1106 = %while3A_819#1) -> (vector<256x1xf32>, vector<256x1xf32>)  : i32 {
      %mul3A_1107 = arith.constant 1280 : i32
      %mul3A_1108 = arith.muli %while3A_1104, %mul3A_1107 : i32
      %multiple_of3A_1109 = tpu.assume_multiple %mul3A_1108, 1280 : i32
      %get3A_1110 = arith.constant 0 : index
      %get3A_1111 = arith.index_cast %multiple_of3A_1109 : i32 to index
      %get3A_1112 = vector.load %arg6[%get3A_1110, %get3A_1111] : memref<256x8960xf32, #tpu.memory_space<vmem>>, vector<256x1280xf32>
      %eq3A_1113 = vector.broadcast %while3A_775#1 : vector<256x1xf32> to vector<256x1280xf32>
      %eq3A_1114 = arith.cmpf oeq, %get3A_1112, %eq3A_1113 : vector<256x1280xf32>
      %get3A_1115 = arith.constant 0 : index
      %get3A_1116 = arith.index_cast %multiple_of3A_1109 : i32 to index
      %get3A_1117 = vector.load %arg5[%get3A_1115, %get3A_1116] : memref<256x8960xf32, #tpu.memory_space<vmem>>, vector<256x1280xf32>
      %broadcast_in_dim3A_1118 = vector.broadcast %while3A_810 : f32 to vector<256x1280xf32>
      %select_n3A_1119 = arith.select %eq3A_1114, %broadcast_in_dim3A_1118, %get3A_1117 : vector<256x1280xi1>, vector<256x1280xf32>
      %swap3A_1120 = arith.constant 0 : index
      %swap3A_1121 = arith.index_cast %multiple_of3A_1109 : i32 to index
      %swap3A_1122 = vector.load %arg5[%swap3A_1120, %swap3A_1121] : memref<256x8960xf32, #tpu.memory_space<vmem>>, vector<256x1280xf32>
      tpu.vector_store %arg5[%swap3A_1120, %swap3A_1121], %select_n3A_1119 {strides = array<i32>} : memref<256x8960xf32, #tpu.memory_space<vmem>>, vector<256x1280xf32>,
      %reduce_min3A_1123 = arith.constant dense<0x7F800000> : vector<256xf32>
      %reduce_min3A_1124 = vector.multi_reduction <minimumf>, %select_n3A_1119, %reduce_min3A_1123 [1] : vector<256x1280xf32> to vector<256xf32>
      %broadcast_in_dim3A_1125 = vector.shape_cast %reduce_min3A_1124 : vector<256xf32> to vector<256x1xf32>
      %eq3A_1126 = vector.broadcast %broadcast_in_dim3A_1125 : vector<256x1xf32> to vector<256x1280xf32>
      %eq3A_1127 = arith.cmpf oeq, %select_n3A_1119, %eq3A_1126 : vector<256x1280xf32>
      %broadcast_in_dim3A_1128 = vector.broadcast %while3A_810 : f32 to vector<256x1280xf32>
      %select_n3A_1129 = arith.select %eq3A_1127, %get3A_1112, %broadcast_in_dim3A_1128 : vector<256x1280xi1>, vector<256x1280xf32>
      %reduce_min3A_1130 = arith.constant dense<0x7F800000> : vector<256xf32>
      %reduce_min3A_1131 = vector.multi_reduction <minimumf>, %select_n3A_1129, %reduce_min3A_1130 [1] : vector<256x1280xf32> to vector<256xf32>
      %broadcast_in_dim3A_1132 = vector.shape_cast %reduce_min3A_1131 : vector<256xf32> to vector<256x1xf32>
      %lt3A_1133 = arith.cmpf olt, %broadcast_in_dim3A_1125, %while3A_1105 : vector<256x1xf32>
      %select_n3A_1134 = arith.select %lt3A_1133, %broadcast_in_dim3A_1125, %while3A_1105 : vector<256x1xi1>, vector<256x1xf32>
      %select_n3A_1135 = arith.select %lt3A_1133, %broadcast_in_dim3A_1132, %while3A_1106 : vector<256x1xi1>, vector<256x1xf32>
      scf.yield %select_n3A_1134, %select_n3A_1135 : vector<256x1xf32>, vector<256x1xf32>
    }
    %broadcast_in_dim3A_822 = arith.constant 3.000000e+38 : f32
    %broadcast_in_dim3A_823 = vector.broadcast %broadcast_in_dim3A_822 : f32 to vector<256x1xf32>
    %broadcast_in_dim3A_824 = arith.constant 3.000000e+38 : f32
    %broadcast_in_dim3A_825 = vector.broadcast %broadcast_in_dim3A_824 : f32 to vector<256x1xf32>
    %multiple_of3A_826 = arith.constant 0 : i32
    %multiple_of3A_827 = tpu.assume_multiple %multiple_of3A_826, 1280 : i32
    %get3A_828 = arith.constant 0 : index
    %get3A_829 = arith.index_cast %multiple_of3A_827 : i32 to index
    %get3A_830 = vector.load %arg6[%get3A_828, %get3A_829] : memref<256x8960xf32, #tpu.memory_space<vmem>>, vector<256x1280xf32>
    %eq3A_831 = vector.broadcast %while3A_821#1 : vector<256x1xf32> to vector<256x1280xf32>
    %eq3A_832 = arith.cmpf oeq, %get3A_830, %eq3A_831 : vector<256x1280xf32>
    %get3A_833 = arith.constant 0 : index
    %get3A_834 = arith.index_cast %multiple_of3A_827 : i32 to index
    %get3A_835 = vector.load %arg5[%get3A_833, %get3A_834] : memref<256x8960xf32, #tpu.memory_space<vmem>>, vector<256x1280xf32>
    %jit3A_836 = arith.constant 3.000000e+38 : f32
    %broadcast_in_dim3A_837 = vector.broadcast %jit3A_836 : f32 to vector<256x1280xf32>
    %select_n3A_838 = arith.select %eq3A_832, %broadcast_in_dim3A_837, %get3A_835 : vector<256x1280xi1>, vector<256x1280xf32>
    %swap3A_839 = arith.constant 0 : index
    %swap3A_840 = arith.index_cast %multiple_of3A_827 : i32 to index
    %swap3A_841 = vector.load %arg5[%swap3A_839, %swap3A_840] : memref<256x8960xf32, #tpu.memory_space<vmem>>, vector<256x1280xf32>
    tpu.vector_store %arg5[%swap3A_839, %swap3A_840], %select_n3A_838 {strides = array<i32>} : memref<256x8960xf32, #tpu.memory_space<vmem>>, vector<256x1280xf32>,
    %reduce_min3A_842 = arith.constant dense<0x7F800000> : vector<256xf32>
    %reduce_min3A_843 = vector.multi_reduction <minimumf>, %select_n3A_838, %reduce_min3A_842 [1] : vector<256x1280xf32> to vector<256xf32>
    %broadcast_in_dim3A_844 = vector.shape_cast %reduce_min3A_843 : vector<256xf32> to vector<256x1xf32>
    %eq3A_845 = vector.broadcast %broadcast_in_dim3A_844 : vector<256x1xf32> to vector<256x1280xf32>
    %eq3A_846 = arith.cmpf oeq, %select_n3A_838, %eq3A_845 : vector<256x1280xf32>
    %jit3A_847 = arith.constant 3.000000e+38 : f32
    %broadcast_in_dim3A_848 = vector.broadcast %jit3A_847 : f32 to vector<256x1280xf32>
    %select_n3A_849 = arith.select %eq3A_846, %get3A_830, %broadcast_in_dim3A_848 : vector<256x1280xi1>, vector<256x1280xf32>
    %reduce_min3A_850 = arith.constant dense<0x7F800000> : vector<256xf32>
    %reduce_min3A_851 = vector.multi_reduction <minimumf>, %select_n3A_849, %reduce_min3A_850 [1] : vector<256x1280xf32> to vector<256xf32>
    %broadcast_in_dim3A_852 = vector.shape_cast %reduce_min3A_851 : vector<256xf32> to vector<256x1xf32>
    %lt3A_853 = arith.cmpf olt, %broadcast_in_dim3A_844, %broadcast_in_dim3A_823 : vector<256x1xf32>
    %select_n3A_854 = arith.select %lt3A_853, %broadcast_in_dim3A_844, %broadcast_in_dim3A_823 : vector<256x1xi1>, vector<256x1xf32>
    %select_n3A_855 = arith.select %lt3A_853, %broadcast_in_dim3A_852, %broadcast_in_dim3A_825 : vector<256x1xi1>, vector<256x1xf32>
    %while3A_856 = arith.constant 3.000000e+38 : f32
    %while3A_857 = arith.constant 1 : i32
    %while3A_858 = arith.subi %get3A_4, %while3A_857 : i32
    %while3A_859 = arith.addi %while3A_857, %while3A_858 : i32
    %while3A_860 = arith.constant 1 : i32
    %while3A_861 = arith.divsi %while3A_858, %while3A_860 : i32
    %while3A_862 = arith.muli %while3A_861, %while3A_860 : i32
    %while3A_863 = arith.addi %while3A_857, %while3A_862 : i32
    %while3A_864 = arith.constant 1 : i32
    %while3A_865:2 = scf.for %while3A_1104 = %while3A_857 to %while3A_863 step %while3A_864 iter_args(%while3A_1105 = %select_n3A_854, %while3A_1106 = %select_n3A_855) -> (vector<256x1xf32>, vector<256x1xf32>)  : i32 {
      %mul3A_1107 = arith.constant 1280 : i32
      %mul3A_1108 = arith.muli %while3A_1104, %mul3A_1107 : i32
      %multiple_of3A_1109 = tpu.assume_multiple %mul3A_1108, 1280 : i32
      %get3A_1110 = arith.constant 0 : index
      %get3A_1111 = arith.index_cast %multiple_of3A_1109 : i32 to index
      %get3A_1112 = vector.load %arg6[%get3A_1110, %get3A_1111] : memref<256x8960xf32, #tpu.memory_space<vmem>>, vector<256x1280xf32>
      %eq3A_1113 = vector.broadcast %while3A_821#1 : vector<256x1xf32> to vector<256x1280xf32>
      %eq3A_1114 = arith.cmpf oeq, %get3A_1112, %eq3A_1113 : vector<256x1280xf32>
      %get3A_1115 = arith.constant 0 : index
      %get3A_1116 = arith.index_cast %multiple_of3A_1109 : i32 to index
      %get3A_1117 = vector.load %arg5[%get3A_1115, %get3A_1116] : memref<256x8960xf32, #tpu.memory_space<vmem>>, vector<256x1280xf32>
      %broadcast_in_dim3A_1118 = vector.broadcast %while3A_856 : f32 to vector<256x1280xf32>
      %select_n3A_1119 = arith.select %eq3A_1114, %broadcast_in_dim3A_1118, %get3A_1117 : vector<256x1280xi1>, vector<256x1280xf32>
      %swap3A_1120 = arith.constant 0 : index
      %swap3A_1121 = arith.index_cast %multiple_of3A_1109 : i32 to index
      %swap3A_1122 = vector.load %arg5[%swap3A_1120, %swap3A_1121] : memref<256x8960xf32, #tpu.memory_space<vmem>>, vector<256x1280xf32>
      tpu.vector_store %arg5[%swap3A_1120, %swap3A_1121], %select_n3A_1119 {strides = array<i32>} : memref<256x8960xf32, #tpu.memory_space<vmem>>, vector<256x1280xf32>,
      %reduce_min3A_1123 = arith.constant dense<0x7F800000> : vector<256xf32>
      %reduce_min3A_1124 = vector.multi_reduction <minimumf>, %select_n3A_1119, %reduce_min3A_1123 [1] : vector<256x1280xf32> to vector<256xf32>
      %broadcast_in_dim3A_1125 = vector.shape_cast %reduce_min3A_1124 : vector<256xf32> to vector<256x1xf32>
      %eq3A_1126 = vector.broadcast %broadcast_in_dim3A_1125 : vector<256x1xf32> to vector<256x1280xf32>
      %eq3A_1127 = arith.cmpf oeq, %select_n3A_1119, %eq3A_1126 : vector<256x1280xf32>
      %broadcast_in_dim3A_1128 = vector.broadcast %while3A_856 : f32 to vector<256x1280xf32>
      %select_n3A_1129 = arith.select %eq3A_1127, %get3A_1112, %broadcast_in_dim3A_1128 : vector<256x1280xi1>, vector<256x1280xf32>
      %reduce_min3A_1130 = arith.constant dense<0x7F800000> : vector<256xf32>
      %reduce_min3A_1131 = vector.multi_reduction <minimumf>, %select_n3A_1129, %reduce_min3A_1130 [1] : vector<256x1280xf32> to vector<256xf32>
      %broadcast_in_dim3A_1132 = vector.shape_cast %reduce_min3A_1131 : vector<256xf32> to vector<256x1xf32>
      %lt3A_1133 = arith.cmpf olt, %broadcast_in_dim3A_1125, %while3A_1105 : vector<256x1xf32>
      %select_n3A_1134 = arith.select %lt3A_1133, %broadcast_in_dim3A_1125, %while3A_1105 : vector<256x1xi1>, vector<256x1xf32>
      %select_n3A_1135 = arith.select %lt3A_1133, %broadcast_in_dim3A_1132, %while3A_1106 : vector<256x1xi1>, vector<256x1xf32>
      scf.yield %select_n3A_1134, %select_n3A_1135 : vector<256x1xf32>, vector<256x1xf32>
    }
    %while3A_866 = arith.constant 1 : i32
    %while3A_867:2 = scf.for %while3A_1104 = %while3A_863 to %while3A_859 step %while3A_866 iter_args(%while3A_1105 = %while3A_865#0, %while3A_1106 = %while3A_865#1) -> (vector<256x1xf32>, vector<256x1xf32>)  : i32 {
      %mul3A_1107 = arith.constant 1280 : i32
      %mul3A_1108 = arith.muli %while3A_1104, %mul3A_1107 : i32
      %multiple_of3A_1109 = tpu.assume_multiple %mul3A_1108, 1280 : i32
      %get3A_1110 = arith.constant 0 : index
      %get3A_1111 = arith.index_cast %multiple_of3A_1109 : i32 to index
      %get3A_1112 = vector.load %arg6[%get3A_1110, %get3A_1111] : memref<256x8960xf32, #tpu.memory_space<vmem>>, vector<256x1280xf32>
      %eq3A_1113 = vector.broadcast %while3A_821#1 : vector<256x1xf32> to vector<256x1280xf32>
      %eq3A_1114 = arith.cmpf oeq, %get3A_1112, %eq3A_1113 : vector<256x1280xf32>
      %get3A_1115 = arith.constant 0 : index
      %get3A_1116 = arith.index_cast %multiple_of3A_1109 : i32 to index
      %get3A_1117 = vector.load %arg5[%get3A_1115, %get3A_1116] : memref<256x8960xf32, #tpu.memory_space<vmem>>, vector<256x1280xf32>
      %broadcast_in_dim3A_1118 = vector.broadcast %while3A_856 : f32 to vector<256x1280xf32>
      %select_n3A_1119 = arith.select %eq3A_1114, %broadcast_in_dim3A_1118, %get3A_1117 : vector<256x1280xi1>, vector<256x1280xf32>
      %swap3A_1120 = arith.constant 0 : index
      %swap3A_1121 = arith.index_cast %multiple_of3A_1109 : i32 to index
      %swap3A_1122 = vector.load %arg5[%swap3A_1120, %swap3A_1121] : memref<256x8960xf32, #tpu.memory_space<vmem>>, vector<256x1280xf32>
      tpu.vector_store %arg5[%swap3A_1120, %swap3A_1121], %select_n3A_1119 {strides = array<i32>} : memref<256x8960xf32, #tpu.memory_space<vmem>>, vector<256x1280xf32>,
      %reduce_min3A_1123 = arith.constant dense<0x7F800000> : vector<256xf32>
      %reduce_min3A_1124 = vector.multi_reduction <minimumf>, %select_n3A_1119, %reduce_min3A_1123 [1] : vector<256x1280xf32> to vector<256xf32>
      %broadcast_in_dim3A_1125 = vector.shape_cast %reduce_min3A_1124 : vector<256xf32> to vector<256x1xf32>
      %eq3A_1126 = vector.broadcast %broadcast_in_dim3A_1125 : vector<256x1xf32> to vector<256x1280xf32>
      %eq3A_1127 = arith.cmpf oeq, %select_n3A_1119, %eq3A_1126 : vector<256x1280xf32>
      %broadcast_in_dim3A_1128 = vector.broadcast %while3A_856 : f32 to vector<256x1280xf32>
      %select_n3A_1129 = arith.select %eq3A_1127, %get3A_1112, %broadcast_in_dim3A_1128 : vector<256x1280xi1>, vector<256x1280xf32>
      %reduce_min3A_1130 = arith.constant dense<0x7F800000> : vector<256xf32>
      %reduce_min3A_1131 = vector.multi_reduction <minimumf>, %select_n3A_1129, %reduce_min3A_1130 [1] : vector<256x1280xf32> to vector<256xf32>
      %broadcast_in_dim3A_1132 = vector.shape_cast %reduce_min3A_1131 : vector<256xf32> to vector<256x1xf32>
      %lt3A_1133 = arith.cmpf olt, %broadcast_in_dim3A_1125, %while3A_1105 : vector<256x1xf32>
      %select_n3A_1134 = arith.select %lt3A_1133, %broadcast_in_dim3A_1125, %while3A_1105 : vector<256x1xi1>, vector<256x1xf32>
      %select_n3A_1135 = arith.select %lt3A_1133, %broadcast_in_dim3A_1132, %while3A_1106 : vector<256x1xi1>, vector<256x1xf32>
      scf.yield %select_n3A_1134, %select_n3A_1135 : vector<256x1xf32>, vector<256x1xf32>
    }
    %broadcast_in_dim3A_868 = arith.constant 3.000000e+38 : f32
    %broadcast_in_dim3A_869 = vector.broadcast %broadcast_in_dim3A_868 : f32 to vector<256x1xf32>
    %broadcast_in_dim3A_870 = arith.constant 3.000000e+38 : f32
    %broadcast_in_dim3A_871 = vector.broadcast %broadcast_in_dim3A_870 : f32 to vector<256x1xf32>
    %multiple_of3A_872 = arith.constant 0 : i32
    %multiple_of3A_873 = tpu.assume_multiple %multiple_of3A_872, 1280 : i32
    %get3A_874 = arith.constant 0 : index
    %get3A_875 = arith.index_cast %multiple_of3A_873 : i32 to index
    %get3A_876 = vector.load %arg6[%get3A_874, %get3A_875] : memref<256x8960xf32, #tpu.memory_space<vmem>>, vector<256x1280xf32>
    %eq3A_877 = vector.broadcast %while3A_867#1 : vector<256x1xf32> to vector<256x1280xf32>
    %eq3A_878 = arith.cmpf oeq, %get3A_876, %eq3A_877 : vector<256x1280xf32>
    %get3A_879 = arith.constant 0 : index
    %get3A_880 = arith.index_cast %multiple_of3A_873 : i32 to index
    %get3A_881 = vector.load %arg5[%get3A_879, %get3A_880] : memref<256x8960xf32, #tpu.memory_space<vmem>>, vector<256x1280xf32>
    %jit3A_882 = arith.constant 3.000000e+38 : f32
    %broadcast_in_dim3A_883 = vector.broadcast %jit3A_882 : f32 to vector<256x1280xf32>
    %select_n3A_884 = arith.select %eq3A_878, %broadcast_in_dim3A_883, %get3A_881 : vector<256x1280xi1>, vector<256x1280xf32>
    %swap3A_885 = arith.constant 0 : index
    %swap3A_886 = arith.index_cast %multiple_of3A_873 : i32 to index
    %swap3A_887 = vector.load %arg5[%swap3A_885, %swap3A_886] : memref<256x8960xf32, #tpu.memory_space<vmem>>, vector<256x1280xf32>
    tpu.vector_store %arg5[%swap3A_885, %swap3A_886], %select_n3A_884 {strides = array<i32>} : memref<256x8960xf32, #tpu.memory_space<vmem>>, vector<256x1280xf32>,
    %reduce_min3A_888 = arith.constant dense<0x7F800000> : vector<256xf32>
    %reduce_min3A_889 = vector.multi_reduction <minimumf>, %select_n3A_884, %reduce_min3A_888 [1] : vector<256x1280xf32> to vector<256xf32>
    %broadcast_in_dim3A_890 = vector.shape_cast %reduce_min3A_889 : vector<256xf32> to vector<256x1xf32>
    %eq3A_891 = vector.broadcast %broadcast_in_dim3A_890 : vector<256x1xf32> to vector<256x1280xf32>
    %eq3A_892 = arith.cmpf oeq, %select_n3A_884, %eq3A_891 : vector<256x1280xf32>
    %jit3A_893 = arith.constant 3.000000e+38 : f32
    %broadcast_in_dim3A_894 = vector.broadcast %jit3A_893 : f32 to vector<256x1280xf32>
    %select_n3A_895 = arith.select %eq3A_892, %get3A_876, %broadcast_in_dim3A_894 : vector<256x1280xi1>, vector<256x1280xf32>
    %reduce_min3A_896 = arith.constant dense<0x7F800000> : vector<256xf32>
    %reduce_min3A_897 = vector.multi_reduction <minimumf>, %select_n3A_895, %reduce_min3A_896 [1] : vector<256x1280xf32> to vector<256xf32>
    %broadcast_in_dim3A_898 = vector.shape_cast %reduce_min3A_897 : vector<256xf32> to vector<256x1xf32>
    %lt3A_899 = arith.cmpf olt, %broadcast_in_dim3A_890, %broadcast_in_dim3A_869 : vector<256x1xf32>
    %select_n3A_900 = arith.select %lt3A_899, %broadcast_in_dim3A_890, %broadcast_in_dim3A_869 : vector<256x1xi1>, vector<256x1xf32>
    %select_n3A_901 = arith.select %lt3A_899, %broadcast_in_dim3A_898, %broadcast_in_dim3A_871 : vector<256x1xi1>, vector<256x1xf32>
    %while3A_902 = arith.constant 3.000000e+38 : f32
    %while3A_903 = arith.constant 1 : i32
    %while3A_904 = arith.subi %get3A_4, %while3A_903 : i32
    %while3A_905 = arith.addi %while3A_903, %while3A_904 : i32
    %while3A_906 = arith.constant 1 : i32
    %while3A_907 = arith.divsi %while3A_904, %while3A_906 : i32
    %while3A_908 = arith.muli %while3A_907, %while3A_906 : i32
    %while3A_909 = arith.addi %while3A_903, %while3A_908 : i32
    %while3A_910 = arith.constant 1 : i32
    %while3A_911:2 = scf.for %while3A_1104 = %while3A_903 to %while3A_909 step %while3A_910 iter_args(%while3A_1105 = %select_n3A_900, %while3A_1106 = %select_n3A_901) -> (vector<256x1xf32>, vector<256x1xf32>)  : i32 {
      %mul3A_1107 = arith.constant 1280 : i32
      %mul3A_1108 = arith.muli %while3A_1104, %mul3A_1107 : i32
      %multiple_of3A_1109 = tpu.assume_multiple %mul3A_1108, 1280 : i32
      %get3A_1110 = arith.constant 0 : index
      %get3A_1111 = arith.index_cast %multiple_of3A_1109 : i32 to index
      %get3A_1112 = vector.load %arg6[%get3A_1110, %get3A_1111] : memref<256x8960xf32, #tpu.memory_space<vmem>>, vector<256x1280xf32>
      %eq3A_1113 = vector.broadcast %while3A_867#1 : vector<256x1xf32> to vector<256x1280xf32>
      %eq3A_1114 = arith.cmpf oeq, %get3A_1112, %eq3A_1113 : vector<256x1280xf32>
      %get3A_1115 = arith.constant 0 : index
      %get3A_1116 = arith.index_cast %multiple_of3A_1109 : i32 to index
      %get3A_1117 = vector.load %arg5[%get3A_1115, %get3A_1116] : memref<256x8960xf32, #tpu.memory_space<vmem>>, vector<256x1280xf32>
      %broadcast_in_dim3A_1118 = vector.broadcast %while3A_902 : f32 to vector<256x1280xf32>
      %select_n3A_1119 = arith.select %eq3A_1114, %broadcast_in_dim3A_1118, %get3A_1117 : vector<256x1280xi1>, vector<256x1280xf32>
      %swap3A_1120 = arith.constant 0 : index
      %swap3A_1121 = arith.index_cast %multiple_of3A_1109 : i32 to index
      %swap3A_1122 = vector.load %arg5[%swap3A_1120, %swap3A_1121] : memref<256x8960xf32, #tpu.memory_space<vmem>>, vector<256x1280xf32>
      tpu.vector_store %arg5[%swap3A_1120, %swap3A_1121], %select_n3A_1119 {strides = array<i32>} : memref<256x8960xf32, #tpu.memory_space<vmem>>, vector<256x1280xf32>,
      %reduce_min3A_1123 = arith.constant dense<0x7F800000> : vector<256xf32>
      %reduce_min3A_1124 = vector.multi_reduction <minimumf>, %select_n3A_1119, %reduce_min3A_1123 [1] : vector<256x1280xf32> to vector<256xf32>
      %broadcast_in_dim3A_1125 = vector.shape_cast %reduce_min3A_1124 : vector<256xf32> to vector<256x1xf32>
      %eq3A_1126 = vector.broadcast %broadcast_in_dim3A_1125 : vector<256x1xf32> to vector<256x1280xf32>
      %eq3A_1127 = arith.cmpf oeq, %select_n3A_1119, %eq3A_1126 : vector<256x1280xf32>
      %broadcast_in_dim3A_1128 = vector.broadcast %while3A_902 : f32 to vector<256x1280xf32>
      %select_n3A_1129 = arith.select %eq3A_1127, %get3A_1112, %broadcast_in_dim3A_1128 : vector<256x1280xi1>, vector<256x1280xf32>
      %reduce_min3A_1130 = arith.constant dense<0x7F800000> : vector<256xf32>
      %reduce_min3A_1131 = vector.multi_reduction <minimumf>, %select_n3A_1129, %reduce_min3A_1130 [1] : vector<256x1280xf32> to vector<256xf32>
      %broadcast_in_dim3A_1132 = vector.shape_cast %reduce_min3A_1131 : vector<256xf32> to vector<256x1xf32>
      %lt3A_1133 = arith.cmpf olt, %broadcast_in_dim3A_1125, %while3A_1105 : vector<256x1xf32>
      %select_n3A_1134 = arith.select %lt3A_1133, %broadcast_in_dim3A_1125, %while3A_1105 : vector<256x1xi1>, vector<256x1xf32>
      %select_n3A_1135 = arith.select %lt3A_1133, %broadcast_in_dim3A_1132, %while3A_1106 : vector<256x1xi1>, vector<256x1xf32>
      scf.yield %select_n3A_1134, %select_n3A_1135 : vector<256x1xf32>, vector<256x1xf32>
    }
    %while3A_912 = arith.constant 1 : i32
    %while3A_913:2 = scf.for %while3A_1104 = %while3A_909 to %while3A_905 step %while3A_912 iter_args(%while3A_1105 = %while3A_911#0, %while3A_1106 = %while3A_911#1) -> (vector<256x1xf32>, vector<256x1xf32>)  : i32 {
      %mul3A_1107 = arith.constant 1280 : i32
      %mul3A_1108 = arith.muli %while3A_1104, %mul3A_1107 : i32
      %multiple_of3A_1109 = tpu.assume_multiple %mul3A_1108, 1280 : i32
      %get3A_1110 = arith.constant 0 : index
      %get3A_1111 = arith.index_cast %multiple_of3A_1109 : i32 to index
      %get3A_1112 = vector.load %arg6[%get3A_1110, %get3A_1111] : memref<256x8960xf32, #tpu.memory_space<vmem>>, vector<256x1280xf32>
      %eq3A_1113 = vector.broadcast %while3A_867#1 : vector<256x1xf32> to vector<256x1280xf32>
      %eq3A_1114 = arith.cmpf oeq, %get3A_1112, %eq3A_1113 : vector<256x1280xf32>
      %get3A_1115 = arith.constant 0 : index
      %get3A_1116 = arith.index_cast %multiple_of3A_1109 : i32 to index
      %get3A_1117 = vector.load %arg5[%get3A_1115, %get3A_1116] : memref<256x8960xf32, #tpu.memory_space<vmem>>, vector<256x1280xf32>
      %broadcast_in_dim3A_1118 = vector.broadcast %while3A_902 : f32 to vector<256x1280xf32>
      %select_n3A_1119 = arith.select %eq3A_1114, %broadcast_in_dim3A_1118, %get3A_1117 : vector<256x1280xi1>, vector<256x1280xf32>
      %swap3A_1120 = arith.constant 0 : index
      %swap3A_1121 = arith.index_cast %multiple_of3A_1109 : i32 to index
      %swap3A_1122 = vector.load %arg5[%swap3A_1120, %swap3A_1121] : memref<256x8960xf32, #tpu.memory_space<vmem>>, vector<256x1280xf32>
      tpu.vector_store %arg5[%swap3A_1120, %swap3A_1121], %select_n3A_1119 {strides = array<i32>} : memref<256x8960xf32, #tpu.memory_space<vmem>>, vector<256x1280xf32>,
      %reduce_min3A_1123 = arith.constant dense<0x7F800000> : vector<256xf32>
      %reduce_min3A_1124 = vector.multi_reduction <minimumf>, %select_n3A_1119, %reduce_min3A_1123 [1] : vector<256x1280xf32> to vector<256xf32>
      %broadcast_in_dim3A_1125 = vector.shape_cast %reduce_min3A_1124 : vector<256xf32> to vector<256x1xf32>
      %eq3A_1126 = vector.broadcast %broadcast_in_dim3A_1125 : vector<256x1xf32> to vector<256x1280xf32>
      %eq3A_1127 = arith.cmpf oeq, %select_n3A_1119, %eq3A_1126 : vector<256x1280xf32>
      %broadcast_in_dim3A_1128 = vector.broadcast %while3A_902 : f32 to vector<256x1280xf32>
      %select_n3A_1129 = arith.select %eq3A_1127, %get3A_1112, %broadcast_in_dim3A_1128 : vector<256x1280xi1>, vector<256x1280xf32>
      %reduce_min3A_1130 = arith.constant dense<0x7F800000> : vector<256xf32>
      %reduce_min3A_1131 = vector.multi_reduction <minimumf>, %select_n3A_1129, %reduce_min3A_1130 [1] : vector<256x1280xf32> to vector<256xf32>
      %broadcast_in_dim3A_1132 = vector.shape_cast %reduce_min3A_1131 : vector<256xf32> to vector<256x1xf32>
      %lt3A_1133 = arith.cmpf olt, %broadcast_in_dim3A_1125, %while3A_1105 : vector<256x1xf32>
      %select_n3A_1134 = arith.select %lt3A_1133, %broadcast_in_dim3A_1125, %while3A_1105 : vector<256x1xi1>, vector<256x1xf32>
      %select_n3A_1135 = arith.select %lt3A_1133, %broadcast_in_dim3A_1132, %while3A_1106 : vector<256x1xi1>, vector<256x1xf32>
      scf.yield %select_n3A_1134, %select_n3A_1135 : vector<256x1xf32>, vector<256x1xf32>
    }
    %broadcast_in_dim3A_914 = arith.constant 3.000000e+38 : f32
    %broadcast_in_dim3A_915 = vector.broadcast %broadcast_in_dim3A_914 : f32 to vector<256x1xf32>
    %broadcast_in_dim3A_916 = arith.constant 3.000000e+38 : f32
    %broadcast_in_dim3A_917 = vector.broadcast %broadcast_in_dim3A_916 : f32 to vector<256x1xf32>
    %multiple_of3A_918 = arith.constant 0 : i32
    %multiple_of3A_919 = tpu.assume_multiple %multiple_of3A_918, 1280 : i32
    %get3A_920 = arith.constant 0 : index
    %get3A_921 = arith.index_cast %multiple_of3A_919 : i32 to index
    %get3A_922 = vector.load %arg6[%get3A_920, %get3A_921] : memref<256x8960xf32, #tpu.memory_space<vmem>>, vector<256x1280xf32>
    %eq3A_923 = vector.broadcast %while3A_913#1 : vector<256x1xf32> to vector<256x1280xf32>
    %eq3A_924 = arith.cmpf oeq, %get3A_922, %eq3A_923 : vector<256x1280xf32>
    %get3A_925 = arith.constant 0 : index
    %get3A_926 = arith.index_cast %multiple_of3A_919 : i32 to index
    %get3A_927 = vector.load %arg5[%get3A_925, %get3A_926] : memref<256x8960xf32, #tpu.memory_space<vmem>>, vector<256x1280xf32>
    %jit3A_928 = arith.constant 3.000000e+38 : f32
    %broadcast_in_dim3A_929 = vector.broadcast %jit3A_928 : f32 to vector<256x1280xf32>
    %select_n3A_930 = arith.select %eq3A_924, %broadcast_in_dim3A_929, %get3A_927 : vector<256x1280xi1>, vector<256x1280xf32>
    %swap3A_931 = arith.constant 0 : index
    %swap3A_932 = arith.index_cast %multiple_of3A_919 : i32 to index
    %swap3A_933 = vector.load %arg5[%swap3A_931, %swap3A_932] : memref<256x8960xf32, #tpu.memory_space<vmem>>, vector<256x1280xf32>
    tpu.vector_store %arg5[%swap3A_931, %swap3A_932], %select_n3A_930 {strides = array<i32>} : memref<256x8960xf32, #tpu.memory_space<vmem>>, vector<256x1280xf32>,
    %reduce_min3A_934 = arith.constant dense<0x7F800000> : vector<256xf32>
    %reduce_min3A_935 = vector.multi_reduction <minimumf>, %select_n3A_930, %reduce_min3A_934 [1] : vector<256x1280xf32> to vector<256xf32>
    %broadcast_in_dim3A_936 = vector.shape_cast %reduce_min3A_935 : vector<256xf32> to vector<256x1xf32>
    %eq3A_937 = vector.broadcast %broadcast_in_dim3A_936 : vector<256x1xf32> to vector<256x1280xf32>
    %eq3A_938 = arith.cmpf oeq, %select_n3A_930, %eq3A_937 : vector<256x1280xf32>
    %jit3A_939 = arith.constant 3.000000e+38 : f32
    %broadcast_in_dim3A_940 = vector.broadcast %jit3A_939 : f32 to vector<256x1280xf32>
    %select_n3A_941 = arith.select %eq3A_938, %get3A_922, %broadcast_in_dim3A_940 : vector<256x1280xi1>, vector<256x1280xf32>
    %reduce_min3A_942 = arith.constant dense<0x7F800000> : vector<256xf32>
    %reduce_min3A_943 = vector.multi_reduction <minimumf>, %select_n3A_941, %reduce_min3A_942 [1] : vector<256x1280xf32> to vector<256xf32>
    %broadcast_in_dim3A_944 = vector.shape_cast %reduce_min3A_943 : vector<256xf32> to vector<256x1xf32>
    %lt3A_945 = arith.cmpf olt, %broadcast_in_dim3A_936, %broadcast_in_dim3A_915 : vector<256x1xf32>
    %select_n3A_946 = arith.select %lt3A_945, %broadcast_in_dim3A_936, %broadcast_in_dim3A_915 : vector<256x1xi1>, vector<256x1xf32>
    %select_n3A_947 = arith.select %lt3A_945, %broadcast_in_dim3A_944, %broadcast_in_dim3A_917 : vector<256x1xi1>, vector<256x1xf32>
    %while3A_948 = arith.constant 3.000000e+38 : f32
    %while3A_949 = arith.constant 1 : i32
    %while3A_950 = arith.subi %get3A_4, %while3A_949 : i32
    %while3A_951 = arith.addi %while3A_949, %while3A_950 : i32
    %while3A_952 = arith.constant 1 : i32
    %while3A_953 = arith.divsi %while3A_950, %while3A_952 : i32
    %while3A_954 = arith.muli %while3A_953, %while3A_952 : i32
    %while3A_955 = arith.addi %while3A_949, %while3A_954 : i32
    %while3A_956 = arith.constant 1 : i32
    %while3A_957:2 = scf.for %while3A_1104 = %while3A_949 to %while3A_955 step %while3A_956 iter_args(%while3A_1105 = %select_n3A_946, %while3A_1106 = %select_n3A_947) -> (vector<256x1xf32>, vector<256x1xf32>)  : i32 {
      %mul3A_1107 = arith.constant 1280 : i32
      %mul3A_1108 = arith.muli %while3A_1104, %mul3A_1107 : i32
      %multiple_of3A_1109 = tpu.assume_multiple %mul3A_1108, 1280 : i32
      %get3A_1110 = arith.constant 0 : index
      %get3A_1111 = arith.index_cast %multiple_of3A_1109 : i32 to index
      %get3A_1112 = vector.load %arg6[%get3A_1110, %get3A_1111] : memref<256x8960xf32, #tpu.memory_space<vmem>>, vector<256x1280xf32>
      %eq3A_1113 = vector.broadcast %while3A_913#1 : vector<256x1xf32> to vector<256x1280xf32>
      %eq3A_1114 = arith.cmpf oeq, %get3A_1112, %eq3A_1113 : vector<256x1280xf32>
      %get3A_1115 = arith.constant 0 : index
      %get3A_1116 = arith.index_cast %multiple_of3A_1109 : i32 to index
      %get3A_1117 = vector.load %arg5[%get3A_1115, %get3A_1116] : memref<256x8960xf32, #tpu.memory_space<vmem>>, vector<256x1280xf32>
      %broadcast_in_dim3A_1118 = vector.broadcast %while3A_948 : f32 to vector<256x1280xf32>
      %select_n3A_1119 = arith.select %eq3A_1114, %broadcast_in_dim3A_1118, %get3A_1117 : vector<256x1280xi1>, vector<256x1280xf32>
      %swap3A_1120 = arith.constant 0 : index
      %swap3A_1121 = arith.index_cast %multiple_of3A_1109 : i32 to index
      %swap3A_1122 = vector.load %arg5[%swap3A_1120, %swap3A_1121] : memref<256x8960xf32, #tpu.memory_space<vmem>>, vector<256x1280xf32>
      tpu.vector_store %arg5[%swap3A_1120, %swap3A_1121], %select_n3A_1119 {strides = array<i32>} : memref<256x8960xf32, #tpu.memory_space<vmem>>, vector<256x1280xf32>,
      %reduce_min3A_1123 = arith.constant dense<0x7F800000> : vector<256xf32>
      %reduce_min3A_1124 = vector.multi_reduction <minimumf>, %select_n3A_1119, %reduce_min3A_1123 [1] : vector<256x1280xf32> to vector<256xf32>
      %broadcast_in_dim3A_1125 = vector.shape_cast %reduce_min3A_1124 : vector<256xf32> to vector<256x1xf32>
      %eq3A_1126 = vector.broadcast %broadcast_in_dim3A_1125 : vector<256x1xf32> to vector<256x1280xf32>
      %eq3A_1127 = arith.cmpf oeq, %select_n3A_1119, %eq3A_1126 : vector<256x1280xf32>
      %broadcast_in_dim3A_1128 = vector.broadcast %while3A_948 : f32 to vector<256x1280xf32>
      %select_n3A_1129 = arith.select %eq3A_1127, %get3A_1112, %broadcast_in_dim3A_1128 : vector<256x1280xi1>, vector<256x1280xf32>
      %reduce_min3A_1130 = arith.constant dense<0x7F800000> : vector<256xf32>
      %reduce_min3A_1131 = vector.multi_reduction <minimumf>, %select_n3A_1129, %reduce_min3A_1130 [1] : vector<256x1280xf32> to vector<256xf32>
      %broadcast_in_dim3A_1132 = vector.shape_cast %reduce_min3A_1131 : vector<256xf32> to vector<256x1xf32>
      %lt3A_1133 = arith.cmpf olt, %broadcast_in_dim3A_1125, %while3A_1105 : vector<256x1xf32>
      %select_n3A_1134 = arith.select %lt3A_1133, %broadcast_in_dim3A_1125, %while3A_1105 : vector<256x1xi1>, vector<256x1xf32>
      %select_n3A_1135 = arith.select %lt3A_1133, %broadcast_in_dim3A_1132, %while3A_1106 : vector<256x1xi1>, vector<256x1xf32>
      scf.yield %select_n3A_1134, %select_n3A_1135 : vector<256x1xf32>, vector<256x1xf32>
    }
    %while3A_958 = arith.constant 1 : i32
    %while3A_959:2 = scf.for %while3A_1104 = %while3A_955 to %while3A_951 step %while3A_958 iter_args(%while3A_1105 = %while3A_957#0, %while3A_1106 = %while3A_957#1) -> (vector<256x1xf32>, vector<256x1xf32>)  : i32 {
      %mul3A_1107 = arith.constant 1280 : i32
      %mul3A_1108 = arith.muli %while3A_1104, %mul3A_1107 : i32
      %multiple_of3A_1109 = tpu.assume_multiple %mul3A_1108, 1280 : i32
      %get3A_1110 = arith.constant 0 : index
      %get3A_1111 = arith.index_cast %multiple_of3A_1109 : i32 to index
      %get3A_1112 = vector.load %arg6[%get3A_1110, %get3A_1111] : memref<256x8960xf32, #tpu.memory_space<vmem>>, vector<256x1280xf32>
      %eq3A_1113 = vector.broadcast %while3A_913#1 : vector<256x1xf32> to vector<256x1280xf32>
      %eq3A_1114 = arith.cmpf oeq, %get3A_1112, %eq3A_1113 : vector<256x1280xf32>
      %get3A_1115 = arith.constant 0 : index
      %get3A_1116 = arith.index_cast %multiple_of3A_1109 : i32 to index
      %get3A_1117 = vector.load %arg5[%get3A_1115, %get3A_1116] : memref<256x8960xf32, #tpu.memory_space<vmem>>, vector<256x1280xf32>
      %broadcast_in_dim3A_1118 = vector.broadcast %while3A_948 : f32 to vector<256x1280xf32>
      %select_n3A_1119 = arith.select %eq3A_1114, %broadcast_in_dim3A_1118, %get3A_1117 : vector<256x1280xi1>, vector<256x1280xf32>
      %swap3A_1120 = arith.constant 0 : index
      %swap3A_1121 = arith.index_cast %multiple_of3A_1109 : i32 to index
      %swap3A_1122 = vector.load %arg5[%swap3A_1120, %swap3A_1121] : memref<256x8960xf32, #tpu.memory_space<vmem>>, vector<256x1280xf32>
      tpu.vector_store %arg5[%swap3A_1120, %swap3A_1121], %select_n3A_1119 {strides = array<i32>} : memref<256x8960xf32, #tpu.memory_space<vmem>>, vector<256x1280xf32>,
      %reduce_min3A_1123 = arith.constant dense<0x7F800000> : vector<256xf32>
      %reduce_min3A_1124 = vector.multi_reduction <minimumf>, %select_n3A_1119, %reduce_min3A_1123 [1] : vector<256x1280xf32> to vector<256xf32>
      %broadcast_in_dim3A_1125 = vector.shape_cast %reduce_min3A_1124 : vector<256xf32> to vector<256x1xf32>
      %eq3A_1126 = vector.broadcast %broadcast_in_dim3A_1125 : vector<256x1xf32> to vector<256x1280xf32>
      %eq3A_1127 = arith.cmpf oeq, %select_n3A_1119, %eq3A_1126 : vector<256x1280xf32>
      %broadcast_in_dim3A_1128 = vector.broadcast %while3A_948 : f32 to vector<256x1280xf32>
      %select_n3A_1129 = arith.select %eq3A_1127, %get3A_1112, %broadcast_in_dim3A_1128 : vector<256x1280xi1>, vector<256x1280xf32>
      %reduce_min3A_1130 = arith.constant dense<0x7F800000> : vector<256xf32>
      %reduce_min3A_1131 = vector.multi_reduction <minimumf>, %select_n3A_1129, %reduce_min3A_1130 [1] : vector<256x1280xf32> to vector<256xf32>
      %broadcast_in_dim3A_1132 = vector.shape_cast %reduce_min3A_1131 : vector<256xf32> to vector<256x1xf32>
      %lt3A_1133 = arith.cmpf olt, %broadcast_in_dim3A_1125, %while3A_1105 : vector<256x1xf32>
      %select_n3A_1134 = arith.select %lt3A_1133, %broadcast_in_dim3A_1125, %while3A_1105 : vector<256x1xi1>, vector<256x1xf32>
      %select_n3A_1135 = arith.select %lt3A_1133, %broadcast_in_dim3A_1132, %while3A_1106 : vector<256x1xi1>, vector<256x1xf32>
      scf.yield %select_n3A_1134, %select_n3A_1135 : vector<256x1xf32>, vector<256x1xf32>
    }
    %broadcast_in_dim3A_960 = arith.constant 3.000000e+38 : f32
    %broadcast_in_dim3A_961 = vector.broadcast %broadcast_in_dim3A_960 : f32 to vector<256x1xf32>
    %broadcast_in_dim3A_962 = arith.constant 3.000000e+38 : f32
    %broadcast_in_dim3A_963 = vector.broadcast %broadcast_in_dim3A_962 : f32 to vector<256x1xf32>
    %multiple_of3A_964 = arith.constant 0 : i32
    %multiple_of3A_965 = tpu.assume_multiple %multiple_of3A_964, 1280 : i32
    %get3A_966 = arith.constant 0 : index
    %get3A_967 = arith.index_cast %multiple_of3A_965 : i32 to index
    %get3A_968 = vector.load %arg6[%get3A_966, %get3A_967] : memref<256x8960xf32, #tpu.memory_space<vmem>>, vector<256x1280xf32>
    %eq3A_969 = vector.broadcast %while3A_959#1 : vector<256x1xf32> to vector<256x1280xf32>
    %eq3A_970 = arith.cmpf oeq, %get3A_968, %eq3A_969 : vector<256x1280xf32>
    %get3A_971 = arith.constant 0 : index
    %get3A_972 = arith.index_cast %multiple_of3A_965 : i32 to index
    %get3A_973 = vector.load %arg5[%get3A_971, %get3A_972] : memref<256x8960xf32, #tpu.memory_space<vmem>>, vector<256x1280xf32>
    %jit3A_974 = arith.constant 3.000000e+38 : f32
    %broadcast_in_dim3A_975 = vector.broadcast %jit3A_974 : f32 to vector<256x1280xf32>
    %select_n3A_976 = arith.select %eq3A_970, %broadcast_in_dim3A_975, %get3A_973 : vector<256x1280xi1>, vector<256x1280xf32>
    %swap3A_977 = arith.constant 0 : index
    %swap3A_978 = arith.index_cast %multiple_of3A_965 : i32 to index
    %swap3A_979 = vector.load %arg5[%swap3A_977, %swap3A_978] : memref<256x8960xf32, #tpu.memory_space<vmem>>, vector<256x1280xf32>
    tpu.vector_store %arg5[%swap3A_977, %swap3A_978], %select_n3A_976 {strides = array<i32>} : memref<256x8960xf32, #tpu.memory_space<vmem>>, vector<256x1280xf32>,
    %reduce_min3A_980 = arith.constant dense<0x7F800000> : vector<256xf32>
    %reduce_min3A_981 = vector.multi_reduction <minimumf>, %select_n3A_976, %reduce_min3A_980 [1] : vector<256x1280xf32> to vector<256xf32>
    %broadcast_in_dim3A_982 = vector.shape_cast %reduce_min3A_981 : vector<256xf32> to vector<256x1xf32>
    %eq3A_983 = vector.broadcast %broadcast_in_dim3A_982 : vector<256x1xf32> to vector<256x1280xf32>
    %eq3A_984 = arith.cmpf oeq, %select_n3A_976, %eq3A_983 : vector<256x1280xf32>
    %jit3A_985 = arith.constant 3.000000e+38 : f32
    %broadcast_in_dim3A_986 = vector.broadcast %jit3A_985 : f32 to vector<256x1280xf32>
    %select_n3A_987 = arith.select %eq3A_984, %get3A_968, %broadcast_in_dim3A_986 : vector<256x1280xi1>, vector<256x1280xf32>
    %reduce_min3A_988 = arith.constant dense<0x7F800000> : vector<256xf32>
    %reduce_min3A_989 = vector.multi_reduction <minimumf>, %select_n3A_987, %reduce_min3A_988 [1] : vector<256x1280xf32> to vector<256xf32>
    %broadcast_in_dim3A_990 = vector.shape_cast %reduce_min3A_989 : vector<256xf32> to vector<256x1xf32>
    %lt3A_991 = arith.cmpf olt, %broadcast_in_dim3A_982, %broadcast_in_dim3A_961 : vector<256x1xf32>
    %select_n3A_992 = arith.select %lt3A_991, %broadcast_in_dim3A_982, %broadcast_in_dim3A_961 : vector<256x1xi1>, vector<256x1xf32>
    %select_n3A_993 = arith.select %lt3A_991, %broadcast_in_dim3A_990, %broadcast_in_dim3A_963 : vector<256x1xi1>, vector<256x1xf32>
    %while3A_994 = arith.constant 3.000000e+38 : f32
    %while3A_995 = arith.constant 1 : i32
    %while3A_996 = arith.subi %get3A_4, %while3A_995 : i32
    %while3A_997 = arith.addi %while3A_995, %while3A_996 : i32
    %while3A_998 = arith.constant 1 : i32
    %while3A_999 = arith.divsi %while3A_996, %while3A_998 : i32
    %while3A_1000 = arith.muli %while3A_999, %while3A_998 : i32
    %while3A_1001 = arith.addi %while3A_995, %while3A_1000 : i32
    %while3A_1002 = arith.constant 1 : i32
    %while3A_1003:2 = scf.for %while3A_1104 = %while3A_995 to %while3A_1001 step %while3A_1002 iter_args(%while3A_1105 = %select_n3A_992, %while3A_1106 = %select_n3A_993) -> (vector<256x1xf32>, vector<256x1xf32>)  : i32 {
      %mul3A_1107 = arith.constant 1280 : i32
      %mul3A_1108 = arith.muli %while3A_1104, %mul3A_1107 : i32
      %multiple_of3A_1109 = tpu.assume_multiple %mul3A_1108, 1280 : i32
      %get3A_1110 = arith.constant 0 : index
      %get3A_1111 = arith.index_cast %multiple_of3A_1109 : i32 to index
      %get3A_1112 = vector.load %arg6[%get3A_1110, %get3A_1111] : memref<256x8960xf32, #tpu.memory_space<vmem>>, vector<256x1280xf32>
      %eq3A_1113 = vector.broadcast %while3A_959#1 : vector<256x1xf32> to vector<256x1280xf32>
      %eq3A_1114 = arith.cmpf oeq, %get3A_1112, %eq3A_1113 : vector<256x1280xf32>
      %get3A_1115 = arith.constant 0 : index
      %get3A_1116 = arith.index_cast %multiple_of3A_1109 : i32 to index
      %get3A_1117 = vector.load %arg5[%get3A_1115, %get3A_1116] : memref<256x8960xf32, #tpu.memory_space<vmem>>, vector<256x1280xf32>
      %broadcast_in_dim3A_1118 = vector.broadcast %while3A_994 : f32 to vector<256x1280xf32>
      %select_n3A_1119 = arith.select %eq3A_1114, %broadcast_in_dim3A_1118, %get3A_1117 : vector<256x1280xi1>, vector<256x1280xf32>
      %swap3A_1120 = arith.constant 0 : index
      %swap3A_1121 = arith.index_cast %multiple_of3A_1109 : i32 to index
      %swap3A_1122 = vector.load %arg5[%swap3A_1120, %swap3A_1121] : memref<256x8960xf32, #tpu.memory_space<vmem>>, vector<256x1280xf32>
      tpu.vector_store %arg5[%swap3A_1120, %swap3A_1121], %select_n3A_1119 {strides = array<i32>} : memref<256x8960xf32, #tpu.memory_space<vmem>>, vector<256x1280xf32>,
      %reduce_min3A_1123 = arith.constant dense<0x7F800000> : vector<256xf32>
      %reduce_min3A_1124 = vector.multi_reduction <minimumf>, %select_n3A_1119, %reduce_min3A_1123 [1] : vector<256x1280xf32> to vector<256xf32>
      %broadcast_in_dim3A_1125 = vector.shape_cast %reduce_min3A_1124 : vector<256xf32> to vector<256x1xf32>
      %eq3A_1126 = vector.broadcast %broadcast_in_dim3A_1125 : vector<256x1xf32> to vector<256x1280xf32>
      %eq3A_1127 = arith.cmpf oeq, %select_n3A_1119, %eq3A_1126 : vector<256x1280xf32>
      %broadcast_in_dim3A_1128 = vector.broadcast %while3A_994 : f32 to vector<256x1280xf32>
      %select_n3A_1129 = arith.select %eq3A_1127, %get3A_1112, %broadcast_in_dim3A_1128 : vector<256x1280xi1>, vector<256x1280xf32>
      %reduce_min3A_1130 = arith.constant dense<0x7F800000> : vector<256xf32>
      %reduce_min3A_1131 = vector.multi_reduction <minimumf>, %select_n3A_1129, %reduce_min3A_1130 [1] : vector<256x1280xf32> to vector<256xf32>
      %broadcast_in_dim3A_1132 = vector.shape_cast %reduce_min3A_1131 : vector<256xf32> to vector<256x1xf32>
      %lt3A_1133 = arith.cmpf olt, %broadcast_in_dim3A_1125, %while3A_1105 : vector<256x1xf32>
      %select_n3A_1134 = arith.select %lt3A_1133, %broadcast_in_dim3A_1125, %while3A_1105 : vector<256x1xi1>, vector<256x1xf32>
      %select_n3A_1135 = arith.select %lt3A_1133, %broadcast_in_dim3A_1132, %while3A_1106 : vector<256x1xi1>, vector<256x1xf32>
      scf.yield %select_n3A_1134, %select_n3A_1135 : vector<256x1xf32>, vector<256x1xf32>
    }
    %while3A_1004 = arith.constant 1 : i32
    %while3A_1005:2 = scf.for %while3A_1104 = %while3A_1001 to %while3A_997 step %while3A_1004 iter_args(%while3A_1105 = %while3A_1003#0, %while3A_1106 = %while3A_1003#1) -> (vector<256x1xf32>, vector<256x1xf32>)  : i32 {
      %mul3A_1107 = arith.constant 1280 : i32
      %mul3A_1108 = arith.muli %while3A_1104, %mul3A_1107 : i32
      %multiple_of3A_1109 = tpu.assume_multiple %mul3A_1108, 1280 : i32
      %get3A_1110 = arith.constant 0 : index
      %get3A_1111 = arith.index_cast %multiple_of3A_1109 : i32 to index
      %get3A_1112 = vector.load %arg6[%get3A_1110, %get3A_1111] : memref<256x8960xf32, #tpu.memory_space<vmem>>, vector<256x1280xf32>
      %eq3A_1113 = vector.broadcast %while3A_959#1 : vector<256x1xf32> to vector<256x1280xf32>
      %eq3A_1114 = arith.cmpf oeq, %get3A_1112, %eq3A_1113 : vector<256x1280xf32>
      %get3A_1115 = arith.constant 0 : index
      %get3A_1116 = arith.index_cast %multiple_of3A_1109 : i32 to index
      %get3A_1117 = vector.load %arg5[%get3A_1115, %get3A_1116] : memref<256x8960xf32, #tpu.memory_space<vmem>>, vector<256x1280xf32>
      %broadcast_in_dim3A_1118 = vector.broadcast %while3A_994 : f32 to vector<256x1280xf32>
      %select_n3A_1119 = arith.select %eq3A_1114, %broadcast_in_dim3A_1118, %get3A_1117 : vector<256x1280xi1>, vector<256x1280xf32>
      %swap3A_1120 = arith.constant 0 : index
      %swap3A_1121 = arith.index_cast %multiple_of3A_1109 : i32 to index
      %swap3A_1122 = vector.load %arg5[%swap3A_1120, %swap3A_1121] : memref<256x8960xf32, #tpu.memory_space<vmem>>, vector<256x1280xf32>
      tpu.vector_store %arg5[%swap3A_1120, %swap3A_1121], %select_n3A_1119 {strides = array<i32>} : memref<256x8960xf32, #tpu.memory_space<vmem>>, vector<256x1280xf32>,
      %reduce_min3A_1123 = arith.constant dense<0x7F800000> : vector<256xf32>
      %reduce_min3A_1124 = vector.multi_reduction <minimumf>, %select_n3A_1119, %reduce_min3A_1123 [1] : vector<256x1280xf32> to vector<256xf32>
      %broadcast_in_dim3A_1125 = vector.shape_cast %reduce_min3A_1124 : vector<256xf32> to vector<256x1xf32>
      %eq3A_1126 = vector.broadcast %broadcast_in_dim3A_1125 : vector<256x1xf32> to vector<256x1280xf32>
      %eq3A_1127 = arith.cmpf oeq, %select_n3A_1119, %eq3A_1126 : vector<256x1280xf32>
      %broadcast_in_dim3A_1128 = vector.broadcast %while3A_994 : f32 to vector<256x1280xf32>
      %select_n3A_1129 = arith.select %eq3A_1127, %get3A_1112, %broadcast_in_dim3A_1128 : vector<256x1280xi1>, vector<256x1280xf32>
      %reduce_min3A_1130 = arith.constant dense<0x7F800000> : vector<256xf32>
      %reduce_min3A_1131 = vector.multi_reduction <minimumf>, %select_n3A_1129, %reduce_min3A_1130 [1] : vector<256x1280xf32> to vector<256xf32>
      %broadcast_in_dim3A_1132 = vector.shape_cast %reduce_min3A_1131 : vector<256xf32> to vector<256x1xf32>
      %lt3A_1133 = arith.cmpf olt, %broadcast_in_dim3A_1125, %while3A_1105 : vector<256x1xf32>
      %select_n3A_1134 = arith.select %lt3A_1133, %broadcast_in_dim3A_1125, %while3A_1105 : vector<256x1xi1>, vector<256x1xf32>
      %select_n3A_1135 = arith.select %lt3A_1133, %broadcast_in_dim3A_1132, %while3A_1106 : vector<256x1xi1>, vector<256x1xf32>
      scf.yield %select_n3A_1134, %select_n3A_1135 : vector<256x1xf32>, vector<256x1xf32>
    }
    %broadcast_in_dim3A_1006 = arith.constant 3.000000e+38 : f32
    %broadcast_in_dim3A_1007 = vector.broadcast %broadcast_in_dim3A_1006 : f32 to vector<256x1xf32>
    %broadcast_in_dim3A_1008 = arith.constant 3.000000e+38 : f32
    %broadcast_in_dim3A_1009 = vector.broadcast %broadcast_in_dim3A_1008 : f32 to vector<256x1xf32>
    %multiple_of3A_1010 = arith.constant 0 : i32
    %multiple_of3A_1011 = tpu.assume_multiple %multiple_of3A_1010, 1280 : i32
    %get3A_1012 = arith.constant 0 : index
    %get3A_1013 = arith.index_cast %multiple_of3A_1011 : i32 to index
    %get3A_1014 = vector.load %arg6[%get3A_1012, %get3A_1013] : memref<256x8960xf32, #tpu.memory_space<vmem>>, vector<256x1280xf32>
    %eq3A_1015 = vector.broadcast %while3A_1005#1 : vector<256x1xf32> to vector<256x1280xf32>
    %eq3A_1016 = arith.cmpf oeq, %get3A_1014, %eq3A_1015 : vector<256x1280xf32>
    %get3A_1017 = arith.constant 0 : index
    %get3A_1018 = arith.index_cast %multiple_of3A_1011 : i32 to index
    %get3A_1019 = vector.load %arg5[%get3A_1017, %get3A_1018] : memref<256x8960xf32, #tpu.memory_space<vmem>>, vector<256x1280xf32>
    %jit3A_1020 = arith.constant 3.000000e+38 : f32
    %broadcast_in_dim3A_1021 = vector.broadcast %jit3A_1020 : f32 to vector<256x1280xf32>
    %select_n3A_1022 = arith.select %eq3A_1016, %broadcast_in_dim3A_1021, %get3A_1019 : vector<256x1280xi1>, vector<256x1280xf32>
    %swap3A_1023 = arith.constant 0 : index
    %swap3A_1024 = arith.index_cast %multiple_of3A_1011 : i32 to index
    %swap3A_1025 = vector.load %arg5[%swap3A_1023, %swap3A_1024] : memref<256x8960xf32, #tpu.memory_space<vmem>>, vector<256x1280xf32>
    tpu.vector_store %arg5[%swap3A_1023, %swap3A_1024], %select_n3A_1022 {strides = array<i32>} : memref<256x8960xf32, #tpu.memory_space<vmem>>, vector<256x1280xf32>,
    %reduce_min3A_1026 = arith.constant dense<0x7F800000> : vector<256xf32>
    %reduce_min3A_1027 = vector.multi_reduction <minimumf>, %select_n3A_1022, %reduce_min3A_1026 [1] : vector<256x1280xf32> to vector<256xf32>
    %broadcast_in_dim3A_1028 = vector.shape_cast %reduce_min3A_1027 : vector<256xf32> to vector<256x1xf32>
    %eq3A_1029 = vector.broadcast %broadcast_in_dim3A_1028 : vector<256x1xf32> to vector<256x1280xf32>
    %eq3A_1030 = arith.cmpf oeq, %select_n3A_1022, %eq3A_1029 : vector<256x1280xf32>
    %jit3A_1031 = arith.constant 3.000000e+38 : f32
    %broadcast_in_dim3A_1032 = vector.broadcast %jit3A_1031 : f32 to vector<256x1280xf32>
    %select_n3A_1033 = arith.select %eq3A_1030, %get3A_1014, %broadcast_in_dim3A_1032 : vector<256x1280xi1>, vector<256x1280xf32>
    %reduce_min3A_1034 = arith.constant dense<0x7F800000> : vector<256xf32>
    %reduce_min3A_1035 = vector.multi_reduction <minimumf>, %select_n3A_1033, %reduce_min3A_1034 [1] : vector<256x1280xf32> to vector<256xf32>
    %broadcast_in_dim3A_1036 = vector.shape_cast %reduce_min3A_1035 : vector<256xf32> to vector<256x1xf32>
    %lt3A_1037 = arith.cmpf olt, %broadcast_in_dim3A_1028, %broadcast_in_dim3A_1007 : vector<256x1xf32>
    %select_n3A_1038 = arith.select %lt3A_1037, %broadcast_in_dim3A_1028, %broadcast_in_dim3A_1007 : vector<256x1xi1>, vector<256x1xf32>
    %select_n3A_1039 = arith.select %lt3A_1037, %broadcast_in_dim3A_1036, %broadcast_in_dim3A_1009 : vector<256x1xi1>, vector<256x1xf32>
    %while3A_1040 = arith.constant 3.000000e+38 : f32
    %while3A_1041 = arith.constant 1 : i32
    %while3A_1042 = arith.subi %get3A_4, %while3A_1041 : i32
    %while3A_1043 = arith.addi %while3A_1041, %while3A_1042 : i32
    %while3A_1044 = arith.constant 1 : i32
    %while3A_1045 = arith.divsi %while3A_1042, %while3A_1044 : i32
    %while3A_1046 = arith.muli %while3A_1045, %while3A_1044 : i32
    %while3A_1047 = arith.addi %while3A_1041, %while3A_1046 : i32
    %while3A_1048 = arith.constant 1 : i32
    %while3A_1049:2 = scf.for %while3A_1104 = %while3A_1041 to %while3A_1047 step %while3A_1048 iter_args(%while3A_1105 = %select_n3A_1038, %while3A_1106 = %select_n3A_1039) -> (vector<256x1xf32>, vector<256x1xf32>)  : i32 {
      %mul3A_1107 = arith.constant 1280 : i32
      %mul3A_1108 = arith.muli %while3A_1104, %mul3A_1107 : i32
      %multiple_of3A_1109 = tpu.assume_multiple %mul3A_1108, 1280 : i32
      %get3A_1110 = arith.constant 0 : index
      %get3A_1111 = arith.index_cast %multiple_of3A_1109 : i32 to index
      %get3A_1112 = vector.load %arg6[%get3A_1110, %get3A_1111] : memref<256x8960xf32, #tpu.memory_space<vmem>>, vector<256x1280xf32>
      %eq3A_1113 = vector.broadcast %while3A_1005#1 : vector<256x1xf32> to vector<256x1280xf32>
      %eq3A_1114 = arith.cmpf oeq, %get3A_1112, %eq3A_1113 : vector<256x1280xf32>
      %get3A_1115 = arith.constant 0 : index
      %get3A_1116 = arith.index_cast %multiple_of3A_1109 : i32 to index
      %get3A_1117 = vector.load %arg5[%get3A_1115, %get3A_1116] : memref<256x8960xf32, #tpu.memory_space<vmem>>, vector<256x1280xf32>
      %broadcast_in_dim3A_1118 = vector.broadcast %while3A_1040 : f32 to vector<256x1280xf32>
      %select_n3A_1119 = arith.select %eq3A_1114, %broadcast_in_dim3A_1118, %get3A_1117 : vector<256x1280xi1>, vector<256x1280xf32>
      %swap3A_1120 = arith.constant 0 : index
      %swap3A_1121 = arith.index_cast %multiple_of3A_1109 : i32 to index
      %swap3A_1122 = vector.load %arg5[%swap3A_1120, %swap3A_1121] : memref<256x8960xf32, #tpu.memory_space<vmem>>, vector<256x1280xf32>
      tpu.vector_store %arg5[%swap3A_1120, %swap3A_1121], %select_n3A_1119 {strides = array<i32>} : memref<256x8960xf32, #tpu.memory_space<vmem>>, vector<256x1280xf32>,
      %reduce_min3A_1123 = arith.constant dense<0x7F800000> : vector<256xf32>
      %reduce_min3A_1124 = vector.multi_reduction <minimumf>, %select_n3A_1119, %reduce_min3A_1123 [1] : vector<256x1280xf32> to vector<256xf32>
      %broadcast_in_dim3A_1125 = vector.shape_cast %reduce_min3A_1124 : vector<256xf32> to vector<256x1xf32>
      %eq3A_1126 = vector.broadcast %broadcast_in_dim3A_1125 : vector<256x1xf32> to vector<256x1280xf32>
      %eq3A_1127 = arith.cmpf oeq, %select_n3A_1119, %eq3A_1126 : vector<256x1280xf32>
      %broadcast_in_dim3A_1128 = vector.broadcast %while3A_1040 : f32 to vector<256x1280xf32>
      %select_n3A_1129 = arith.select %eq3A_1127, %get3A_1112, %broadcast_in_dim3A_1128 : vector<256x1280xi1>, vector<256x1280xf32>
      %reduce_min3A_1130 = arith.constant dense<0x7F800000> : vector<256xf32>
      %reduce_min3A_1131 = vector.multi_reduction <minimumf>, %select_n3A_1129, %reduce_min3A_1130 [1] : vector<256x1280xf32> to vector<256xf32>
      %broadcast_in_dim3A_1132 = vector.shape_cast %reduce_min3A_1131 : vector<256xf32> to vector<256x1xf32>
      %lt3A_1133 = arith.cmpf olt, %broadcast_in_dim3A_1125, %while3A_1105 : vector<256x1xf32>
      %select_n3A_1134 = arith.select %lt3A_1133, %broadcast_in_dim3A_1125, %while3A_1105 : vector<256x1xi1>, vector<256x1xf32>
      %select_n3A_1135 = arith.select %lt3A_1133, %broadcast_in_dim3A_1132, %while3A_1106 : vector<256x1xi1>, vector<256x1xf32>
      scf.yield %select_n3A_1134, %select_n3A_1135 : vector<256x1xf32>, vector<256x1xf32>
    }
    %while3A_1050 = arith.constant 1 : i32
    %while3A_1051:2 = scf.for %while3A_1104 = %while3A_1047 to %while3A_1043 step %while3A_1050 iter_args(%while3A_1105 = %while3A_1049#0, %while3A_1106 = %while3A_1049#1) -> (vector<256x1xf32>, vector<256x1xf32>)  : i32 {
      %mul3A_1107 = arith.constant 1280 : i32
      %mul3A_1108 = arith.muli %while3A_1104, %mul3A_1107 : i32
      %multiple_of3A_1109 = tpu.assume_multiple %mul3A_1108, 1280 : i32
      %get3A_1110 = arith.constant 0 : index
      %get3A_1111 = arith.index_cast %multiple_of3A_1109 : i32 to index
      %get3A_1112 = vector.load %arg6[%get3A_1110, %get3A_1111] : memref<256x8960xf32, #tpu.memory_space<vmem>>, vector<256x1280xf32>
      %eq3A_1113 = vector.broadcast %while3A_1005#1 : vector<256x1xf32> to vector<256x1280xf32>
      %eq3A_1114 = arith.cmpf oeq, %get3A_1112, %eq3A_1113 : vector<256x1280xf32>
      %get3A_1115 = arith.constant 0 : index
      %get3A_1116 = arith.index_cast %multiple_of3A_1109 : i32 to index
      %get3A_1117 = vector.load %arg5[%get3A_1115, %get3A_1116] : memref<256x8960xf32, #tpu.memory_space<vmem>>, vector<256x1280xf32>
      %broadcast_in_dim3A_1118 = vector.broadcast %while3A_1040 : f32 to vector<256x1280xf32>
      %select_n3A_1119 = arith.select %eq3A_1114, %broadcast_in_dim3A_1118, %get3A_1117 : vector<256x1280xi1>, vector<256x1280xf32>
      %swap3A_1120 = arith.constant 0 : index
      %swap3A_1121 = arith.index_cast %multiple_of3A_1109 : i32 to index
      %swap3A_1122 = vector.load %arg5[%swap3A_1120, %swap3A_1121] : memref<256x8960xf32, #tpu.memory_space<vmem>>, vector<256x1280xf32>
      tpu.vector_store %arg5[%swap3A_1120, %swap3A_1121], %select_n3A_1119 {strides = array<i32>} : memref<256x8960xf32, #tpu.memory_space<vmem>>, vector<256x1280xf32>,
      %reduce_min3A_1123 = arith.constant dense<0x7F800000> : vector<256xf32>
      %reduce_min3A_1124 = vector.multi_reduction <minimumf>, %select_n3A_1119, %reduce_min3A_1123 [1] : vector<256x1280xf32> to vector<256xf32>
      %broadcast_in_dim3A_1125 = vector.shape_cast %reduce_min3A_1124 : vector<256xf32> to vector<256x1xf32>
      %eq3A_1126 = vector.broadcast %broadcast_in_dim3A_1125 : vector<256x1xf32> to vector<256x1280xf32>
      %eq3A_1127 = arith.cmpf oeq, %select_n3A_1119, %eq3A_1126 : vector<256x1280xf32>
      %broadcast_in_dim3A_1128 = vector.broadcast %while3A_1040 : f32 to vector<256x1280xf32>
      %select_n3A_1129 = arith.select %eq3A_1127, %get3A_1112, %broadcast_in_dim3A_1128 : vector<256x1280xi1>, vector<256x1280xf32>
      %reduce_min3A_1130 = arith.constant dense<0x7F800000> : vector<256xf32>
      %reduce_min3A_1131 = vector.multi_reduction <minimumf>, %select_n3A_1129, %reduce_min3A_1130 [1] : vector<256x1280xf32> to vector<256xf32>
      %broadcast_in_dim3A_1132 = vector.shape_cast %reduce_min3A_1131 : vector<256xf32> to vector<256x1xf32>
      %lt3A_1133 = arith.cmpf olt, %broadcast_in_dim3A_1125, %while3A_1105 : vector<256x1xf32>
      %select_n3A_1134 = arith.select %lt3A_1133, %broadcast_in_dim3A_1125, %while3A_1105 : vector<256x1xi1>, vector<256x1xf32>
      %select_n3A_1135 = arith.select %lt3A_1133, %broadcast_in_dim3A_1132, %while3A_1106 : vector<256x1xi1>, vector<256x1xf32>
      scf.yield %select_n3A_1134, %select_n3A_1135 : vector<256x1xf32>, vector<256x1xf32>
    }
    %broadcast_in_dim3A_1052 = arith.constant 3.000000e+38 : f32
    %broadcast_in_dim3A_1053 = vector.broadcast %broadcast_in_dim3A_1052 : f32 to vector<256x1xf32>
    %broadcast_in_dim3A_1054 = arith.constant 3.000000e+38 : f32
    %broadcast_in_dim3A_1055 = vector.broadcast %broadcast_in_dim3A_1054 : f32 to vector<256x1xf32>
    %multiple_of3A_1056 = arith.constant 0 : i32
    %multiple_of3A_1057 = tpu.assume_multiple %multiple_of3A_1056, 1280 : i32
    %get3A_1058 = arith.constant 0 : index
    %get3A_1059 = arith.index_cast %multiple_of3A_1057 : i32 to index
    %get3A_1060 = vector.load %arg6[%get3A_1058, %get3A_1059] : memref<256x8960xf32, #tpu.memory_space<vmem>>, vector<256x1280xf32>
    %eq3A_1061 = vector.broadcast %while3A_1051#1 : vector<256x1xf32> to vector<256x1280xf32>
    %eq3A_1062 = arith.cmpf oeq, %get3A_1060, %eq3A_1061 : vector<256x1280xf32>
    %get3A_1063 = arith.constant 0 : index
    %get3A_1064 = arith.index_cast %multiple_of3A_1057 : i32 to index
    %get3A_1065 = vector.load %arg5[%get3A_1063, %get3A_1064] : memref<256x8960xf32, #tpu.memory_space<vmem>>, vector<256x1280xf32>
    %jit3A_1066 = arith.constant 3.000000e+38 : f32
    %broadcast_in_dim3A_1067 = vector.broadcast %jit3A_1066 : f32 to vector<256x1280xf32>
    %select_n3A_1068 = arith.select %eq3A_1062, %broadcast_in_dim3A_1067, %get3A_1065 : vector<256x1280xi1>, vector<256x1280xf32>
    %swap3A_1069 = arith.constant 0 : index
    %swap3A_1070 = arith.index_cast %multiple_of3A_1057 : i32 to index
    %swap3A_1071 = vector.load %arg5[%swap3A_1069, %swap3A_1070] : memref<256x8960xf32, #tpu.memory_space<vmem>>, vector<256x1280xf32>
    tpu.vector_store %arg5[%swap3A_1069, %swap3A_1070], %select_n3A_1068 {strides = array<i32>} : memref<256x8960xf32, #tpu.memory_space<vmem>>, vector<256x1280xf32>,
    %reduce_min3A_1072 = arith.constant dense<0x7F800000> : vector<256xf32>
    %reduce_min3A_1073 = vector.multi_reduction <minimumf>, %select_n3A_1068, %reduce_min3A_1072 [1] : vector<256x1280xf32> to vector<256xf32>
    %broadcast_in_dim3A_1074 = vector.shape_cast %reduce_min3A_1073 : vector<256xf32> to vector<256x1xf32>
    %eq3A_1075 = vector.broadcast %broadcast_in_dim3A_1074 : vector<256x1xf32> to vector<256x1280xf32>
    %eq3A_1076 = arith.cmpf oeq, %select_n3A_1068, %eq3A_1075 : vector<256x1280xf32>
    %jit3A_1077 = arith.constant 3.000000e+38 : f32
    %broadcast_in_dim3A_1078 = vector.broadcast %jit3A_1077 : f32 to vector<256x1280xf32>
    %select_n3A_1079 = arith.select %eq3A_1076, %get3A_1060, %broadcast_in_dim3A_1078 : vector<256x1280xi1>, vector<256x1280xf32>
    %reduce_min3A_1080 = arith.constant dense<0x7F800000> : vector<256xf32>
    %reduce_min3A_1081 = vector.multi_reduction <minimumf>, %select_n3A_1079, %reduce_min3A_1080 [1] : vector<256x1280xf32> to vector<256xf32>
    %broadcast_in_dim3A_1082 = vector.shape_cast %reduce_min3A_1081 : vector<256xf32> to vector<256x1xf32>
    %lt3A_1083 = arith.cmpf olt, %broadcast_in_dim3A_1074, %broadcast_in_dim3A_1053 : vector<256x1xf32>
    %select_n3A_1084 = arith.select %lt3A_1083, %broadcast_in_dim3A_1074, %broadcast_in_dim3A_1053 : vector<256x1xi1>, vector<256x1xf32>
    %select_n3A_1085 = arith.select %lt3A_1083, %broadcast_in_dim3A_1082, %broadcast_in_dim3A_1055 : vector<256x1xi1>, vector<256x1xf32>
    %while3A_1086 = arith.constant 3.000000e+38 : f32
    %while3A_1087 = arith.constant 1 : i32
    %while3A_1088 = arith.subi %get3A_4, %while3A_1087 : i32
    %while3A_1089 = arith.addi %while3A_1087, %while3A_1088 : i32
    %while3A_1090 = arith.constant 1 : i32
    %while3A_1091 = arith.divsi %while3A_1088, %while3A_1090 : i32
    %while3A_1092 = arith.muli %while3A_1091, %while3A_1090 : i32
    %while3A_1093 = arith.addi %while3A_1087, %while3A_1092 : i32
    %while3A_1094 = arith.constant 1 : i32
    %while3A_1095:2 = scf.for %while3A_1104 = %while3A_1087 to %while3A_1093 step %while3A_1094 iter_args(%while3A_1105 = %select_n3A_1084, %while3A_1106 = %select_n3A_1085) -> (vector<256x1xf32>, vector<256x1xf32>)  : i32 {
      %mul3A_1107 = arith.constant 1280 : i32
      %mul3A_1108 = arith.muli %while3A_1104, %mul3A_1107 : i32
      %multiple_of3A_1109 = tpu.assume_multiple %mul3A_1108, 1280 : i32
      %get3A_1110 = arith.constant 0 : index
      %get3A_1111 = arith.index_cast %multiple_of3A_1109 : i32 to index
      %get3A_1112 = vector.load %arg6[%get3A_1110, %get3A_1111] : memref<256x8960xf32, #tpu.memory_space<vmem>>, vector<256x1280xf32>
      %eq3A_1113 = vector.broadcast %while3A_1051#1 : vector<256x1xf32> to vector<256x1280xf32>
      %eq3A_1114 = arith.cmpf oeq, %get3A_1112, %eq3A_1113 : vector<256x1280xf32>
      %get3A_1115 = arith.constant 0 : index
      %get3A_1116 = arith.index_cast %multiple_of3A_1109 : i32 to index
      %get3A_1117 = vector.load %arg5[%get3A_1115, %get3A_1116] : memref<256x8960xf32, #tpu.memory_space<vmem>>, vector<256x1280xf32>
      %broadcast_in_dim3A_1118 = vector.broadcast %while3A_1086 : f32 to vector<256x1280xf32>
      %select_n3A_1119 = arith.select %eq3A_1114, %broadcast_in_dim3A_1118, %get3A_1117 : vector<256x1280xi1>, vector<256x1280xf32>
      %swap3A_1120 = arith.constant 0 : index
      %swap3A_1121 = arith.index_cast %multiple_of3A_1109 : i32 to index
      %swap3A_1122 = vector.load %arg5[%swap3A_1120, %swap3A_1121] : memref<256x8960xf32, #tpu.memory_space<vmem>>, vector<256x1280xf32>
      tpu.vector_store %arg5[%swap3A_1120, %swap3A_1121], %select_n3A_1119 {strides = array<i32>} : memref<256x8960xf32, #tpu.memory_space<vmem>>, vector<256x1280xf32>,
      %reduce_min3A_1123 = arith.constant dense<0x7F800000> : vector<256xf32>
      %reduce_min3A_1124 = vector.multi_reduction <minimumf>, %select_n3A_1119, %reduce_min3A_1123 [1] : vector<256x1280xf32> to vector<256xf32>
      %broadcast_in_dim3A_1125 = vector.shape_cast %reduce_min3A_1124 : vector<256xf32> to vector<256x1xf32>
      %eq3A_1126 = vector.broadcast %broadcast_in_dim3A_1125 : vector<256x1xf32> to vector<256x1280xf32>
      %eq3A_1127 = arith.cmpf oeq, %select_n3A_1119, %eq3A_1126 : vector<256x1280xf32>
      %broadcast_in_dim3A_1128 = vector.broadcast %while3A_1086 : f32 to vector<256x1280xf32>
      %select_n3A_1129 = arith.select %eq3A_1127, %get3A_1112, %broadcast_in_dim3A_1128 : vector<256x1280xi1>, vector<256x1280xf32>
      %reduce_min3A_1130 = arith.constant dense<0x7F800000> : vector<256xf32>
      %reduce_min3A_1131 = vector.multi_reduction <minimumf>, %select_n3A_1129, %reduce_min3A_1130 [1] : vector<256x1280xf32> to vector<256xf32>
      %broadcast_in_dim3A_1132 = vector.shape_cast %reduce_min3A_1131 : vector<256xf32> to vector<256x1xf32>
      %lt3A_1133 = arith.cmpf olt, %broadcast_in_dim3A_1125, %while3A_1105 : vector<256x1xf32>
      %select_n3A_1134 = arith.select %lt3A_1133, %broadcast_in_dim3A_1125, %while3A_1105 : vector<256x1xi1>, vector<256x1xf32>
      %select_n3A_1135 = arith.select %lt3A_1133, %broadcast_in_dim3A_1132, %while3A_1106 : vector<256x1xi1>, vector<256x1xf32>
      scf.yield %select_n3A_1134, %select_n3A_1135 : vector<256x1xf32>, vector<256x1xf32>
    }
    %while3A_1096 = arith.constant 1 : i32
    %while3A_1097:2 = scf.for %while3A_1104 = %while3A_1093 to %while3A_1089 step %while3A_1096 iter_args(%while3A_1105 = %while3A_1095#0, %while3A_1106 = %while3A_1095#1) -> (vector<256x1xf32>, vector<256x1xf32>)  : i32 {
      %mul3A_1107 = arith.constant 1280 : i32
      %mul3A_1108 = arith.muli %while3A_1104, %mul3A_1107 : i32
      %multiple_of3A_1109 = tpu.assume_multiple %mul3A_1108, 1280 : i32
      %get3A_1110 = arith.constant 0 : index
      %get3A_1111 = arith.index_cast %multiple_of3A_1109 : i32 to index
      %get3A_1112 = vector.load %arg6[%get3A_1110, %get3A_1111] : memref<256x8960xf32, #tpu.memory_space<vmem>>, vector<256x1280xf32>
      %eq3A_1113 = vector.broadcast %while3A_1051#1 : vector<256x1xf32> to vector<256x1280xf32>
      %eq3A_1114 = arith.cmpf oeq, %get3A_1112, %eq3A_1113 : vector<256x1280xf32>
      %get3A_1115 = arith.constant 0 : index
      %get3A_1116 = arith.index_cast %multiple_of3A_1109 : i32 to index
      %get3A_1117 = vector.load %arg5[%get3A_1115, %get3A_1116] : memref<256x8960xf32, #tpu.memory_space<vmem>>, vector<256x1280xf32>
      %broadcast_in_dim3A_1118 = vector.broadcast %while3A_1086 : f32 to vector<256x1280xf32>
      %select_n3A_1119 = arith.select %eq3A_1114, %broadcast_in_dim3A_1118, %get3A_1117 : vector<256x1280xi1>, vector<256x1280xf32>
      %swap3A_1120 = arith.constant 0 : index
      %swap3A_1121 = arith.index_cast %multiple_of3A_1109 : i32 to index
      %swap3A_1122 = vector.load %arg5[%swap3A_1120, %swap3A_1121] : memref<256x8960xf32, #tpu.memory_space<vmem>>, vector<256x1280xf32>
      tpu.vector_store %arg5[%swap3A_1120, %swap3A_1121], %select_n3A_1119 {strides = array<i32>} : memref<256x8960xf32, #tpu.memory_space<vmem>>, vector<256x1280xf32>,
      %reduce_min3A_1123 = arith.constant dense<0x7F800000> : vector<256xf32>
      %reduce_min3A_1124 = vector.multi_reduction <minimumf>, %select_n3A_1119, %reduce_min3A_1123 [1] : vector<256x1280xf32> to vector<256xf32>
      %broadcast_in_dim3A_1125 = vector.shape_cast %reduce_min3A_1124 : vector<256xf32> to vector<256x1xf32>
      %eq3A_1126 = vector.broadcast %broadcast_in_dim3A_1125 : vector<256x1xf32> to vector<256x1280xf32>
      %eq3A_1127 = arith.cmpf oeq, %select_n3A_1119, %eq3A_1126 : vector<256x1280xf32>
      %broadcast_in_dim3A_1128 = vector.broadcast %while3A_1086 : f32 to vector<256x1280xf32>
      %select_n3A_1129 = arith.select %eq3A_1127, %get3A_1112, %broadcast_in_dim3A_1128 : vector<256x1280xi1>, vector<256x1280xf32>
      %reduce_min3A_1130 = arith.constant dense<0x7F800000> : vector<256xf32>
      %reduce_min3A_1131 = vector.multi_reduction <minimumf>, %select_n3A_1129, %reduce_min3A_1130 [1] : vector<256x1280xf32> to vector<256xf32>
      %broadcast_in_dim3A_1132 = vector.shape_cast %reduce_min3A_1131 : vector<256xf32> to vector<256x1xf32>
      %lt3A_1133 = arith.cmpf olt, %broadcast_in_dim3A_1125, %while3A_1105 : vector<256x1xf32>
      %select_n3A_1134 = arith.select %lt3A_1133, %broadcast_in_dim3A_1125, %while3A_1105 : vector<256x1xi1>, vector<256x1xf32>
      %select_n3A_1135 = arith.select %lt3A_1133, %broadcast_in_dim3A_1132, %while3A_1106 : vector<256x1xi1>, vector<256x1xf32>
      scf.yield %select_n3A_1134, %select_n3A_1135 : vector<256x1xf32>, vector<256x1xf32>
    }
    %broadcast_in_dim3A_1098 = arith.constant 0.000000e+00 : f32
    %broadcast_in_dim3A_1099 = vector.broadcast %broadcast_in_dim3A_1098 : f32 to vector<256x8xf32>
    %concatenate3A = tpu.concatenate %convert_element_type3A_85, %while3A_84#1, %while3A_131#1, %while3A_177#1, %while3A_223#1, %while3A_269#1, %while3A_315#1, %while3A_361#1, %while3A_407#1, %while3A_453#1, %while3A_499#1, %while3A_545#1, %while3A_591#1, %while3A_637#1, %while3A_683#1, %while3A_729#1, %while3A_775#1, %while3A_821#1, %while3A_867#1, %while3A_913#1, %while3A_959#1, %while3A_1005#1, %while3A_1051#1, %while3A_1097#1, %broadcast_in_dim3A_1099 in 1 : vector<256x1xf32>, vector<256x1xf32>, vector<256x1xf32>, vector<256x1xf32>, vector<256x1xf32>, vector<256x1xf32>, vector<256x1xf32>, vector<256x1xf32>, vector<256x1xf32>, vector<256x1xf32>, vector<256x1xf32>, vector<256x1xf32>, vector<256x1xf32>, vector<256x1xf32>, vector<256x1xf32>, vector<256x1xf32>, vector<256x1xf32>, vector<256x1xf32>, vector<256x1xf32>, vector<256x1xf32>, vector<256x1xf32>, vector<256x1xf32>, vector<256x1xf32>, vector<256x1xf32>, vector<256x8xf32> -> vector<256x32xf32>
    %convert_element_type3A_1100 = arith.fptosi %concatenate3A : vector<256x32xf32> to vector<256x32xi32>
    %swap3A_1101 = arith.constant 0 : index
    %swap3A_1102 = arith.constant 0 : index
    %swap3A_1103 = vector.load %arg4[%swap3A_1101, %swap3A_1102] : memref<256x32xi32, #tpu.memory_space<vmem>>, vector<256x32xi32>
    tpu.vector_store %arg4[%swap3A_1101, %swap3A_1102], %convert_element_type3A_1100 {strides = array<i32>} : memref<256x32xi32, #tpu.memory_space<vmem>>, vector<256x32xi32>,
    return
  }
  func.func @transform_0(%arg0: i32, %arg1: memref<32x2xi32, #tpu.memory_space<smem>>) -> (i32, i32) {
    %c0_i32 = arith.constant 0 : i32
    %c0_i32_0 = arith.constant 0 : i32
    return %arg0, %c0_i32 : i32, i32
  }
  func.func @transform_1(%arg0: i32, %arg1: memref<32x2xi32, #tpu.memory_space<smem>>) -> (i32, i32) {
    %c0_i32 = arith.constant 0 : i32
    %c0_i32_0 = arith.constant 0 : i32
    %c0_i32_1 = arith.constant 0 : i32
    return %c0_i32, %c0_i32_0 : i32, i32
  }
  func.func @transform_2(%arg0: i32, %arg1: memref<32x2xi32, #tpu.memory_space<smem>>) -> (i32, i32) {
    %c0_i32 = arith.constant 0 : i32
    %c0_i32_0 = arith.constant 0 : i32
    return %arg0, %c0_i32 : i32, i32
  }
}

</mosaic_0001>

<sc_bundles>
// kernel: kernel.5.cloned.1.call-start
scs
__scs_entry_jumppad:
0x0: {  	(pc) =	sbr.rel $0x88, $3  }
0x1: {  	(tag) =	ssettag $0x0;
	lr =	simm.s32 $0x1  }
0x2: {  	[smem:$0x3F9C] =	sst lr;
	_ =	strace $0xD0000000  }
0x3: {  	_ = 	snop  }
0x4: {  	_ = 	snop  }
0x5: {  	_ = 	snop  }
0x6: {  	_ = 	snop  }
0x7: {  	_ = 	snop  }
__scs_overlays_trampoline_lowered:
0x8: {  	[smem:$0x3FAB] =	sst s0  }
0x9: {  	[smem:$0x3FAC] =	sst s1  }
0xa: {  	[smem:$0x3FAD] =	sst s2  }
0xb: {  	[smem:$0x3FAE] =	sst s3  }
0xc: {  	[smem:$0x3FAF] =	sst s4  }
0xd: {  	[smem:$0x3FB0] =	sst s5  }
0xe: {  	[smem:$0x3FB1] =	sst s6  }
0xf: {  	[smem:$0x3FB2] =	sst s7  }
0x10: {  	[smem:$0x3FB3] =	sst s8  }
0x11: {  	[smem:$0x3FB4] =	sst s9;
	s0 =	simm.s32 @!p0 $0x0  }
0x12: {  	s1 =	sld [smem:$0x3F9A];
	s0 =	simm.s32 @p0 $0x1  }
0x13: {  	[smem:$0x3FB5] =	sst s0;
	s0 =	simm.s32 @!p1 $0x0  }
0x14: {  	s2 =	sld [smem:$0x3F99];
	s0 =	simm.s32 @p1 $0x1  }
0x15: {  	[smem:$0x3FB6] =	sst s0;
	s0 =	simm.s32 @!p2 $0x0  }
0x16: {  	s3 =	sld [smem:$0x3FDB];
	s0 =	simm.s32 @p2 $0x1  }
0x17: {  	s4 =	simm.s32 $0x1BF5;
	[smem:$0x3FB8] =	sst s0  }
0x18: {  	s0 =	sld [smem:$0x3F9B];
	_ =	swait.ge [sflag:s4], $0x0  }
0x19: {  	s7 =	sld [smem:$0x3F9C]  }
0x1a: {  	s8 =	sadd.s32 $0xFFFFE003, lr  }
0x1b: {  	s9 =	sadd.s32 $0xFFFFFEF7, lr;
	s5 =	simm.s32 $0xFFFFFFFF;
	p2 =	slt.u32 s8, $0xFFFFF086  }
0x1c: {  	p1 =	slt.u32 s9, $0xF7A;
	s5 =	simm.s32 @!p2 $0x0  }
0x1d: {  	s5 =	simm.s32 @p1 $0x1;
	p0 =	seq.s32 s7, s2  }
0x1e: {  	s7 =	smul.u32 @!p0 $0xF7A, s2;
	p2 =	seq.s32 @!p0 s5, $0x0  }
0x1f: {  	s9 =	smul.u32 $0xF7A, s1;
	s8 =	simm.s32 @!p0 $0x1BF5;
	p2 =	por !p2, p0  }
0x20: {  	[sflag:s8] =	ssyncset.s32 @!p0 $0xFFFFF086;
	s6 =	sadd.s32 @!p0 s3, s7;
	s7 =	simm.s32 @!p0 $0x108  }
0x21: {  	s3 =	sadd.s32 s3, s9;
	s6 =	sadd.s32 @!p0 $0x88, s6;
	s7 =	simm.s32 @p2 $0x1082  }
0x22: {  	[simem:s7], [sflag:s8] =	dma.local @!p0 [hbm:s6], $0xF7A  }
0x23: {  	s9 =	sor.u32 $0xD0000000, s2;
	s6 =	simm.s32 $0x108;
	_ =	swait.ge @!p0 [sflag:s8], $0x0  }
0x24: {  	s3 =	sadd.s32 $0x88, s3;
	s6 =	simm.s32 @!p1 $0x1082;
	[sflag:s4] =	ssyncset.s32 $0xFFFFF086  }
0x25: {  	[simem:s6], [sflag:s4] =	dma.local [hbm:s3], $0xF7A  }
0x26: {  	[smem:$0x3F9C] =	sst s1;
	(tag) =	ssettag s2;
	_ =	strace s9  }
0x27: {  	s1 =	sld [smem:$0x3FAC]  }
0x28: {  	s2 =	sld [smem:$0x3FAD]  }
0x29: {  	s4 =	sld [smem:$0x3FAF]  }
0x2a: {  	p0 =	seq.s32 s5, $0x0;
	s5 =	sld [smem:$0x3FB0]  }
0x2b: {  	s6 =	sld [smem:$0x3FB1]  }
0x2c: {  	s7 =	sld [smem:$0x3FB2]  }
0x2d: {  	s3 =	simm.s32 $0x108;
	s8 =	sld [smem:$0x3FB3]  }
0x2e: {  	s3 =	simm.s32 @!p0 $0x1082;
	s9 =	sld [smem:$0x3FB4]  }
0x2f: {  	lr =	sadd.s32 s0, s3;
	s0 =	sld [smem:$0x3FAB]  }
0x30: {  	s3 =	sld [smem:$0x3FAE]  }
0x31: {  	[smem:$0x3FB7] =	sst s10  }
0x32: {  	s10 =	sld [smem:$0x3FB5];
	_ =	sdelay $0x3  }
0x33: {  	p0 =	seq.s32 s10, $0x1;
	s10 =	sld [smem:$0x3FB7];
	_ =	sdelay $0x3  }
0x34: {  	[smem:$0x3FB7] =	sst s10  }
0x35: {  	s10 =	sld [smem:$0x3FB6];
	_ =	sdelay $0x3  }
0x36: {  	p1 =	seq.s32 s10, $0x1;
	s10 =	sld [smem:$0x3FB7];
	_ =	sdelay $0x3  }
0x37: {  	[smem:$0x3FB7] =	sst s10  }
0x38: {  	s10 =	sld [smem:$0x3FB8]  }
0x39: {  	_ = 	snop;
	(pc) =	sbr.ind lr, $3  }
0x3a: {  	_ = 	snop  }
0x3b: {  	_ = 	snop  }
0x3c: {  	p2 =	seq.s32 s10, $0x1;
	s10 =	sld [smem:$0x3FB7]  }
0x3d: {  	_ =	shalt  }
0x3e: {  	_ =	shalt  }
0x3f: {  	_ =	shalt  }
0x40: {  	_ =	shalt  }
0x41: {  	_ =	shalt  }
0x42: {  	_ =	shalt  }
0x43: {  	_ =	shalt  }
0x44: {  	_ =	shalt  }
0x45: {  	_ =	shalt  }
0x46: {  	_ =	shalt  }
0x47: {  	_ =	shalt  }
0x48: {  	_ =	shalt  }
0x49: {  	_ =	shalt  }
0x4a: {  	_ =	shalt  }
0x4b: {  	_ =	shalt  }
0x4c: {  	_ =	shalt  }
0x4d: {  	_ =	shalt  }
0x4e: {  	_ =	shalt  }
0x4f: {  	_ =	shalt  }
0x50: {  	_ =	shalt  }
0x51: {  	_ =	shalt  }
0x52: {  	_ =	shalt  }
0x53: {  	_ =	shalt  }
0x54: {  	_ =	shalt  }
0x55: {  	_ =	shalt  }
0x56: {  	_ =	shalt  }
0x57: {  	_ =	shalt  }
0x58: {  	_ =	shalt  }
0x59: {  	_ =	shalt  }
0x5a: {  	_ =	shalt  }
0x5b: {  	_ =	shalt  }
0x5c: {  	_ =	shalt  }
0x5d: {  	_ =	shalt  }
0x5e: {  	_ =	shalt  }
0x5f: {  	_ =	shalt  }
0x60: {  	_ =	shalt  }
0x61: {  	_ =	shalt  }
0x62: {  	_ =	shalt  }
0x63: {  	_ =	shalt  }
0x64: {  	_ =	shalt  }
0x65: {  	_ =	shalt  }
0x66: {  	_ =	shalt  }
0x67: {  	_ =	shalt  }
0x68: {  	_ =	shalt  }
0x69: {  	_ =	shalt  }
0x6a: {  	_ =	shalt  }
0x6b: {  	_ =	shalt  }
0x6c: {  	_ =	shalt  }
0x6d: {  	_ =	shalt  }
0x6e: {  	_ =	shalt  }
0x6f: {  	_ =	shalt  }
0x70: {  	_ =	shalt  }
0x71: {  	_ =	shalt  }
0x72: {  	_ =	shalt  }
0x73: {  	_ =	shalt  }
0x74: {  	_ =	shalt  }
0x75: {  	_ =	shalt  }
0x76: {  	_ =	shalt  }
0x77: {  	_ =	shalt  }
0x78: {  	_ =	shalt  }
0x79: {  	_ =	shalt  }
0x7a: {  	_ =	shalt  }
0x7b: {  	_ =	shalt  }
0x7c: {  	_ =	shalt  }
0x7d: {  	_ =	shalt  }
0x7e: {  	_ =	shalt  }
0x7f: {  	_ =	shalt  }
0x80: {  	_ =	shalt  }
0x81: {  	_ =	shalt  }
0x82: {  	_ =	shalt  }
0x83: {  	_ =	shalt  }
0x84: {  	_ =	shalt  }
0x85: {  	_ =	shalt  }
0x86: {  	_ =	shalt  }
0x87: {  	_ =	shalt  }
.Lfunc_end0:
.L_simem_size_0:
called_computation_lowered:
.L_overlay_start_0:
0x88: {  	s2 =	sld [smem:$0x3FD9]  }
0x89: {  	s3 =	sld [smem:$0x3FFE];
	_ =	sdelay $0x1  }
0x8a: {  	s1 =	srdreg.scid  }
0x8b: {  	s0 =	sand.u32 $0x1, s1  }
0x8c: {  	s14 =	sshll.u32 s0, $0xA;
	s2 =	sadd.s32 s3, s2  }
0x8d: {  	s2 =	sadd.s32 s2, s14  }
0x8e: {  	[smem:$0x3FC3] =	sst s2  }
0x8f: {  	_ = 	snop  }
0x90: {  	s2 =	sld [smem:$0x3FD0];
	_ =	sdelay $0x2  }
0x91: {  	s4 =	simm.s32 $0xA;
	s5 =	simm.s32 $0x10;
	s15 =	sld [smem:$0x3FC6]  }
0x92: {  	[smem:s5], [sflag:s4] =	dma.local [hbm:s2], $0x1  }
0x93: {  	_ =	swait.eq [sflag:s4], $0x1  }
0x94: {  	[sflag:s4] =	ssyncset.done $0x0  }
0x95: {  	[sflag:s4] =	ssyncadd.s32 $0xFFFFFFFF  }
0x96: {  	s16 =	sld [smem:$0x10];
	(tm) =	ssettm $0x1  }
0x97: {  	s17 =	sld [smem:$0x3FFB];
	_ =	sdelay $0x3  }
0x98: {  	_ =	strace s17  }
0x99: {  	s4 =	sld [smem:$0x3FFC];
	_ =	sdelay $0x3  }
0x9a: {  	_ =	strace s4  }
0x9b: {  	s4 =	sld [smem:$0x3FFD];
	_ =	sdelay $0x3  }
0x9c: {  	_ =	strace s4  }
0x9d: {  	_ =	strace $0x8FFFFFFF  }
0x9e: {  	s18 =	sld [smem:$0x3FDB];
	_ =	sdelay $0x1  }
0x9f: {  	s19 =	simm.s32 $_scs_section_size  }
0xa0: {  	s6 =	simm.s32 $_size__tile_overlayer_lowered;
	s7 =	simm.s32 $_tile_overlayer_lowered  }
0xa1: {  	s22 =	simm.s32 $0x1BFF;
	s21 =	sshll.u32 s7, $0x1;
	s4 =	sadd.s32 s19, s18  }
0xa2: {  	s8 =	simm.s32 $0x0;
	s20 =	sshll.u32 s6, $0x1;
	s6 =	sadd.s32 s21, s4  }
0xa3: {  	[timem:s8], [sflag:s22] =	dma.local [hbm:s6], s20  }
0xa4: {  	_ =	swait.ge [sflag:s22], s20  }
0xa5: {  	s5 =	ssub.s32 $0x0, s20;
	[sflag:s22] =	ssyncset.done $0x0  }
0xa6: {  	[sflag:s22] =	ssyncadd.s32 s5;
	_ =	sdelay $0x1  }
0xa7: {  	s23 =	simm.s32 $0x1B8B  }
0xa8: {  	_ =	swait.ge [sflag:s23], $0x1  }
0xa9: {  	[sflag:s23] =	ssyncset.done $0x0  }
0xaa: {  	s25 =	simm.s32 $0x1B8E;
	s24 =	sld [smem:$0x3FFE];
	[sflag:s23] =	ssyncadd.s32 $0xFFFFFFFF  }
0xab: {  	s26 =	simm.s32 $execute0_lowered;
	[smem:$0x3FD2] =	sst s25  }
0xac: {  	s6 =	sshll.u32 s26, $0x1;
	_ =	strace $0x80000046;
	[dreg:$0x1] =	wrdreg $0xFFFFFFFF  }
0xad: {  	s28 =	simm.s32 $_size_execute0_lowered;
	s4 =	sadd.s32 s4, s6;
	[dreg:$0x0] =	wrdreg $0x0  }
0xae: {  	s6 =	sshll.u32 s28, $0x1;
	[dreg:$0x2] =	wrdreg s4  }
0xaf: {  	[dreg:$0x3] =	wrdreg s6  }
0xb0: {  	[dreg:$0x4] =	wrdreg $0xC0  }
0xb1: {  	_ =	task [dreg:s8], $0x5FFFF  }
0xb2: {  	[dreg:$0x1] =	wrdreg $0xFFFFFFFF  }
0xb3: {  	[dreg:$0x0] =	wrdreg $0x60  }
0xb4: {  	[dreg:$0x2] =	wrdreg s24  }
0xb5: {  	[dreg:$0x3] =	wrdreg s15  }
0xb6: {  	[dreg:$0x4] =	wrdreg s16  }
0xb7: {  	[dreg:$0x5] =	wrdreg $0x9  }
0xb8: {  	_ =	task.clear_ibuf [dreg:s8], $0x6FFFF;
	_ =	strace $0x90000046  }
0xb9: {  	s29 =	simm.s32 $0x9;
	_ =	strace $0x80000048  }
0xba: {  	_ =	swait.ge [sflag:s29], $0x1  }
0xbb: {  	[sflag:s29] =	ssyncadd.s32 $0xFFFFFFFF  }
0xbc: {  	_ =	strace $0x90000048  }
0xbd: {  	_ =	sfence  }
0xbe: {  	s30 =	sld [smem:$0x0];
	_ =	sdelay $0x2  }
0xbf: {  	s31 =	sshll.u32 s1, $0xD;
	s1 =	sshrl.u32 s1, $0x2  }
0xc0: {  	s3 =	sand.u32 $0x4000, s31;
	s1 =	sadd.s32 s1, s30  }
0xc1: {  	s0 =	sor.u32 s3, s0;
	s1 =	sshll.u32 s1, $0x11  }
0xc2: {  	s0 =	sor.u32 s1, s0  }
0xc3: {  	s0 =	sadd.s32 $0x8F2B, s0  }
0xc4: {  	[sflag:s0] =	ssyncadd.remote.s32 $0x1  }
0xc5: {  	_ =	sfence.sel $0xFFFF  }
0xc6: {  	[dreg:$0x0] =	wrdreg $0xFFFFFFFF;
	(pc) =	sbr.abs _section_cstart, $3  }
0xc7: {  	[dreg:$0x1] =	wrdreg $0xFFFFFFFF  }
0xc8: {  	_ =	task.clear_ibuf [dreg:s8], $0x2FFFF;
	_ =	strace $0x9FFFFFFF  }
0xc9: {  	(tm) =	ssettm $0x7FFFFFFF  }
tec
execute0_lowered:
.L_overlay_start_1:
0x0: {  	(tag) =	ssettag $0x1  }
0x1: {  	s5 =	rddreg [dreg:$0x0];
	s1 =	srdreg.scid  }
0x2: {  	s3 =	rddreg [dreg:$0x1];
	s0 =	stileid.u32;
	s9 =	sand.u32 $0x1, s1  }
0x3: {  	s10 =	rddreg [dreg:$0x2];
	s4 =	sshll.u32 s0, $0x9;
	s6 =	sshll.u32 s9, $0x8  }
0x4: {  	s2 =	simm.s32 $0x0;
	s1 =	rddreg [dreg:$0x3];
	s11 =	sor.u32 s6, s4  }
0x5: {  	[smem:$0x7FF] =	sst s2;
	s4 =	sshrl.u32 s11, $0x3  }
0x6: {  	_ =	strace $0x80000047;
	s4 =	sadd.s32 s3, s4;
	s3 =	simm.s32 $0x2  }
0x7: {  	[tilespmem:s2], [sflag:$0x2] =	stream.linear.gather [hbm4b:s4+s2], $0x100, $0x38;
	[tilespmem:$0x8100] =	vst v63  }
0x8: {  	s7 =	simm.s32 $0x100;
	_ =	swait.ge [sflag:s3], $0x100  }
0x9: {  	s8 =	simm.s32 $0x1;
	s5 =	sadd.s32 $0x600, s5;
	[sflag:s3] =	ssyncset.done $0x0  }
0xa: {  	s12 =	ssub.s32 $0x2, s9;
	s6 =	simm.s32 $0x80;
	[sflag:s3] =	ssyncadd.s32 $0xFFFFFF00  }
0xb: {  	[tilespmem:s7], [sflag:$0x1] =	stream.indirect.gather [hbm4b:s5+s6], $0x80, s2, s6, $0xb8;
	[tilespmem:$0x8100] =	vst v63  }
0xc: {  	s13 =	sshrl.u32 s12, $0x1;
	_ =	swait.ge [sflag:s8], $0x4000  }
0xd: {  	s12 =	ssub.s32 s12, s13;
	[sflag:s8] =	ssyncset.done $0x0  }
0xe: {  	s9 =	simm.s32 $0x4100;
	s31 =	smax.u32 s12, $0x1;
	[sflag:s8] =	ssyncadd.s32 $0xFFFFC000  }
0xf: {  	[tilespmem:s9], [sflag:$0x1] =	stream.indirect.gather [hbm4b:s5+s6], $0x80, s6, s6, $0xb8;
	[tilespmem:$0x8100] =	vst v63  }
0x10: {  	p0 =	sne.s32 s31, $0x1;
	_ =	swait.ge [sflag:s8], $0x4000  }
.Ltmp0:
0x11: {  	s11 =	sshll.u32 s11, $0x4;
	[sflag:s8] =	ssyncset.done $0x0;
	(pc) =	sbr.rel @!p0 .LBB2_2-.Ltmp0, $4  }
0x12: {  	s10 =	sadd.s32 s10, s11;
	[sflag:s8] =	ssyncadd.s32 $0xFFFFC000  }
0x13: {  	[hbm4b:s10+s2] =	stream.linear.scatter [tilespmem:s7], [sflag:$0x2], $0x8000, $0x38;
	[tilespmem:$0x8100] =	vst v63  }
0x14: {  	_ =	swait.ge [sflag:s3], $0x8000  }
0x15: {  	s11 =	sadd.s32 $0xFFFFFFFF, s31;
	[sflag:s3] =	ssyncset.done $0x0  }
.LBB2_1:
0x16: {  	p0 =	sne.s32 s11, $0x1;
	s11 =	sadd.s32 $0xFFFFFFFF, s11;
	[sflag:s3] =	ssyncadd.s32 $0xFFFF8000  }
0x17: {  	[tilespmem:s2], [sflag:$0x2] =	stream.linear.gather [hbm4b:s4+s2], $0x100, $0x38;
	[tilespmem:$0x8100] =	vst v63  }
0x18: {  	_ =	swait.ge [sflag:s3], $0x100  }
0x19: {  	[sflag:s3] =	ssyncset.done $0x0  }
0x1a: {  	[sflag:s3] =	ssyncadd.s32 $0xFFFFFF00  }
0x1b: {  	[tilespmem:s7], [sflag:$0x1] =	stream.indirect.gather [hbm4b:s5+s6], $0x80, s2, s6, $0xb8;
	[tilespmem:$0x8100] =	vst v63  }
0x1c: {  	_ =	swait.ge [sflag:s8], $0x4000  }
0x1d: {  	[sflag:s8] =	ssyncset.done $0x0  }
0x1e: {  	[sflag:s8] =	ssyncadd.s32 $0xFFFFC000  }
0x1f: {  	[tilespmem:s9], [sflag:$0x1] =	stream.indirect.gather [hbm4b:s5+s6], $0x80, s6, s6, $0xb8;
	[tilespmem:$0x8100] =	vst v63  }
0x20: {  	_ =	swait.ge [sflag:s8], $0x4000  }
.Ltmp1:
0x21: {  	[sflag:s8] =	ssyncset.done $0x0;
	(pc) =	sbr.rel @p0 .LBB2_1-.Ltmp1, $4  }
0x22: {  	[sflag:s8] =	ssyncadd.s32 $0xFFFFC000  }
0x23: {  	[hbm4b:s10+s2] =	stream.linear.scatter [tilespmem:s7], [sflag:$0x2], $0x8000, $0x38;
	[tilespmem:$0x8100] =	vst v63  }
0x24: {  	_ =	swait.ge [sflag:s3], $0x8000  }
0x25: {  	[sflag:s3] =	ssyncset.done $0x0  }
.LBB2_2:
0x26: {  	[sflag:s3] =	ssyncadd.s32 $0xFFFF8000  }
0x27: {  	_ =	sfence.sel $0x180000  }
0x28: {  	[bflag:$0x0] =	sbarrier.arrive $0xFFFF  }
0x29: {  	p0 =	sne.s32 s0, $0x0;
	_ =	strace $0x90000047  }
0x2a: {  	s0 =	sadd.s32 @!p0 $0x100000, s1;
	[bflag:$0x2] =	sbarrier.arrive $0xFFFF  }
0x2b: {  	[sflag:s0] =	ssyncadd.tile.s32 @!p0 $0x1;
	_ =	shalt  }
.Lfunc_end2:
_tile_overlayer_lowered:
.L_overlay_start_2:
0x2c: {  	(tag) =	ssettag $0x2  }
0x2d: {  	s0 =	rddreg [dreg:$0x0];
	s2 =	stileid.u32  }
0x2e: {  	s1 =	rddreg [dreg:$0x1];
	p0 =	sne.s32 s2, $0x0  }
0x2f: {  	s3 =	rddreg [dreg:$0x2];
	[bflag:$0x3] =	sbarrier.arrive $0xFFFF;
	s2 =	simm.s32 @!p0 $0x1C02  }
0x30: {  	[timem:s3], [sflag:s2] =	dma.local @!p0 [hbm:s0], s1  }
0x31: {  	s0 =	simm.s32 @!p0 $0x2  }
0x32: {  	_ =	swait.ge @!p0 [sflag:s0], s1  }
0x33: {  	s1 =	ssub.s32 @!p0 $0x0, s1;
	[sflag:s0] =	ssyncset.done @!p0 $0x0  }
0x34: {  	[sflag:s0] =	ssyncadd.s32 @!p0 s1  }
0x35: {  	[bflag:$0x3] =	sbarrier.arrive $0xFFFF  }
0x36: {  	_ =	shalt  }

// kernel: kernel.8.cloned.1.call-start
scs
__scs_entry_jumppad:
0x0: {  	(pc) =	sbr.rel $0x88, $3  }
0x1: {  	(tag) =	ssettag $0x0;
	lr =	simm.s32 $0x1  }
0x2: {  	[smem:$0x3F9C] =	sst lr;
	_ =	strace $0xD0000000  }
0x3: {  	_ = 	snop  }
0x4: {  	_ = 	snop  }
0x5: {  	_ = 	snop  }
0x6: {  	_ = 	snop  }
0x7: {  	_ = 	snop  }
__scs_overlays_trampoline_lowered:
0x8: {  	[smem:$0x3FAB] =	sst s0  }
0x9: {  	[smem:$0x3FAC] =	sst s1  }
0xa: {  	[smem:$0x3FAD] =	sst s2  }
0xb: {  	[smem:$0x3FAE] =	sst s3  }
0xc: {  	[smem:$0x3FAF] =	sst s4  }
0xd: {  	[smem:$0x3FB0] =	sst s5  }
0xe: {  	[smem:$0x3FB1] =	sst s6  }
0xf: {  	[smem:$0x3FB2] =	sst s7  }
0x10: {  	[smem:$0x3FB3] =	sst s8  }
0x11: {  	[smem:$0x3FB4] =	sst s9;
	s0 =	simm.s32 @!p0 $0x0  }
0x12: {  	s1 =	sld [smem:$0x3F9A];
	s0 =	simm.s32 @p0 $0x1  }
0x13: {  	[smem:$0x3FB5] =	sst s0;
	s0 =	simm.s32 @!p1 $0x0  }
0x14: {  	s2 =	sld [smem:$0x3F99];
	s0 =	simm.s32 @p1 $0x1  }
0x15: {  	[smem:$0x3FB6] =	sst s0;
	s0 =	simm.s32 @!p2 $0x0  }
0x16: {  	s3 =	sld [smem:$0x3FDB];
	s0 =	simm.s32 @p2 $0x1  }
0x17: {  	s4 =	simm.s32 $0x1BF5;
	[smem:$0x3FB8] =	sst s0  }
0x18: {  	s0 =	sld [smem:$0x3F9B];
	_ =	swait.ge [sflag:s4], $0x0  }
0x19: {  	s7 =	sld [smem:$0x3F9C]  }
0x1a: {  	s8 =	sadd.s32 $0xFFFFE003, lr  }
0x1b: {  	s9 =	sadd.s32 $0xFFFFFEF7, lr;
	s5 =	simm.s32 $0xFFFFFFFF;
	p2 =	slt.u32 s8, $0xFFFFF086  }
0x1c: {  	p1 =	slt.u32 s9, $0xF7A;
	s5 =	simm.s32 @!p2 $0x0  }
0x1d: {  	s5 =	simm.s32 @p1 $0x1;
	p0 =	seq.s32 s7, s2  }
0x1e: {  	s7 =	smul.u32 @!p0 $0xF7A, s2;
	p2 =	seq.s32 @!p0 s5, $0x0  }
0x1f: {  	s9 =	smul.u32 $0xF7A, s1;
	s8 =	simm.s32 @!p0 $0x1BF5;
	p2 =	por !p2, p0  }
0x20: {  	[sflag:s8] =	ssyncset.s32 @!p0 $0xFFFFF086;
	s6 =	sadd.s32 @!p0 s3, s7;
	s7 =	simm.s32 @!p0 $0x108  }
0x21: {  	s3 =	sadd.s32 s3, s9;
	s6 =	sadd.s32 @!p0 $0x88, s6;
	s7 =	simm.s32 @p2 $0x1082  }
0x22: {  	[simem:s7], [sflag:s8] =	dma.local @!p0 [hbm:s6], $0xF7A  }
0x23: {  	s9 =	sor.u32 $0xD0000000, s2;
	s6 =	simm.s32 $0x108;
	_ =	swait.ge @!p0 [sflag:s8], $0x0  }
0x24: {  	s3 =	sadd.s32 $0x88, s3;
	s6 =	simm.s32 @!p1 $0x1082;
	[sflag:s4] =	ssyncset.s32 $0xFFFFF086  }
0x25: {  	[simem:s6], [sflag:s4] =	dma.local [hbm:s3], $0xF7A  }
0x26: {  	[smem:$0x3F9C] =	sst s1;
	(tag) =	ssettag s2;
	_ =	strace s9  }
0x27: {  	s1 =	sld [smem:$0x3FAC]  }
0x28: {  	s2 =	sld [smem:$0x3FAD]  }
0x29: {  	s4 =	sld [smem:$0x3FAF]  }
0x2a: {  	p0 =	seq.s32 s5, $0x0;
	s5 =	sld [smem:$0x3FB0]  }
0x2b: {  	s6 =	sld [smem:$0x3FB1]  }
0x2c: {  	s7 =	sld [smem:$0x3FB2]  }
0x2d: {  	s3 =	simm.s32 $0x108;
	s8 =	sld [smem:$0x3FB3]  }
0x2e: {  	s3 =	simm.s32 @!p0 $0x1082;
	s9 =	sld [smem:$0x3FB4]  }
0x2f: {  	lr =	sadd.s32 s0, s3;
	s0 =	sld [smem:$0x3FAB]  }
0x30: {  	s3 =	sld [smem:$0x3FAE]  }
0x31: {  	[smem:$0x3FB7] =	sst s10  }
0x32: {  	s10 =	sld [smem:$0x3FB5];
	_ =	sdelay $0x3  }
0x33: {  	p0 =	seq.s32 s10, $0x1;
	s10 =	sld [smem:$0x3FB7];
	_ =	sdelay $0x3  }
0x34: {  	[smem:$0x3FB7] =	sst s10  }
0x35: {  	s10 =	sld [smem:$0x3FB6];
	_ =	sdelay $0x3  }
0x36: {  	p1 =	seq.s32 s10, $0x1;
	s10 =	sld [smem:$0x3FB7];
	_ =	sdelay $0x3  }
0x37: {  	[smem:$0x3FB7] =	sst s10  }
0x38: {  	s10 =	sld [smem:$0x3FB8]  }
0x39: {  	_ = 	snop;
	(pc) =	sbr.ind lr, $3  }
0x3a: {  	_ = 	snop  }
0x3b: {  	_ = 	snop  }
0x3c: {  	p2 =	seq.s32 s10, $0x1;
	s10 =	sld [smem:$0x3FB7]  }
0x3d: {  	_ =	shalt  }
0x3e: {  	_ =	shalt  }
0x3f: {  	_ =	shalt  }
0x40: {  	_ =	shalt  }
0x41: {  	_ =	shalt  }
0x42: {  	_ =	shalt  }
0x43: {  	_ =	shalt  }
0x44: {  	_ =	shalt  }
0x45: {  	_ =	shalt  }
0x46: {  	_ =	shalt  }
0x47: {  	_ =	shalt  }
0x48: {  	_ =	shalt  }
0x49: {  	_ =	shalt  }
0x4a: {  	_ =	shalt  }
0x4b: {  	_ =	shalt  }
0x4c: {  	_ =	shalt  }
0x4d: {  	_ =	shalt  }
0x4e: {  	_ =	shalt  }
0x4f: {  	_ =	shalt  }
0x50: {  	_ =	shalt  }
0x51: {  	_ =	shalt  }
0x52: {  	_ =	shalt  }
0x53: {  	_ =	shalt  }
0x54: {  	_ =	shalt  }
0x55: {  	_ =	shalt  }
0x56: {  	_ =	shalt  }
0x57: {  	_ =	shalt  }
0x58: {  	_ =	shalt  }
0x59: {  	_ =	shalt  }
0x5a: {  	_ =	shalt  }
0x5b: {  	_ =	shalt  }
0x5c: {  	_ =	shalt  }
0x5d: {  	_ =	shalt  }
0x5e: {  	_ =	shalt  }
0x5f: {  	_ =	shalt  }
0x60: {  	_ =	shalt  }
0x61: {  	_ =	shalt  }
0x62: {  	_ =	shalt  }
0x63: {  	_ =	shalt  }
0x64: {  	_ =	shalt  }
0x65: {  	_ =	shalt  }
0x66: {  	_ =	shalt  }
0x67: {  	_ =	shalt  }
0x68: {  	_ =	shalt  }
0x69: {  	_ =	shalt  }
0x6a: {  	_ =	shalt  }
0x6b: {  	_ =	shalt  }
0x6c: {  	_ =	shalt  }
0x6d: {  	_ =	shalt  }
0x6e: {  	_ =	shalt  }
0x6f: {  	_ =	shalt  }
0x70: {  	_ =	shalt  }
0x71: {  	_ =	shalt  }
0x72: {  	_ =	shalt  }
0x73: {  	_ =	shalt  }
0x74: {  	_ =	shalt  }
0x75: {  	_ =	shalt  }
0x76: {  	_ =	shalt  }
0x77: {  	_ =	shalt  }
0x78: {  	_ =	shalt  }
0x79: {  	_ =	shalt  }
0x7a: {  	_ =	shalt  }
0x7b: {  	_ =	shalt  }
0x7c: {  	_ =	shalt  }
0x7d: {  	_ =	shalt  }
0x7e: {  	_ =	shalt  }
0x7f: {  	_ =	shalt  }
0x80: {  	_ =	shalt  }
0x81: {  	_ =	shalt  }
0x82: {  	_ =	shalt  }
0x83: {  	_ =	shalt  }
0x84: {  	_ =	shalt  }
0x85: {  	_ =	shalt  }
0x86: {  	_ =	shalt  }
0x87: {  	_ =	shalt  }
.Lfunc_end0:
.L_simem_size_0:
called_computation.1_lowered:
.L_overlay_start_0:
0x88: {  	s2 =	sld [smem:$0x3FD9]  }
0x89: {  	s3 =	sld [smem:$0x3FFE];
	_ =	sdelay $0x1  }
0x8a: {  	s1 =	srdreg.scid  }
0x8b: {  	s0 =	sand.u32 $0x1, s1  }
0x8c: {  	s14 =	sshll.u32 s0, $0xA;
	s2 =	sadd.s32 s3, s2  }
0x8d: {  	s2 =	sadd.s32 s2, s14  }
0x8e: {  	[smem:$0x3FC3] =	sst s2  }
0x8f: {  	_ = 	snop  }
0x90: {  	s2 =	sld [smem:$0x3FD0];
	_ =	sdelay $0x2  }
0x91: {  	s15 =	simm.s32 $0xA;
	s4 =	simm.s32 $0x10  }
0x92: {  	[smem:s4], [sflag:s15] =	dma.local [hbm:s2], $0x1  }
0x93: {  	_ =	swait.eq [sflag:s15], $0x1  }
0x94: {  	s16 =	sld [smem:$0x10]  }
0x95: {  	s17 =	sld [smem:$0x13]  }
0x96: {  	s5 =	sld [smem:$0x14];
	[sflag:s15] =	ssyncset.done $0x0  }
0x97: {  	s6 =	sld [smem:$0x15];
	[sflag:s15] =	ssyncadd.s32 $0xFFFFFFFF  }
0x98: {  	s18 =	sld [smem:$0x16];
	(tm) =	ssettm $0x1  }
0x99: {  	s7 =	sld [smem:$0x3FFB];
	_ =	sdelay $0x3  }
0x9a: {  	_ =	strace s7  }
0x9b: {  	s7 =	sld [smem:$0x3FFC];
	_ =	sdelay $0x3  }
0x9c: {  	_ =	strace s7  }
0x9d: {  	s7 =	sld [smem:$0x3FFD];
	_ =	sdelay $0x3  }
0x9e: {  	_ =	strace s7  }
0x9f: {  	_ =	strace $0x8FFFFFFF  }
0xa0: {  	s19 =	sld [smem:$0x3FDB];
	_ =	sdelay $0x1  }
0xa1: {  	s8 =	simm.s32 $_scs_section_size  }
0xa2: {  	s9 =	simm.s32 $_size__tile_overlayer_lowered;
	s10 =	simm.s32 $_tile_overlayer_lowered  }
0xa3: {  	s22 =	simm.s32 $0x1BFF;
	s21 =	sshll.u32 s10, $0x1;
	s7 =	sadd.s32 s8, s19  }
0xa4: {  	s11 =	simm.s32 $0x0;
	s20 =	sshll.u32 s9, $0x1;
	s9 =	sadd.s32 s21, s7  }
0xa5: {  	[timem:s11], [sflag:s22] =	dma.local [hbm:s9], s20  }
0xa6: {  	_ =	swait.ge [sflag:s22], s20  }
0xa7: {  	s8 =	ssub.s32 $0x0, s20;
	[sflag:s22] =	ssyncset.done $0x0  }
0xa8: {  	[sflag:s22] =	ssyncadd.s32 s8;
	_ =	sdelay $0x1  }
0xa9: {  	s23 =	simm.s32 $0x1B8B  }
0xaa: {  	_ =	swait.ge [sflag:s23], $0x1  }
0xab: {  	[sflag:s23] =	ssyncset.done $0x0  }
0xac: {  	s25 =	simm.s32 $0x1B8E;
	s24 =	sld [smem:$0x3FFE];
	[sflag:s23] =	ssyncadd.s32 $0xFFFFFFFF  }
0xad: {  	s26 =	simm.s32 $execute0_lowered;
	[smem:$0x3FD2] =	sst s25  }
0xae: {  	s9 =	sshll.u32 s26, $0x1;
	_ =	strace $0x80000049;
	[dreg:$0x1] =	wrdreg $0xFFFFFFFF  }
0xaf: {  	s28 =	simm.s32 $_size_execute0_lowered;
	s7 =	sadd.s32 s7, s9;
	[dreg:$0x0] =	wrdreg $0x0  }
0xb0: {  	s9 =	sshll.u32 s28, $0x1;
	[dreg:$0x2] =	wrdreg s7  }
0xb1: {  	[dreg:$0x3] =	wrdreg s9  }
0xb2: {  	[dreg:$0x4] =	wrdreg $0xC0  }
0xb3: {  	_ =	task [dreg:s11], $0x5FFFF  }
0xb4: {  	[dreg:$0x1] =	wrdreg $0xFFFFFFFF  }
0xb5: {  	[dreg:$0x0] =	wrdreg $0x60  }
0xb6: {  	[dreg:$0x2] =	wrdreg s5  }
0xb7: {  	[dreg:$0x3] =	wrdreg s6  }
0xb8: {  	[dreg:$0x4] =	wrdreg s18  }
0xb9: {  	[dreg:$0x5] =	wrdreg s17  }
0xba: {  	[dreg:$0x6] =	wrdreg s24  }
0xbb: {  	[dreg:$0x7] =	wrdreg s16  }
0xbc: {  	[dreg:$0x8] =	wrdreg $0x9  }
0xbd: {  	_ =	task.clear_ibuf [dreg:s11], $0x9FFFF;
	_ =	strace $0x90000049  }
0xbe: {  	s29 =	simm.s32 $0x9;
	_ =	strace $0x8000004B  }
0xbf: {  	_ =	swait.ge [sflag:s29], $0x1  }
0xc0: {  	[sflag:s29] =	ssyncadd.s32 $0xFFFFFFFF  }
0xc1: {  	_ =	strace $0x9000004B  }
0xc2: {  	_ =	sfence  }
0xc3: {  	s30 =	sld [smem:$0x0];
	_ =	sdelay $0x2  }
0xc4: {  	s31 =	sshll.u32 s1, $0xD;
	s1 =	sshrl.u32 s1, $0x2  }
0xc5: {  	s3 =	sand.u32 $0x4000, s31;
	s1 =	sadd.s32 s1, s30  }
0xc6: {  	s0 =	sor.u32 s3, s0;
	s1 =	sshll.u32 s1, $0x11  }
0xc7: {  	s0 =	sor.u32 s1, s0  }
0xc8: {  	s0 =	sadd.s32 $0x8F2B, s0  }
0xc9: {  	[sflag:s0] =	ssyncadd.remote.s32 $0x1  }
0xca: {  	_ =	sfence.sel $0xFFFF  }
0xcb: {  	[dreg:$0x0] =	wrdreg $0xFFFFFFFF;
	(pc) =	sbr.abs _section_cstart, $3  }
0xcc: {  	[dreg:$0x1] =	wrdreg $0xFFFFFFFF  }
0xcd: {  	_ =	task.clear_ibuf [dreg:s11], $0x2FFFF;
	_ =	strace $0x9FFFFFFF  }
0xce: {  	(tm) =	ssettm $0x7FFFFFFF  }
0xcf: {  	_ =	shalt  }
tec
execute0_lowered:
.L_overlay_start_1:
0x0: {  	(tag) =	ssettag $0x1  }
0x1: {  	s0 =	rddreg [dreg:$0x0]  }
0x2: {  	s2 =	rddreg [dreg:$0x1]  }
0x3: {  	s3 =	rddreg [dreg:$0x2]  }
0x4: {  	s6 =	rddreg [dreg:$0x3];
	s4 =	srdreg.scid  }
0x5: {  	s1 =	stileid.u32;
	s7 =	rddreg [dreg:$0x4]  }
0x6: {  	s9 =	rddreg [dreg:$0x5];
	s5 =	simm.s32 $0x0;
	s12 =	simm.s32 $0x4000  }
0x7: {  	s13 =	simm.s32 $0x6000;
	s8 =	sand.u32 $0x1, s4;
	s31 =	sshll.u32 s1, $0x1  }
0x8: {  	s14 =	simm.s32 $0x7800;
	s15 =	simm.s32 $0x9000;
	s10 =	sor.u32 s8, s31  }
0x9: {  	s4 =	rddreg [dreg:$0x6];
	s8 =	ssub.s32 $0x2, s8;
	s10 =	smul.u32 $0x300, s10  }
0xa: {  	s16 =	simm.s32 $0x0;
	[smem:$0x7FF] =	sst s5;
	s11 =	sshrl.u32 s8, $0x1  }
0xb: {  	_ =	strace $0x8000004A;
	s11 =	ssub.s32 s8, s11;
	s7 =	sadd.s32 s10, s7  }
0xc: {  	s6 =	sadd.s32 s6, s10;
	s8 =	sadd.s32 s9, s10;
	s9 =	smax.u32 s11, $0x1  }
0xd: {  	s10 =	simm.s32 $0x1;
	s11 =	simm.s32 $0x2000;
	s7 =	sadd.s32 $0x40600, s7  }
.LBB2_1:
0xe: {  	[tilespmem:s5], [sflag:$0x1] =	stream.linear.gather [hbm4b:s0+s5], $0x2000, $0x38;
	[tilespmem:$0xA800] =	vst v63  }
0xf: {  	_ =	swait.ge [sflag:s10], $0x2000  }
0x10: {  	[sflag:s10] =	ssyncset.done $0x0  }
0x11: {  	[sflag:s10] =	ssyncadd.s32 $0xFFFFE000  }
0x12: {  	[tilespmem:s11], [sflag:$0x1] =	stream.linear.gather [hbm4b:s2+s5], $0x2000, $0x38;
	[tilespmem:$0xA800] =	vst v63  }
0x13: {  	_ =	swait.ge [sflag:s10], $0x2000  }
0x14: {  	[sflag:s10] =	ssyncset.done $0x0  }
0x15: {  	[sflag:s10] =	ssyncadd.s32 $0xFFFFE000  }
0x16: {  	[tilespmem:s12], [sflag:$0x1] =	stream.linear.gather [hbm4b:s3+s5], $0x2000, $0x38;
	[tilespmem:$0xA800] =	vst v63  }
0x17: {  	_ =	swait.ge [sflag:s10], $0x2000  }
0x18: {  	[sflag:s10] =	ssyncset.done $0x0  }
0x19: {  	[sflag:s10] =	ssyncadd.s32 $0xFFFFE000  }
0x1a: {  	[tilespmem:s13], [sflag:$0x1] =	stream.linear.gather [hbm4b:s6+s5], $0x1800, $0x38;
	[tilespmem:$0xA800] =	vst v63  }
0x1b: {  	_ =	swait.ge [sflag:s10], $0x1800  }
0x1c: {  	[sflag:s10] =	ssyncset.done $0x0  }
0x1d: {  	[sflag:s10] =	ssyncadd.s32 $0xFFFFE800  }
0x1e: {  	[tilespmem:s14], [sflag:$0x1] =	stream.linear.gather [hbm4b:s7+s5], $0x1800, $0x38;
	[tilespmem:$0xA800] =	vst v63  }
0x1f: {  	_ =	swait.ge [sflag:s10], $0x1800  }
0x20: {  	[sflag:s10] =	ssyncset.done $0x0  }
0x21: {  	s17 =	simm.s32 $0x0;
	[sflag:s10] =	ssyncadd.s32 $0xFFFFE800  }
0x22: {  	v0 =	vld [tilespmem:s17+$0x7800]  }
0x23: {  	v1 =	vld [tilespmem:s17+$0x6000];
	_ =	sdelay $0x6  }
0x24: {  	v2 =	vld.idx.msk [tilespmem:v0+s5+$0x0], $0xffff  }
0x25: {  	v3 =	vld.idx.msk [tilespmem:v1+s5+$0x0], $0xffff  }
0x26: {  	v4 =	vld.idx.msk [tilespmem:v1+s11+$0x0], $0xffff  }
0x27: {  	v5 =	vld.idx.msk [tilespmem:v0+s11+$0x0], $0xffff  }
0x28: {  	v6 =	vld.idx.msk [tilespmem:v1+s12+$0x0], $0xffff  }
0x29: {  	v7 =	vld.idx.msk [tilespmem:v0+s12+$0x0], $0xffff;
	_ =	sdelay $0x2  }
0x2a: {  	s18 =	simm.s32 $0x10;
	v3 =	vsub.f32 v3, v2;
	v4 =	vsub.f32 v4, v5  }
0x2b: {  	v0 =	vld [tilespmem:s18+$0x7800]  }
0x2c: {  	v1 =	vld [tilespmem:s18+$0x6000];
	v2 =	vsub.f32 v6, v7;
	v3 =	vmul.f32 v3, v3;
	v4 =	vmul.f32 v4, v4  }
0x2d: {  	s19 =	simm.s32 $0x80  }
.LBB2_2:
0x2e: {  	p0 =	sne.s32 s19, $0x5FC0;
	v3 =	vadd.f32 v4, v3;
	v2 =	vmul.f32 v2, v2;
	_ =	sdelay $0x1  }
0x2f: {  	v2 =	vadd.f32 v2, v3;
	_ =	sdelay $0x1  }
0x30: {  	[tilespmem:s17+$0x9000] =	vst v2;
	s17 =	smov.u32 s18  }
0x31: {  	v2 =	vld.idx.msk [tilespmem:v0+s5+$0x0], $0xffff  }
0x32: {  	v3 =	vld.idx.msk [tilespmem:v1+s5+$0x0], $0xffff  }
0x33: {  	v4 =	vld.idx.msk [tilespmem:v1+s11+$0x0], $0xffff  }
0x34: {  	v5 =	vld.idx.msk [tilespmem:v0+s11+$0x0], $0xffff  }
0x35: {  	v6 =	vld.idx.msk [tilespmem:v1+s12+$0x0], $0xffff  }
0x36: {  	v7 =	vld.idx.msk [tilespmem:v0+s12+$0x0], $0xffff;
	_ =	sdelay $0x2  }
.Ltmp0:
0x37: {  	(pc) =	sbr.rel @p0 .LBB2_2-.Ltmp0, $4  }
0x38: {  	s18 =	sshra.s32 s19, $0x2;
	v3 =	vsub.f32 v3, v2;
	v4 =	vsub.f32 v4, v5  }
0x39: {  	v0 =	vld [tilespmem:s18+$0x7800]  }
0x3a: {  	v3 =	vmul.f32 v3, v3;
	v2 =	vsub.f32 v6, v7;
	v4 =	vmul.f32 v4, v4;
	v1 =	vld [tilespmem:s18+$0x6000]  }
0x3b: {  	s19 =	sadd.s32 $0x40, s19  }
0x3c: {  	_ = 	snop  }
0x3d: {  	v3 =	vadd.f32 v4, v3;
	v2 =	vmul.f32 v2, v2;
	_ =	sdelay $0x1  }
0x3e: {  	v2 =	vadd.f32 v2, v3;
	_ =	sdelay $0x1  }
0x3f: {  	[tilespmem:s17+$0x9000] =	vst v2  }
0x40: {  	v2 =	vld.idx.msk [tilespmem:v0+s5+$0x0], $0xffff  }
0x41: {  	v57 =	vld.idx.msk [tilespmem:v1+s5+$0x0], $0xffff  }
0x42: {  	v58 =	vld.idx.msk [tilespmem:v1+s11+$0x0], $0xffff  }
0x43: {  	v5 =	vld.idx.msk [tilespmem:v0+s11+$0x0], $0xffff  }
0x44: {  	v59 =	vld.idx.msk [tilespmem:v1+s12+$0x0], $0xffff  }
0x45: {  	v60 =	vld.idx.msk [tilespmem:v0+s12+$0x0], $0xffff;
	_ =	sdelay $0x2  }
0x46: {  	v2 =	vsub.f32 v57, v2;
	v61 =	vsub.f32 v58, v5;
	_ =	sdelay $0x1  }
0x47: {  	v0 =	vsub.f32 v59, v60;
	v62 =	vmul.f32 v2, v2;
	v63 =	vmul.f32 v61, v61;
	_ =	sdelay $0x1  }
0x48: {  	v0 =	vmul.f32 v0, v0;
	v1 =	vadd.f32 v63, v62;
	_ =	sdelay $0x1  }
0x49: {  	s16 =	sadd.s32 $0x1, s16;
	v0 =	vadd.f32 v0, v1  }
0x4a: {  	p0 =	sne.s32 s16, s9  }
.Ltmp1:
0x4b: {  	[tilespmem:s18+$0x9000] =	vst v0;
	(pc) =	sbr.rel @p0 .LBB2_1-.Ltmp1, $4  }
0x4c: {  	[hbm4b:s8+s5] =	stream.linear.scatter [tilespmem:s15], [sflag:$0x1], $0x1800, $0x38;
	[tilespmem:$0xA800] =	vst v63  }
0x4d: {  	_ =	swait.ge [sflag:s10], $0x1800  }
0x4e: {  	[sflag:s10] =	ssyncset.done $0x0  }
0x4f: {  	[sflag:s10] =	ssyncadd.s32 $0xFFFFE800  }
0x50: {  	_ =	sfence.sel $0x180000  }
0x51: {  	[bflag:$0x0] =	sbarrier.arrive $0xFFFF  }
0x52: {  	p0 =	sne.s32 s1, $0x0;
	_ =	strace $0x9000004A  }
0x53: {  	s0 =	sadd.s32 @!p0 $0x100000, s4;
	[bflag:$0x2] =	sbarrier.arrive $0xFFFF  }
0x54: {  	[sflag:s0] =	ssyncadd.tile.s32 @!p0 $0x1;
	_ =	shalt  }
.Lfunc_end2:
_tile_overlayer_lowered:
.L_overlay_start_2:
0x55: {  	(tag) =	ssettag $0x2  }
0x56: {  	s0 =	rddreg [dreg:$0x0];
	s2 =	stileid.u32  }
0x57: {  	s1 =	rddreg [dreg:$0x1];
	p0 =	sne.s32 s2, $0x0  }
0x58: {  	s3 =	rddreg [dreg:$0x2];
	[bflag:$0x3] =	sbarrier.arrive $0xFFFF;
	s2 =	simm.s32 @!p0 $0x1C01  }
0x59: {  	[timem:s3], [sflag:s2] =	dma.local @!p0 [hbm:s0], s1  }
0x5a: {  	s0 =	simm.s32 @!p0 $0x1  }
0x5b: {  	_ =	swait.ge @!p0 [sflag:s0], s1  }
0x5c: {  	s1 =	ssub.s32 @!p0 $0x0, s1;
	[sflag:s0] =	ssyncset.done @!p0 $0x0  }
0x5d: {  	[sflag:s0] =	ssyncadd.s32 @!p0 s1  }
0x5e: {  	[bflag:$0x3] =	sbarrier.arrive $0xFFFF  }
0x5f: {  	_ =	shalt  }

</sc_bundles>
